<compile_context>
chip_gen: v7x
topology: tpu7x:2x2x1
jax: 0.10.2.dev20260603
libtpu: 0.0.44.dev20260713+nightly
codegen_flags: <defaults>
</compile_context>

<pallas_src>
import functools

import jax
import jax.numpy as jnp
from jax import lax
from jax.experimental import pallas as pl
from jax.experimental.pallas import tpu as pltpu
from jax.experimental.pallas import tpu_sc as plsc

N = 10000
D_IN = 128
H1 = 64
H2 = 32
D_OUT = 10
G = 64

NW = 32
CHUNK = 128
CPT = 80
CPTA = 160
EP = NW * CPT * CHUNK
ND = 10240
RPT = ND // 16


def _mesh():
    return plsc.VectorSubcoreMesh(core_axis_name="c", subcore_axis_name="s",
                                  num_cores=2, num_subcores=16)


_SC_PARAMS = pltpu.CompilerParams(use_tc_tiling_on_sc=False)



def _deg_sc(dst2d, ones_hbm, zeros_hbm):

    @functools.partial(
        pl.kernel,
        out_type=jax.ShapeDtypeStruct((2, ND, 1), jnp.float32),
        mesh=_mesh(),
        compiler_params=_SC_PARAMS,
        scratch_types=[
            pltpu.VMEM((CPT, CHUNK), jnp.int32),
            pltpu.VMEM((CHUNK, 1), jnp.float32),
            pltpu.VMEM_SHARED((ND, 1), jnp.float32),
        ],
    )
    def k(dst_hbm, ones_h, zeros_h, deg_hbm, dstv, ones_v, degs):
        c = lax.axis_index("c")
        s = lax.axis_index("s")
        wid = c * 16 + s
        row0 = s * RPT
        pltpu.sync_copy(zeros_h.at[pl.ds(row0, RPT)], degs.at[pl.ds(row0, RPT)])
        pltpu.sync_copy(ones_h, ones_v)
        pltpu.sync_copy(dst_hbm.at[pl.ds(wid * CPT, CPT)], dstv)
        plsc.subcore_barrier()

        @pl.loop(0, CPT)
        def _(j):
            pltpu.sync_copy(ones_v, degs.at[dstv.at[j]], add=True)

        plsc.subcore_barrier()
        pltpu.sync_copy(degs.at[pl.ds(row0, RPT)],
                        deg_hbm.at[c, pl.ds(row0, RPT)])

    return k(dst2d, ones_hbm, zeros_hbm)


def _agg_sc(phalf, src2d, dst2d, H):
    HH = H // 2
    NPT = N // 16

    @functools.partial(
        pl.kernel,
        out_type=jax.ShapeDtypeStruct((2, ND, HH), jnp.float32),
        mesh=_mesh(),
        compiler_params=_SC_PARAMS,
        scratch_types=[
            pltpu.VMEM((CPTA, CHUNK), jnp.int32),
            pltpu.VMEM((CPTA, CHUNK), jnp.int32),
            pltpu.VMEM((4, CHUNK, HH), jnp.float32),
            pltpu.VMEM((64, HH), jnp.float32),
            pltpu.VMEM_SHARED((N, HH), jnp.float32),
            pltpu.VMEM_SHARED((ND, HH), jnp.float32),
            pltpu.SemaphoreType.DMA,
            pltpu.SemaphoreType.DMA,
        ],
    )
    def k(p_hbm, src_hbm, dst_hbm, q_hbm, srcv, dstv, rows, zbuf, ps, qs,
          sem0, sem1):
        c = lax.axis_index("c")
        s = lax.axis_index("s")
        row0 = s * RPT
        base = s * CPTA

        @pl.loop(0, 64)
        def _(i):
            @pl.loop(0, HH, step=16)
            def _(kk):
                zbuf[i, pl.ds(kk, 16)] = jnp.zeros((16,), jnp.float32)

        @pl.loop(0, RPT, step=64)
        def _(r):
            pltpu.sync_copy(zbuf, qs.at[pl.ds(row0 + r, 64)])

        pltpu.sync_copy(p_hbm.at[c, pl.ds(s * NPT, NPT)],
                        ps.at[pl.ds(s * NPT, NPT)])
        pltpu.sync_copy(src_hbm.at[pl.ds(base, CPTA)], srcv)
        pltpu.sync_copy(dst_hbm.at[pl.ds(base, CPTA)], dstv)
        plsc.subcore_barrier()

        for b in range(4):
            pltpu.async_copy(ps.at[srcv.at[b]], rows.at[b], sem0)

        def _refill(j, b):
            @pl.when(j + 4 + b < CPTA)
            def _():
                pltpu.async_copy(ps.at[srcv.at[j + 4 + b]], rows.at[b],
                                 sem0)

        @pl.loop(0, CPTA, step=4)
        def _(j):
            scats = []
            for b in range(4):
                pltpu.make_async_copy(ps.at[srcv.at[j + b]], rows.at[b],
                                      sem0).wait()
                scats.append(pltpu.async_copy(rows.at[b],
                                              qs.at[dstv.at[j + b]],
                                              sem1, add=True))
            for b in range(4):
                scats[b].wait()
                _refill(j, b)

        plsc.subcore_barrier()
        pltpu.sync_copy(qs.at[pl.ds(row0, RPT)],
                        q_hbm.at[c, pl.ds(row0, RPT)])

    return k(phalf, src2d, dst2d)



_BLK = 2000
_NBLK = N // _BLK


def _tc1(x, W1, deg_part):

    def body(x_ref, w_ref, d_ref, p_ref, dinv_ref):
        deg = d_ref[0] + d_ref[1] + 1.0
        dinv = lax.rsqrt(deg)
        h = jnp.dot(x_ref[...], w_ref[...],
                    preferred_element_type=jnp.float32)
        p = h * dinv
        p_ref[0] = p[:, :H1 // 2]
        p_ref[1] = p[:, H1 // 2:]
        dinv_ref[...] = dinv

    return pl.pallas_call(
        body,
        grid=(_NBLK,),
        in_specs=[
            pl.BlockSpec((_BLK, D_IN), lambda i: (i, 0)),
            pl.BlockSpec((D_IN, H1), lambda i: (0, 0)),
            pl.BlockSpec((2, _BLK, 1), lambda i: (0, i, 0)),
        ],
        out_specs=[
            pl.BlockSpec((2, _BLK, H1 // 2), lambda i: (0, i, 0)),
            pl.BlockSpec((_BLK, 1), lambda i: (i, 0)),
        ],
        out_shape=[
            jax.ShapeDtypeStruct((2, N, H1 // 2), jnp.float32),
            jax.ShapeDtypeStruct((N, 1), jnp.float32),
        ],
    )(x, W1, deg_part)


def _tc2(q1, p1, dinv, b1, W2):

    def body(q_ref, p_ref, d_ref, b_ref, w_ref, o_ref):
        dinv = d_ref[...]
        qp = jnp.concatenate([q_ref[0] + p_ref[0], q_ref[1] + p_ref[1]],
                             axis=1)
        z = qp * dinv + b_ref[...]
        h1 = jnp.maximum(z, 0.0)
        h2 = jnp.dot(h1, w_ref[...],
                     preferred_element_type=jnp.float32)
        p2 = h2 * dinv
        o_ref[0] = p2[:, :H2 // 2]
        o_ref[1] = p2[:, H2 // 2:]

    return pl.pallas_call(
        body,
        grid=(_NBLK,),
        in_specs=[
            pl.BlockSpec((2, _BLK, H1 // 2), lambda i: (0, i, 0)),
            pl.BlockSpec((2, _BLK, H1 // 2), lambda i: (0, i, 0)),
            pl.BlockSpec((_BLK, 1), lambda i: (i, 0)),
            pl.BlockSpec((1, H1), lambda i: (0, 0)),
            pl.BlockSpec((H1, H2), lambda i: (0, 0)),
        ],
        out_specs=pl.BlockSpec((2, _BLK, H2 // 2), lambda i: (0, i, 0)),
        out_shape=jax.ShapeDtypeStruct((2, N, H2 // 2), jnp.float32),
    )(q1, p1, dinv, b1, W2)


def _tc3(q2, p2, dinv, b2, batch2d, Wfc, bfc):

    def body(q_ref, p_ref, d_ref, b_ref, bat_ref, w_ref, bf_ref, o_ref, pooled):
        i = pl.program_id(0)

        @pl.when(i == 0)
        def _():
            pooled[...] = jnp.full((G // 4, 4 * H2), -jnp.inf, jnp.float32)

        qp = jnp.concatenate([q_ref[0] + p_ref[0], q_ref[1] + p_ref[1]],
                             axis=1)
        z = qp * d_ref[...] + b_ref[...]
        h2 = jnp.maximum(z, 0.0)
        bat = bat_ref[...]
        ht = jnp.concatenate([h2, h2, h2, h2], axis=1)
        lane_g = lax.broadcasted_iota(jnp.int32, (1, 4 * H2), 1) // H2
        parts = []
        for r in range(G // 4):
            m = bat == (4 * r + lane_g)
            cand = jnp.where(m, ht, -jnp.inf)
            parts.append(jnp.max(cand, axis=0, keepdims=True))
        blk_pool = jnp.concatenate(parts, axis=0)
        pooled[...] = jnp.maximum(pooled[...], blk_pool)

        @pl.when(i == _NBLK - 1)
        def _():
            o_ref[...] = jnp.dot(pooled[...], w_ref[...],
                                 preferred_element_type=jnp.float32) + bf_ref[...]

    return pl.pallas_call(
        body,
        grid=(_NBLK,),
        in_specs=[
            pl.BlockSpec((2, _BLK, H2 // 2), lambda i: (0, i, 0)),
            pl.BlockSpec((2, _BLK, H2 // 2), lambda i: (0, i, 0)),
            pl.BlockSpec((_BLK, 1), lambda i: (i, 0)),
            pl.BlockSpec((1, H2), lambda i: (0, 0)),
            pl.BlockSpec((_BLK, 1), lambda i: (i, 0)),
            pl.BlockSpec((4 * H2, 4 * D_OUT), lambda i: (0, 0)),
            pl.BlockSpec((1, 4 * D_OUT), lambda i: (0, 0)),
        ],
        out_specs=pl.BlockSpec((G // 4, 4 * D_OUT), lambda i: (0, 0)),
        out_shape=jax.ShapeDtypeStruct((G // 4, 4 * D_OUT), jnp.float32),
        scratch_shapes=[pltpu.VMEM((G // 4, 4 * H2), jnp.float32)],
    )(q2, p2, dinv, b2, batch2d, Wfc, bfc)



def kernel(x, edge_index, batch, W1, b1, W2, b2, Wfc, bfc):
    x = x.astype(jnp.float32)
    src = edge_index[0].astype(jnp.int32)
    dst = edge_index[1].astype(jnp.int32)
    e = src.shape[0]
    pad = EP - e
    src2d = jnp.concatenate(
        [src, jnp.zeros((pad,), jnp.int32)]).reshape(EP // CHUNK, CHUNK)
    dst2d = jnp.concatenate(
        [dst, jnp.full((pad,), N, jnp.int32)]).reshape(EP // CHUNK, CHUNK)
    batch2d = batch.astype(jnp.int32).reshape(N, 1)

    ones16 = jnp.ones((CHUNK, 1), jnp.float32)
    zeros16 = jnp.zeros((ND, 1), jnp.float32)

    deg_part = _deg_sc(dst2d, ones16, zeros16)
    p1, dinv = _tc1(x, W1, deg_part)
    q1 = _agg_sc(p1, src2d, dst2d, H1)
    p2 = _tc2(q1, p1, dinv, b1.reshape(1, H1), W2)
    q2 = _agg_sc(p2, src2d, dst2d, H2)
    wblk = jnp.zeros((4 * H2, 4 * D_OUT), jnp.float32)
    for kk in range(4):
        wblk = wblk.at[kk * H2:(kk + 1) * H2,
                       kk * D_OUT:(kk + 1) * D_OUT].set(Wfc)
    bfb = jnp.tile(bfc.reshape(1, D_OUT), (1, 4))
    out4 = _tc3(q2, p2, dinv, b2.reshape(1, H2), batch2d, wblk, bfb)
    return out4.reshape(G, D_OUT)

# --- scband reference (transcript-rebuilt; emitter-appended) ---
"""Pipeline reference for scband-gcn-57071525429601 (READ-ONLY COPY).

The authoritative reference and input builder live on the scoring server;
editing this copy changes nothing except your own understanding.
"""

import jax, jax.numpy as jnp
import numpy as np

N = 10000
E = 320000
D_IN = 128
H1 = 64
H2 = 32
D_OUT = 10
NUM_GRAPHS = 64


def gcn_conv(x, edge_index, W, b):
    # GCNConv: add self-loops, symmetric normalization, then aggregate.
    n = x.shape[0]
    src = edge_index[0]
    dst = edge_index[1]
    loop = jnp.arange(n, dtype=src.dtype)
    src2 = jnp.concatenate([src, loop])
    dst2 = jnp.concatenate([dst, loop])
    deg = jnp.zeros((n,), dtype=x.dtype).at[dst2].add(1.0)
    dinv = jnp.where(deg > 0, deg ** -0.5, 0.0)
    norm = dinv[src2] * dinv[dst2]
    h = x @ W
    msg = h[src2] * norm[:, None]
    out = jnp.zeros((n, h.shape[1]), dtype=h.dtype).at[dst2].add(msg)
    return out + b


def setup_inputs(seed: int = 0):
    key = jax.random.key(seed)
    ks = jax.random.split(key, 10)
    x = jax.random.normal(ks[0], (N, D_IN), dtype=jnp.float32)
    edge_index = jax.random.randint(ks[1], (2, E), 0, N)
    batch = jnp.sort(jax.random.randint(ks[2], (N,), 0, NUM_GRAPHS))
    W1 = jax.random.normal(ks[3], (D_IN, H1), dtype=jnp.float32) * (1.0 / np.sqrt(D_IN))
    b1 = jnp.zeros((H1,), dtype=jnp.float32)
    W2 = jax.random.normal(ks[4], (H1, H2), dtype=jnp.float32) * (1.0 / np.sqrt(H1))
    b2 = jnp.zeros((H2,), dtype=jnp.float32)
    Wfc = jax.random.normal(ks[5], (H2, D_OUT), dtype=jnp.float32) * (1.0 / np.sqrt(H2))
    bfc = jnp.zeros((D_OUT,), dtype=jnp.float32)
    return {"x": x, "edge_index": edge_index, "batch": batch,
            "W1": W1, "b1": b1, "W2": W2, "b2": b2, "Wfc": Wfc, "bfc": bfc}


def reference(x, edge_index, batch, W1, b1, W2, b2, Wfc, bfc):
    # Layer 1: GCNConv + ReLU
    h = jax.nn.relu(gcn_conv(x, edge_index, W1, b1))
    # Layer 2: GCNConv + ReLU
    h = jax.nn.relu(gcn_conv(h, edge_index, W2, b2))
    # global_max_pool over graphs in the batch
    pooled = jax.ops.segment_max(h, batch, num_segments=NUM_GRAPHS)
    # fc head (Dropout is identity in eval mode) + Linear
    out = pooled @ Wfc + bfc
    return out

if __name__ == "__main__":
    import jax
    _d = setup_inputs()
    print(jax.jit(kernel)(*tuple(_d.values())))

</pallas_src>

<mosaic_0001>
#map = affine_map<(d0, d1) -> (0, 0, 0)>
#map1 = affine_map<(d0, d1) -> (0, 0)>
module attributes {stable_mosaic.version = 14 : i64} {
  func.func @k(%arg0: i32, %arg1: i32, %arg2: memref<2x10000x32xf32, #tpu.memory_space<hbm>>, %arg3: memref<2560x128xi32, #tpu.memory_space<hbm>>, %arg4: memref<2560x128xi32, #tpu.memory_space<hbm>>, %arg5: memref<2x10240x32xf32, #tpu.memory_space<hbm>>, %arg6: memref<160x128xi32, #tpu.memory_space<vmem>>, %arg7: memref<160x128xi32, #tpu.memory_space<vmem>>, %arg8: memref<4x128x32xf32, #tpu.memory_space<vmem>>, %arg9: memref<64x32xf32, #tpu.memory_space<vmem>>, %arg10: memref<10000x32xf32, #tpu.memory_space<vmem_shared>>, %arg11: memref<10240x32xf32, #tpu.memory_space<vmem_shared>>, %arg12: memref<!tpu.dma_semaphore, #tpu.memory_space<semaphore_mem>>, %arg13: memref<!tpu.dma_semaphore, #tpu.memory_space<semaphore_mem>>) attributes {dimension_semantics = [#tpu.dimension_semantics<core_parallel>, #tpu.dimension_semantics<subcore_parallel>], iteration_bounds = array<i64: 2, 16>, scalar_prefetch = 0 : i64, scratch_operands = 8 : i64, tpu.core_type = #tpu.core_type<sc_vector_subcore>, window_params = [{transform_indices = #map}, {transform_indices = #map1}, {transform_indices = #map1}, {transform_indices = #map}]} {
    %mul3A = arith.constant 640 : i32
    %mul3A_0 = arith.muli %arg1, %mul3A : i32
    %mul3A_1 = arith.constant 160 : i32
    %mul3A_2 = arith.muli %arg1, %mul3A_1 : i32
    %scan3A = arith.constant 0 : i32
    %scan3A_3 = arith.constant 64 : i32
    %scan3A_4 = arith.addi %scan3A, %scan3A_3 : i32
    %scan3A_5 = arith.constant 1 : i32
    scf.for %scan3A_69 = %scan3A to %scan3A_4 step %scan3A_5  : i32 {
      %mul3A_70 = arith.constant 1 : i32
      %mul3A_71 = arith.muli %scan3A_69, %mul3A_70 : i32
      %add3A = arith.constant 0 : i32
      %add3A_72 = arith.addi %add3A, %mul3A_71 : i32
      %scan3A_73 = arith.constant 0 : i32
      %scan3A_74 = arith.constant 2 : i32
      %scan3A_75 = arith.addi %scan3A_73, %scan3A_74 : i32
      %scan3A_76 = arith.constant 1 : i32
      scf.for %scan3A_78 = %scan3A_73 to %scan3A_75 step %scan3A_76  : i32 {
        %mul3A_79 = arith.constant 16 : i32
        %mul3A_80 = arith.muli %scan3A_78, %mul3A_79 : i32
        %add3A_81 = arith.constant 0 : i32
        %add3A_82 = arith.addi %add3A_81, %mul3A_80 : i32
        %broadcast_in_dim3A = arith.constant 0.000000e+00 : f32
        %broadcast_in_dim3A_83 = vector.broadcast %broadcast_in_dim3A : f32 to vector<16xf32>
        %swap3A = arith.index_cast %add3A_72 : i32 to index
        %swap3A_84 = arith.index_cast %add3A_82 : i32 to index
        %swap3A_85 = tpu.vector_load %arg9[%swap3A, %swap3A_84] {strides = array<i32>} : memref<64x32xf32, #tpu.memory_space<vmem>>, vector<1x16xf32>,
        %swap3A_86 = vector.shape_cast %swap3A_85 : vector<1x16xf32> to vector<16xf32>
        %swap3A_87 = vector.shape_cast %broadcast_in_dim3A_83 : vector<16xf32> to vector<1x16xf32>
        tpu.vector_store %arg9[%swap3A, %swap3A_84], %swap3A_87 {strides = array<i32>} : memref<64x32xf32, #tpu.memory_space<vmem>>, vector<1x16xf32>,
      }
      %scan3A_77 = arith.constant 2 : i32
    }
    %scan3A_6 = arith.constant 64 : i32
    %scan3A_7 = arith.constant 0 : i32
    %scan3A_8 = arith.constant 10 : i32
    %scan3A_9 = arith.addi %scan3A_7, %scan3A_8 : i32
    %scan3A_10 = arith.constant 1 : i32
    scf.for %scan3A_69 = %scan3A_7 to %scan3A_9 step %scan3A_10  : i32 {
      %mul3A_70 = arith.constant 64 : i32
      %mul3A_71 = arith.muli %scan3A_69, %mul3A_70 : i32
      %add3A = arith.constant 0 : i32
      %add3A_72 = arith.addi %add3A, %mul3A_71 : i32
      %add3A_73 = arith.addi %mul3A_0, %add3A_72 : i32
      "tpu.region"() ({
        %run_scoped3A = tpu.sem_alloc : memref<!tpu.dma_semaphore, #tpu.memory_space<semaphore_mem>>
        %dma_start3A_74 = arith.constant 0 : i32
        %dma_start3A_75 = tpu.memref_slice %arg11[%add3A_73, %dma_start3A_74] : memref<10240x32xf32, #tpu.memory_space<vmem_shared>> -> memref<64x32xf32, #tpu.memory_space<vmem_shared>>
        %dma_start3A_76 = arith.constant 0 : i32
        %dma_start3A_77 = tpu.memref_slice %arg11[%add3A_73, %dma_start3A_76] : memref<10240x32xf32, #tpu.memory_space<vmem_shared>> -> memref<64x32xf32, #tpu.memory_space<vmem_shared>>
        tpu.enqueue_dma source(%arg9 : memref<64x32xf32, #tpu.memory_space<vmem>>) target(%dma_start3A_77 : memref<64x32xf32, #tpu.memory_space<vmem_shared>>) target_semaphore(%run_scoped3A : memref<!tpu.dma_semaphore, #tpu.memory_space<semaphore_mem>>)
        %dma_wait3A = arith.constant 0 : i32
        %dma_wait3A_78 = tpu.memref_slice %arg11[%add3A_73, %dma_wait3A] : memref<10240x32xf32, #tpu.memory_space<vmem_shared>> -> memref<64x32xf32, #tpu.memory_space<vmem_shared>>
        %dma_wait3A_79 = arith.constant 0 : i32
        %dma_wait3A_80 = tpu.memref_slice %arg11[%add3A_73, %dma_wait3A_79] : memref<10240x32xf32, #tpu.memory_space<vmem_shared>> -> memref<64x32xf32, #tpu.memory_space<vmem_shared>>
        tpu.wait_dma2 semaphore(%run_scoped3A : memref<!tpu.dma_semaphore, #tpu.memory_space<semaphore_mem>>) src(%arg9 : memref<64x32xf32, #tpu.memory_space<vmem>>) dst(%dma_wait3A_80 : memref<64x32xf32, #tpu.memory_space<vmem_shared>>)
        tpu.yield
      }) : () -> ()
    }
    %scan3A_11 = arith.constant 10 : i32
    %mul3A_12 = arith.constant 625 : i32
    %mul3A_13 = arith.muli %arg1, %mul3A_12 : i32
    %mul3A_14 = arith.constant 625 : i32
    %mul3A_15 = arith.muli %arg1, %mul3A_14 : i32
    "tpu.region"() ({
      %run_scoped3A = tpu.sem_alloc : memref<!tpu.dma_semaphore, #tpu.memory_space<semaphore_mem>>
      %dma_start3A_69 = arith.constant 0 : i32
      %dma_start3A_70 = tpu.memref_slice %arg10[%mul3A_15, %dma_start3A_69] : memref<10000x32xf32, #tpu.memory_space<vmem_shared>> -> memref<625x32xf32, #tpu.memory_space<vmem_shared>>
      %dma_start3A_71 = arith.constant 0 : i32
      %dma_start3A_72 = tpu.memref_slice %arg2[%arg0, %mul3A_13, %dma_start3A_71] : memref<2x10000x32xf32, #tpu.memory_space<hbm>> -> memref<1x625x32xf32, #tpu.memory_space<hbm>>
      %dma_start3A_73 = tpu.memref_squeeze %dma_start3A_72 : memref<1x625x32xf32, #tpu.memory_space<hbm>> -> memref<625x32xf32, #tpu.memory_space<hbm>>
      tpu.enqueue_dma source(%dma_start3A_73 : memref<625x32xf32, #tpu.memory_space<hbm>>) target(%dma_start3A_70 : memref<625x32xf32, #tpu.memory_space<vmem_shared>>) target_semaphore(%run_scoped3A : memref<!tpu.dma_semaphore, #tpu.memory_space<semaphore_mem>>)
      %dma_wait3A = arith.constant 0 : i32
      %dma_wait3A_74 = tpu.memref_slice %arg10[%mul3A_15, %dma_wait3A] : memref<10000x32xf32, #tpu.memory_space<vmem_shared>> -> memref<625x32xf32, #tpu.memory_space<vmem_shared>>
      %dma_wait3A_75 = arith.constant 0 : i32
      %dma_wait3A_76 = tpu.memref_slice %arg2[%arg0, %mul3A_13, %dma_wait3A_75] : memref<2x10000x32xf32, #tpu.memory_space<hbm>> -> memref<1x625x32xf32, #tpu.memory_space<hbm>>
      %dma_wait3A_77 = tpu.memref_squeeze %dma_wait3A_76 : memref<1x625x32xf32, #tpu.memory_space<hbm>> -> memref<625x32xf32, #tpu.memory_space<hbm>>
      tpu.wait_dma2 semaphore(%run_scoped3A : memref<!tpu.dma_semaphore, #tpu.memory_space<semaphore_mem>>) src(%dma_wait3A_77 : memref<625x32xf32, #tpu.memory_space<hbm>>) dst(%dma_wait3A_74 : memref<625x32xf32, #tpu.memory_space<vmem_shared>>)
      tpu.yield
    }) : () -> ()
    "tpu.region"() ({
      %run_scoped3A = tpu.sem_alloc : memref<!tpu.dma_semaphore, #tpu.memory_space<semaphore_mem>>
      %dma_start3A_69 = arith.constant 0 : i32
      %dma_start3A_70 = tpu.memref_slice %arg3[%mul3A_2, %dma_start3A_69] : memref<2560x128xi32, #tpu.memory_space<hbm>> -> memref<160x128xi32, #tpu.memory_space<hbm>>
      %dma_start3A_71 = arith.constant 0 : i32
      %dma_start3A_72 = tpu.memref_slice %arg3[%mul3A_2, %dma_start3A_71] : memref<2560x128xi32, #tpu.memory_space<hbm>> -> memref<160x128xi32, #tpu.memory_space<hbm>>
      tpu.enqueue_dma source(%dma_start3A_72 : memref<160x128xi32, #tpu.memory_space<hbm>>) target(%arg6 : memref<160x128xi32, #tpu.memory_space<vmem>>) target_semaphore(%run_scoped3A : memref<!tpu.dma_semaphore, #tpu.memory_space<semaphore_mem>>)
      %dma_wait3A = arith.constant 0 : i32
      %dma_wait3A_73 = tpu.memref_slice %arg3[%mul3A_2, %dma_wait3A] : memref<2560x128xi32, #tpu.memory_space<hbm>> -> memref<160x128xi32, #tpu.memory_space<hbm>>
      %dma_wait3A_74 = arith.constant 0 : i32
      %dma_wait3A_75 = tpu.memref_slice %arg3[%mul3A_2, %dma_wait3A_74] : memref<2560x128xi32, #tpu.memory_space<hbm>> -> memref<160x128xi32, #tpu.memory_space<hbm>>
      tpu.wait_dma2 semaphore(%run_scoped3A : memref<!tpu.dma_semaphore, #tpu.memory_space<semaphore_mem>>) src(%dma_wait3A_75 : memref<160x128xi32, #tpu.memory_space<hbm>>) dst(%arg6 : memref<160x128xi32, #tpu.memory_space<vmem>>)
      tpu.yield
    }) : () -> ()
    "tpu.region"() ({
      %run_scoped3A = tpu.sem_alloc : memref<!tpu.dma_semaphore, #tpu.memory_space<semaphore_mem>>
      %dma_start3A_69 = arith.constant 0 : i32
      %dma_start3A_70 = tpu.memref_slice %arg4[%mul3A_2, %dma_start3A_69] : memref<2560x128xi32, #tpu.memory_space<hbm>> -> memref<160x128xi32, #tpu.memory_space<hbm>>
      %dma_start3A_71 = arith.constant 0 : i32
      %dma_start3A_72 = tpu.memref_slice %arg4[%mul3A_2, %dma_start3A_71] : memref<2560x128xi32, #tpu.memory_space<hbm>> -> memref<160x128xi32, #tpu.memory_space<hbm>>
      tpu.enqueue_dma source(%dma_start3A_72 : memref<160x128xi32, #tpu.memory_space<hbm>>) target(%arg7 : memref<160x128xi32, #tpu.memory_space<vmem>>) target_semaphore(%run_scoped3A : memref<!tpu.dma_semaphore, #tpu.memory_space<semaphore_mem>>)
      %dma_wait3A = arith.constant 0 : i32
      %dma_wait3A_73 = tpu.memref_slice %arg4[%mul3A_2, %dma_wait3A] : memref<2560x128xi32, #tpu.memory_space<hbm>> -> memref<160x128xi32, #tpu.memory_space<hbm>>
      %dma_wait3A_74 = arith.constant 0 : i32
      %dma_wait3A_75 = tpu.memref_slice %arg4[%mul3A_2, %dma_wait3A_74] : memref<2560x128xi32, #tpu.memory_space<hbm>> -> memref<160x128xi32, #tpu.memory_space<hbm>>
      tpu.wait_dma2 semaphore(%run_scoped3A : memref<!tpu.dma_semaphore, #tpu.memory_space<semaphore_mem>>) src(%dma_wait3A_75 : memref<160x128xi32, #tpu.memory_space<hbm>>) dst(%arg7 : memref<160x128xi32, #tpu.memory_space<vmem>>)
      tpu.yield
    }) : () -> ()
    %barrier3A = arith.constant 0 : index
    tpu.barrier barrier_id(%barrier3A)
    %dma_start3A = arith.constant 0 : i32
    %dma_start3A_16 = arith.constant 0 : i32
    %dma_start3A_17 = arith.constant 0 : i32
    %dma_start3A_18 = arith.constant 0 : i32
    %dma_start3A_19 = tpu.memref_slice %arg8[%dma_start3A_16, %dma_start3A_17, %dma_start3A_18] : memref<4x128x32xf32, #tpu.memory_space<vmem>> -> memref<1x128x32xf32, #tpu.memory_space<vmem>>
    %dma_start3A_20 = tpu.memref_squeeze %dma_start3A_19 : memref<1x128x32xf32, #tpu.memory_space<vmem>> -> memref<128x32xf32, #tpu.memory_space<vmem>>
    %dma_start3A_21 = arith.constant 0 : i32
    %dma_start3A_22 = tpu.memref_slice %arg6[%dma_start3A, %dma_start3A_21] : memref<160x128xi32, #tpu.memory_space<vmem>> -> memref<1x128xi32, #tpu.memory_space<vmem>>
    %dma_start3A_23 = tpu.memref_squeeze %dma_start3A_22 : memref<1x128xi32, #tpu.memory_space<vmem>> -> memref<128xi32, #tpu.memory_space<vmem>>
    %dma_start3A_24 = arith.constant 0 : i32
    %dma_start3A_25 = arith.constant 0 : i32
    %dma_start3A_26 = tpu.memref_slice %arg10[%dma_start3A_24, %dma_start3A_25] : memref<10000x32xf32, #tpu.memory_space<vmem_shared>> -> memref<10000x32xf32, #tpu.memory_space<vmem_shared>>
    tpu.enqueue_indirect_dma source(%dma_start3A_26 : memref<10000x32xf32, #tpu.memory_space<vmem_shared>>) target(%dma_start3A_20 : memref<128x32xf32, #tpu.memory_space<vmem>>) offsets(%dma_start3A_23 : memref<128xi32, #tpu.memory_space<vmem>>) semaphore(%arg12 : memref<!tpu.dma_semaphore, #tpu.memory_space<semaphore_mem>>)
    %dma_start3A_27 = arith.constant 1 : i32
    %dma_start3A_28 = arith.constant 1 : i32
    %dma_start3A_29 = arith.constant 0 : i32
    %dma_start3A_30 = arith.constant 0 : i32
    %dma_start3A_31 = tpu.memref_slice %arg8[%dma_start3A_28, %dma_start3A_29, %dma_start3A_30] : memref<4x128x32xf32, #tpu.memory_space<vmem>> -> memref<1x128x32xf32, #tpu.memory_space<vmem>>
    %dma_start3A_32 = tpu.memref_squeeze %dma_start3A_31 : memref<1x128x32xf32, #tpu.memory_space<vmem>> -> memref<128x32xf32, #tpu.memory_space<vmem>>
    %dma_start3A_33 = arith.constant 0 : i32
    %dma_start3A_34 = tpu.memref_slice %arg6[%dma_start3A_27, %dma_start3A_33] : memref<160x128xi32, #tpu.memory_space<vmem>> -> memref<1x128xi32, #tpu.memory_space<vmem>>
    %dma_start3A_35 = tpu.memref_squeeze %dma_start3A_34 : memref<1x128xi32, #tpu.memory_space<vmem>> -> memref<128xi32, #tpu.memory_space<vmem>>
    %dma_start3A_36 = arith.constant 0 : i32
    %dma_start3A_37 = arith.constant 0 : i32
    %dma_start3A_38 = tpu.memref_slice %arg10[%dma_start3A_36, %dma_start3A_37] : memref<10000x32xf32, #tpu.memory_space<vmem_shared>> -> memref<10000x32xf32, #tpu.memory_space<vmem_shared>>
    tpu.enqueue_indirect_dma source(%dma_start3A_38 : memref<10000x32xf32, #tpu.memory_space<vmem_shared>>) target(%dma_start3A_32 : memref<128x32xf32, #tpu.memory_space<vmem>>) offsets(%dma_start3A_35 : memref<128xi32, #tpu.memory_space<vmem>>) semaphore(%arg12 : memref<!tpu.dma_semaphore, #tpu.memory_space<semaphore_mem>>)
    %dma_start3A_39 = arith.constant 2 : i32
    %dma_start3A_40 = arith.constant 2 : i32
    %dma_start3A_41 = arith.constant 0 : i32
    %dma_start3A_42 = arith.constant 0 : i32
    %dma_start3A_43 = tpu.memref_slice %arg8[%dma_start3A_40, %dma_start3A_41, %dma_start3A_42] : memref<4x128x32xf32, #tpu.memory_space<vmem>> -> memref<1x128x32xf32, #tpu.memory_space<vmem>>
    %dma_start3A_44 = tpu.memref_squeeze %dma_start3A_43 : memref<1x128x32xf32, #tpu.memory_space<vmem>> -> memref<128x32xf32, #tpu.memory_space<vmem>>
    %dma_start3A_45 = arith.constant 0 : i32
    %dma_start3A_46 = tpu.memref_slice %arg6[%dma_start3A_39, %dma_start3A_45] : memref<160x128xi32, #tpu.memory_space<vmem>> -> memref<1x128xi32, #tpu.memory_space<vmem>>
    %dma_start3A_47 = tpu.memref_squeeze %dma_start3A_46 : memref<1x128xi32, #tpu.memory_space<vmem>> -> memref<128xi32, #tpu.memory_space<vmem>>
    %dma_start3A_48 = arith.constant 0 : i32
    %dma_start3A_49 = arith.constant 0 : i32
    %dma_start3A_50 = tpu.memref_slice %arg10[%dma_start3A_48, %dma_start3A_49] : memref<10000x32xf32, #tpu.memory_space<vmem_shared>> -> memref<10000x32xf32, #tpu.memory_space<vmem_shared>>
    tpu.enqueue_indirect_dma source(%dma_start3A_50 : memref<10000x32xf32, #tpu.memory_space<vmem_shared>>) target(%dma_start3A_44 : memref<128x32xf32, #tpu.memory_space<vmem>>) offsets(%dma_start3A_47 : memref<128xi32, #tpu.memory_space<vmem>>) semaphore(%arg12 : memref<!tpu.dma_semaphore, #tpu.memory_space<semaphore_mem>>)
    %dma_start3A_51 = arith.constant 3 : i32
    %dma_start3A_52 = arith.constant 3 : i32
    %dma_start3A_53 = arith.constant 0 : i32
    %dma_start3A_54 = arith.constant 0 : i32
    %dma_start3A_55 = tpu.memref_slice %arg8[%dma_start3A_52, %dma_start3A_53, %dma_start3A_54] : memref<4x128x32xf32, #tpu.memory_space<vmem>> -> memref<1x128x32xf32, #tpu.memory_space<vmem>>
    %dma_start3A_56 = tpu.memref_squeeze %dma_start3A_55 : memref<1x128x32xf32, #tpu.memory_space<vmem>> -> memref<128x32xf32, #tpu.memory_space<vmem>>
    %dma_start3A_57 = arith.constant 0 : i32
    %dma_start3A_58 = tpu.memref_slice %arg6[%dma_start3A_51, %dma_start3A_57] : memref<160x128xi32, #tpu.memory_space<vmem>> -> memref<1x128xi32, #tpu.memory_space<vmem>>
    %dma_start3A_59 = tpu.memref_squeeze %dma_start3A_58 : memref<1x128xi32, #tpu.memory_space<vmem>> -> memref<128xi32, #tpu.memory_space<vmem>>
    %dma_start3A_60 = arith.constant 0 : i32
    %dma_start3A_61 = arith.constant 0 : i32
    %dma_start3A_62 = tpu.memref_slice %arg10[%dma_start3A_60, %dma_start3A_61] : memref<10000x32xf32, #tpu.memory_space<vmem_shared>> -> memref<10000x32xf32, #tpu.memory_space<vmem_shared>>
    tpu.enqueue_indirect_dma source(%dma_start3A_62 : memref<10000x32xf32, #tpu.memory_space<vmem_shared>>) target(%dma_start3A_56 : memref<128x32xf32, #tpu.memory_space<vmem>>) offsets(%dma_start3A_59 : memref<128xi32, #tpu.memory_space<vmem>>) semaphore(%arg12 : memref<!tpu.dma_semaphore, #tpu.memory_space<semaphore_mem>>)
    %scan3A_63 = arith.constant 0 : i32
    %scan3A_64 = arith.constant 40 : i32
    %scan3A_65 = arith.addi %scan3A_63, %scan3A_64 : i32
    %scan3A_66 = arith.constant 1 : i32
    scf.for %scan3A_69 = %scan3A_63 to %scan3A_65 step %scan3A_66  : i32 {
      %mul3A_70 = arith.constant 4 : i32
      %mul3A_71 = arith.muli %scan3A_69, %mul3A_70 : i32
      %add3A = arith.constant 0 : i32
      %add3A_72 = arith.addi %add3A, %mul3A_71 : i32
      %add3A_73 = arith.constant 0 : i32
      %add3A_74 = arith.addi %add3A_72, %add3A_73 : i32
      %dma_wait3A = arith.constant 0 : i32
      %dma_wait3A_75 = arith.constant 0 : i32
      %dma_wait3A_76 = arith.constant 0 : i32
      %dma_wait3A_77 = tpu.memref_slice %arg8[%dma_wait3A, %dma_wait3A_75, %dma_wait3A_76] : memref<4x128x32xf32, #tpu.memory_space<vmem>> -> memref<1x128x32xf32, #tpu.memory_space<vmem>>
      %dma_wait3A_78 = tpu.memref_squeeze %dma_wait3A_77 : memref<1x128x32xf32, #tpu.memory_space<vmem>> -> memref<128x32xf32, #tpu.memory_space<vmem>>
      %dma_wait3A_79 = arith.constant 0 : i32
      %dma_wait3A_80 = tpu.memref_slice %arg6[%add3A_74, %dma_wait3A_79] : memref<160x128xi32, #tpu.memory_space<vmem>> -> memref<1x128xi32, #tpu.memory_space<vmem>>
      %dma_wait3A_81 = tpu.memref_squeeze %dma_wait3A_80 : memref<1x128xi32, #tpu.memory_space<vmem>> -> memref<128xi32, #tpu.memory_space<vmem>>
      %dma_wait3A_82 = arith.constant 0 : i32
      %dma_wait3A_83 = arith.constant 0 : i32
      %dma_wait3A_84 = tpu.memref_slice %arg10[%dma_wait3A_82, %dma_wait3A_83] : memref<10000x32xf32, #tpu.memory_space<vmem_shared>> -> memref<10000x32xf32, #tpu.memory_space<vmem_shared>>
      tpu.wait_indirect_dma semaphore(%arg12 : memref<!tpu.dma_semaphore, #tpu.memory_space<semaphore_mem>>) src(%dma_wait3A_84 : memref<10000x32xf32, #tpu.memory_space<vmem_shared>>) dst(%dma_wait3A_78 : memref<128x32xf32, #tpu.memory_space<vmem>>)
      %add3A_85 = arith.constant 0 : i32
      %add3A_86 = arith.addi %add3A_72, %add3A_85 : i32
      %dma_start3A_87 = arith.constant 0 : i32
      %dma_start3A_88 = arith.constant 0 : i32
      %dma_start3A_89 = arith.constant 0 : i32
      %dma_start3A_90 = tpu.memref_slice %arg8[%dma_start3A_87, %dma_start3A_88, %dma_start3A_89] : memref<4x128x32xf32, #tpu.memory_space<vmem>> -> memref<1x128x32xf32, #tpu.memory_space<vmem>>
      %dma_start3A_91 = tpu.memref_squeeze %dma_start3A_90 : memref<1x128x32xf32, #tpu.memory_space<vmem>> -> memref<128x32xf32, #tpu.memory_space<vmem>>
      %dma_start3A_92 = arith.constant 0 : i32
      %dma_start3A_93 = tpu.memref_slice %arg7[%add3A_86, %dma_start3A_92] : memref<160x128xi32, #tpu.memory_space<vmem>> -> memref<1x128xi32, #tpu.memory_space<vmem>>
      %dma_start3A_94 = tpu.memref_squeeze %dma_start3A_93 : memref<1x128xi32, #tpu.memory_space<vmem>> -> memref<128xi32, #tpu.memory_space<vmem>>
      %dma_start3A_95 = arith.constant 0 : i32
      %dma_start3A_96 = arith.constant 0 : i32
      %dma_start3A_97 = tpu.memref_slice %arg11[%dma_start3A_95, %dma_start3A_96] : memref<10240x32xf32, #tpu.memory_space<vmem_shared>> -> memref<10240x32xf32, #tpu.memory_space<vmem_shared>>
      tpu.enqueue_indirect_dma source(%dma_start3A_91 : memref<128x32xf32, #tpu.memory_space<vmem>>) target(%dma_start3A_97 : memref<10240x32xf32, #tpu.memory_space<vmem_shared>>) offsets(%dma_start3A_94 : memref<128xi32, #tpu.memory_space<vmem>>) semaphore(%arg13 : memref<!tpu.dma_semaphore, #tpu.memory_space<semaphore_mem>>) {add = true}
      %add3A_98 = arith.constant 1 : i32
      %add3A_99 = arith.addi %add3A_72, %add3A_98 : i32
      %dma_wait3A_100 = arith.constant 1 : i32
      %dma_wait3A_101 = arith.constant 0 : i32
      %dma_wait3A_102 = arith.constant 0 : i32
      %dma_wait3A_103 = tpu.memref_slice %arg8[%dma_wait3A_100, %dma_wait3A_101, %dma_wait3A_102] : memref<4x128x32xf32, #tpu.memory_space<vmem>> -> memref<1x128x32xf32, #tpu.memory_space<vmem>>
      %dma_wait3A_104 = tpu.memref_squeeze %dma_wait3A_103 : memref<1x128x32xf32, #tpu.memory_space<vmem>> -> memref<128x32xf32, #tpu.memory_space<vmem>>
      %dma_wait3A_105 = arith.constant 0 : i32
      %dma_wait3A_106 = tpu.memref_slice %arg6[%add3A_99, %dma_wait3A_105] : memref<160x128xi32, #tpu.memory_space<vmem>> -> memref<1x128xi32, #tpu.memory_space<vmem>>
      %dma_wait3A_107 = tpu.memref_squeeze %dma_wait3A_106 : memref<1x128xi32, #tpu.memory_space<vmem>> -> memref<128xi32, #tpu.memory_space<vmem>>
      %dma_wait3A_108 = arith.constant 0 : i32
      %dma_wait3A_109 = arith.constant 0 : i32
      %dma_wait3A_110 = tpu.memref_slice %arg10[%dma_wait3A_108, %dma_wait3A_109] : memref<10000x32xf32, #tpu.memory_space<vmem_shared>> -> memref<10000x32xf32, #tpu.memory_space<vmem_shared>>
      tpu.wait_indirect_dma semaphore(%arg12 : memref<!tpu.dma_semaphore, #tpu.memory_space<semaphore_mem>>) src(%dma_wait3A_110 : memref<10000x32xf32, #tpu.memory_space<vmem_shared>>) dst(%dma_wait3A_104 : memref<128x32xf32, #tpu.memory_space<vmem>>)
      %add3A_111 = arith.constant 1 : i32
      %add3A_112 = arith.addi %add3A_72, %add3A_111 : i32
      %dma_start3A_113 = arith.constant 1 : i32
      %dma_start3A_114 = arith.constant 0 : i32
      %dma_start3A_115 = arith.constant 0 : i32
      %dma_start3A_116 = tpu.memref_slice %arg8[%dma_start3A_113, %dma_start3A_114, %dma_start3A_115] : memref<4x128x32xf32, #tpu.memory_space<vmem>> -> memref<1x128x32xf32, #tpu.memory_space<vmem>>
      %dma_start3A_117 = tpu.memref_squeeze %dma_start3A_116 : memref<1x128x32xf32, #tpu.memory_space<vmem>> -> memref<128x32xf32, #tpu.memory_space<vmem>>
      %dma_start3A_118 = arith.constant 0 : i32
      %dma_start3A_119 = tpu.memref_slice %arg7[%add3A_112, %dma_start3A_118] : memref<160x128xi32, #tpu.memory_space<vmem>> -> memref<1x128xi32, #tpu.memory_space<vmem>>
      %dma_start3A_120 = tpu.memref_squeeze %dma_start3A_119 : memref<1x128xi32, #tpu.memory_space<vmem>> -> memref<128xi32, #tpu.memory_space<vmem>>
      %dma_start3A_121 = arith.constant 0 : i32
      %dma_start3A_122 = arith.constant 0 : i32
      %dma_start3A_123 = tpu.memref_slice %arg11[%dma_start3A_121, %dma_start3A_122] : memref<10240x32xf32, #tpu.memory_space<vmem_shared>> -> memref<10240x32xf32, #tpu.memory_space<vmem_shared>>
      tpu.enqueue_indirect_dma source(%dma_start3A_117 : memref<128x32xf32, #tpu.memory_space<vmem>>) target(%dma_start3A_123 : memref<10240x32xf32, #tpu.memory_space<vmem_shared>>) offsets(%dma_start3A_120 : memref<128xi32, #tpu.memory_space<vmem>>) semaphore(%arg13 : memref<!tpu.dma_semaphore, #tpu.memory_space<semaphore_mem>>) {add = true}
      %add3A_124 = arith.constant 2 : i32
      %add3A_125 = arith.addi %add3A_72, %add3A_124 : i32
      %dma_wait3A_126 = arith.constant 2 : i32
      %dma_wait3A_127 = arith.constant 0 : i32
      %dma_wait3A_128 = arith.constant 0 : i32
      %dma_wait3A_129 = tpu.memref_slice %arg8[%dma_wait3A_126, %dma_wait3A_127, %dma_wait3A_128] : memref<4x128x32xf32, #tpu.memory_space<vmem>> -> memref<1x128x32xf32, #tpu.memory_space<vmem>>
      %dma_wait3A_130 = tpu.memref_squeeze %dma_wait3A_129 : memref<1x128x32xf32, #tpu.memory_space<vmem>> -> memref<128x32xf32, #tpu.memory_space<vmem>>
      %dma_wait3A_131 = arith.constant 0 : i32
      %dma_wait3A_132 = tpu.memref_slice %arg6[%add3A_125, %dma_wait3A_131] : memref<160x128xi32, #tpu.memory_space<vmem>> -> memref<1x128xi32, #tpu.memory_space<vmem>>
      %dma_wait3A_133 = tpu.memref_squeeze %dma_wait3A_132 : memref<1x128xi32, #tpu.memory_space<vmem>> -> memref<128xi32, #tpu.memory_space<vmem>>
      %dma_wait3A_134 = arith.constant 0 : i32
      %dma_wait3A_135 = arith.constant 0 : i32
      %dma_wait3A_136 = tpu.memref_slice %arg10[%dma_wait3A_134, %dma_wait3A_135] : memref<10000x32xf32, #tpu.memory_space<vmem_shared>> -> memref<10000x32xf32, #tpu.memory_space<vmem_shared>>
      tpu.wait_indirect_dma semaphore(%arg12 : memref<!tpu.dma_semaphore, #tpu.memory_space<semaphore_mem>>) src(%dma_wait3A_136 : memref<10000x32xf32, #tpu.memory_space<vmem_shared>>) dst(%dma_wait3A_130 : memref<128x32xf32, #tpu.memory_space<vmem>>)
      %add3A_137 = arith.constant 2 : i32
      %add3A_138 = arith.addi %add3A_72, %add3A_137 : i32
      %dma_start3A_139 = arith.constant 2 : i32
      %dma_start3A_140 = arith.constant 0 : i32
      %dma_start3A_141 = arith.constant 0 : i32
      %dma_start3A_142 = tpu.memref_slice %arg8[%dma_start3A_139, %dma_start3A_140, %dma_start3A_141] : memref<4x128x32xf32, #tpu.memory_space<vmem>> -> memref<1x128x32xf32, #tpu.memory_space<vmem>>
      %dma_start3A_143 = tpu.memref_squeeze %dma_start3A_142 : memref<1x128x32xf32, #tpu.memory_space<vmem>> -> memref<128x32xf32, #tpu.memory_space<vmem>>
      %dma_start3A_144 = arith.constant 0 : i32
      %dma_start3A_145 = tpu.memref_slice %arg7[%add3A_138, %dma_start3A_144] : memref<160x128xi32, #tpu.memory_space<vmem>> -> memref<1x128xi32, #tpu.memory_space<vmem>>
      %dma_start3A_146 = tpu.memref_squeeze %dma_start3A_145 : memref<1x128xi32, #tpu.memory_space<vmem>> -> memref<128xi32, #tpu.memory_space<vmem>>
      %dma_start3A_147 = arith.constant 0 : i32
      %dma_start3A_148 = arith.constant 0 : i32
      %dma_start3A_149 = tpu.memref_slice %arg11[%dma_start3A_147, %dma_start3A_148] : memref<10240x32xf32, #tpu.memory_space<vmem_shared>> -> memref<10240x32xf32, #tpu.memory_space<vmem_shared>>
      tpu.enqueue_indirect_dma source(%dma_start3A_143 : memref<128x32xf32, #tpu.memory_space<vmem>>) target(%dma_start3A_149 : memref<10240x32xf32, #tpu.memory_space<vmem_shared>>) offsets(%dma_start3A_146 : memref<128xi32, #tpu.memory_space<vmem>>) semaphore(%arg13 : memref<!tpu.dma_semaphore, #tpu.memory_space<semaphore_mem>>) {add = true}
      %add3A_150 = arith.constant 3 : i32
      %add3A_151 = arith.addi %add3A_72, %add3A_150 : i32
      %dma_wait3A_152 = arith.constant 3 : i32
      %dma_wait3A_153 = arith.constant 0 : i32
      %dma_wait3A_154 = arith.constant 0 : i32
      %dma_wait3A_155 = tpu.memref_slice %arg8[%dma_wait3A_152, %dma_wait3A_153, %dma_wait3A_154] : memref<4x128x32xf32, #tpu.memory_space<vmem>> -> memref<1x128x32xf32, #tpu.memory_space<vmem>>
      %dma_wait3A_156 = tpu.memref_squeeze %dma_wait3A_155 : memref<1x128x32xf32, #tpu.memory_space<vmem>> -> memref<128x32xf32, #tpu.memory_space<vmem>>
      %dma_wait3A_157 = arith.constant 0 : i32
      %dma_wait3A_158 = tpu.memref_slice %arg6[%add3A_151, %dma_wait3A_157] : memref<160x128xi32, #tpu.memory_space<vmem>> -> memref<1x128xi32, #tpu.memory_space<vmem>>
      %dma_wait3A_159 = tpu.memref_squeeze %dma_wait3A_158 : memref<1x128xi32, #tpu.memory_space<vmem>> -> memref<128xi32, #tpu.memory_space<vmem>>
      %dma_wait3A_160 = arith.constant 0 : i32
      %dma_wait3A_161 = arith.constant 0 : i32
      %dma_wait3A_162 = tpu.memref_slice %arg10[%dma_wait3A_160, %dma_wait3A_161] : memref<10000x32xf32, #tpu.memory_space<vmem_shared>> -> memref<10000x32xf32, #tpu.memory_space<vmem_shared>>
      tpu.wait_indirect_dma semaphore(%arg12 : memref<!tpu.dma_semaphore, #tpu.memory_space<semaphore_mem>>) src(%dma_wait3A_162 : memref<10000x32xf32, #tpu.memory_space<vmem_shared>>) dst(%dma_wait3A_156 : memref<128x32xf32, #tpu.memory_space<vmem>>)
      %add3A_163 = arith.constant 3 : i32
      %add3A_164 = arith.addi %add3A_72, %add3A_163 : i32
      %dma_start3A_165 = arith.constant 3 : i32
      %dma_start3A_166 = arith.constant 0 : i32
      %dma_start3A_167 = arith.constant 0 : i32
      %dma_start3A_168 = tpu.memref_slice %arg8[%dma_start3A_165, %dma_start3A_166, %dma_start3A_167] : memref<4x128x32xf32, #tpu.memory_space<vmem>> -> memref<1x128x32xf32, #tpu.memory_space<vmem>>
      %dma_start3A_169 = tpu.memref_squeeze %dma_start3A_168 : memref<1x128x32xf32, #tpu.memory_space<vmem>> -> memref<128x32xf32, #tpu.memory_space<vmem>>
      %dma_start3A_170 = arith.constant 0 : i32
      %dma_start3A_171 = tpu.memref_slice %arg7[%add3A_164, %dma_start3A_170] : memref<160x128xi32, #tpu.memory_space<vmem>> -> memref<1x128xi32, #tpu.memory_space<vmem>>
      %dma_start3A_172 = tpu.memref_squeeze %dma_start3A_171 : memref<1x128xi32, #tpu.memory_space<vmem>> -> memref<128xi32, #tpu.memory_space<vmem>>
      %dma_start3A_173 = arith.constant 0 : i32
      %dma_start3A_174 = arith.constant 0 : i32
      %dma_start3A_175 = tpu.memref_slice %arg11[%dma_start3A_173, %dma_start3A_174] : memref<10240x32xf32, #tpu.memory_space<vmem_shared>> -> memref<10240x32xf32, #tpu.memory_space<vmem_shared>>
      tpu.enqueue_indirect_dma source(%dma_start3A_169 : memref<128x32xf32, #tpu.memory_space<vmem>>) target(%dma_start3A_175 : memref<10240x32xf32, #tpu.memory_space<vmem_shared>>) offsets(%dma_start3A_172 : memref<128xi32, #tpu.memory_space<vmem>>) semaphore(%arg13 : memref<!tpu.dma_semaphore, #tpu.memory_space<semaphore_mem>>) {add = true}
      %dma_wait3A_176 = arith.constant 0 : i32
      %dma_wait3A_177 = arith.constant 0 : i32
      %dma_wait3A_178 = arith.constant 0 : i32
      %dma_wait3A_179 = tpu.memref_slice %arg8[%dma_wait3A_176, %dma_wait3A_177, %dma_wait3A_178] : memref<4x128x32xf32, #tpu.memory_space<vmem>> -> memref<1x128x32xf32, #tpu.memory_space<vmem>>
      %dma_wait3A_180 = tpu.memref_squeeze %dma_wait3A_179 : memref<1x128x32xf32, #tpu.memory_space<vmem>> -> memref<128x32xf32, #tpu.memory_space<vmem>>
      %dma_wait3A_181 = arith.constant 0 : i32
      %dma_wait3A_182 = tpu.memref_slice %arg7[%add3A_86, %dma_wait3A_181] : memref<160x128xi32, #tpu.memory_space<vmem>> -> memref<1x128xi32, #tpu.memory_space<vmem>>
      %dma_wait3A_183 = tpu.memref_squeeze %dma_wait3A_182 : memref<1x128xi32, #tpu.memory_space<vmem>> -> memref<128xi32, #tpu.memory_space<vmem>>
      %dma_wait3A_184 = arith.constant 0 : i32
      %dma_wait3A_185 = arith.constant 0 : i32
      %dma_wait3A_186 = tpu.memref_slice %arg11[%dma_wait3A_184, %dma_wait3A_185] : memref<10240x32xf32, #tpu.memory_space<vmem_shared>> -> memref<10240x32xf32, #tpu.memory_space<vmem_shared>>
      tpu.wait_indirect_dma semaphore(%arg13 : memref<!tpu.dma_semaphore, #tpu.memory_space<semaphore_mem>>) src(%dma_wait3A_180 : memref<128x32xf32, #tpu.memory_space<vmem>>) dst(%dma_wait3A_186 : memref<10240x32xf32, #tpu.memory_space<vmem_shared>>)
      %add3A_187 = arith.constant 4 : i32
      %add3A_188 = arith.addi %add3A_72, %add3A_187 : i32
      %add3A_189 = arith.constant 0 : i32
      %add3A_190 = arith.addi %add3A_188, %add3A_189 : i32
      %lt3A = arith.constant 160 : i32
      %lt3A_191 = arith.cmpi slt, %add3A_190, %lt3A : i32
      %convert_element_type3A = arith.extui %lt3A_191 : i1 to i32
      %cond3A = arith.constant 0 : i32
      %cond3A_192 = arith.cmpi ne, %convert_element_type3A, %cond3A : i32
      scf.if %cond3A_192 {
        %add3A_253 = arith.constant 4 : i32
        %add3A_254 = arith.addi %add3A_72, %add3A_253 : i32
        %add3A_255 = arith.constant 0 : i32
        %add3A_256 = arith.addi %add3A_254, %add3A_255 : i32
        %dma_start3A_257 = arith.constant 0 : i32
        %dma_start3A_258 = arith.constant 0 : i32
        %dma_start3A_259 = arith.constant 0 : i32
        %dma_start3A_260 = tpu.memref_slice %arg8[%dma_start3A_257, %dma_start3A_258, %dma_start3A_259] : memref<4x128x32xf32, #tpu.memory_space<vmem>> -> memref<1x128x32xf32, #tpu.memory_space<vmem>>
        %dma_start3A_261 = tpu.memref_squeeze %dma_start3A_260 : memref<1x128x32xf32, #tpu.memory_space<vmem>> -> memref<128x32xf32, #tpu.memory_space<vmem>>
        %dma_start3A_262 = arith.constant 0 : i32
        %dma_start3A_263 = tpu.memref_slice %arg6[%add3A_256, %dma_start3A_262] : memref<160x128xi32, #tpu.memory_space<vmem>> -> memref<1x128xi32, #tpu.memory_space<vmem>>
        %dma_start3A_264 = tpu.memref_squeeze %dma_start3A_263 : memref<1x128xi32, #tpu.memory_space<vmem>> -> memref<128xi32, #tpu.memory_space<vmem>>
        %dma_start3A_265 = arith.constant 0 : i32
        %dma_start3A_266 = arith.constant 0 : i32
        %dma_start3A_267 = tpu.memref_slice %arg10[%dma_start3A_265, %dma_start3A_266] : memref<10000x32xf32, #tpu.memory_space<vmem_shared>> -> memref<10000x32xf32, #tpu.memory_space<vmem_shared>>
        tpu.enqueue_indirect_dma source(%dma_start3A_267 : memref<10000x32xf32, #tpu.memory_space<vmem_shared>>) target(%dma_start3A_261 : memref<128x32xf32, #tpu.memory_space<vmem>>) offsets(%dma_start3A_264 : memref<128xi32, #tpu.memory_space<vmem>>) semaphore(%arg12 : memref<!tpu.dma_semaphore, #tpu.memory_space<semaphore_mem>>)
      } else {
      }
      %dma_wait3A_193 = arith.constant 1 : i32
      %dma_wait3A_194 = arith.constant 0 : i32
      %dma_wait3A_195 = arith.constant 0 : i32
      %dma_wait3A_196 = tpu.memref_slice %arg8[%dma_wait3A_193, %dma_wait3A_194, %dma_wait3A_195] : memref<4x128x32xf32, #tpu.memory_space<vmem>> -> memref<1x128x32xf32, #tpu.memory_space<vmem>>
      %dma_wait3A_197 = tpu.memref_squeeze %dma_wait3A_196 : memref<1x128x32xf32, #tpu.memory_space<vmem>> -> memref<128x32xf32, #tpu.memory_space<vmem>>
      %dma_wait3A_198 = arith.constant 0 : i32
      %dma_wait3A_199 = tpu.memref_slice %arg7[%add3A_112, %dma_wait3A_198] : memref<160x128xi32, #tpu.memory_space<vmem>> -> memref<1x128xi32, #tpu.memory_space<vmem>>
      %dma_wait3A_200 = tpu.memref_squeeze %dma_wait3A_199 : memref<1x128xi32, #tpu.memory_space<vmem>> -> memref<128xi32, #tpu.memory_space<vmem>>
      %dma_wait3A_201 = arith.constant 0 : i32
      %dma_wait3A_202 = arith.constant 0 : i32
      %dma_wait3A_203 = tpu.memref_slice %arg11[%dma_wait3A_201, %dma_wait3A_202] : memref<10240x32xf32, #tpu.memory_space<vmem_shared>> -> memref<10240x32xf32, #tpu.memory_space<vmem_shared>>
      tpu.wait_indirect_dma semaphore(%arg13 : memref<!tpu.dma_semaphore, #tpu.memory_space<semaphore_mem>>) src(%dma_wait3A_197 : memref<128x32xf32, #tpu.memory_space<vmem>>) dst(%dma_wait3A_203 : memref<10240x32xf32, #tpu.memory_space<vmem_shared>>)
      %add3A_204 = arith.constant 4 : i32
      %add3A_205 = arith.addi %add3A_72, %add3A_204 : i32
      %add3A_206 = arith.constant 1 : i32
      %add3A_207 = arith.addi %add3A_205, %add3A_206 : i32
      %lt3A_208 = arith.constant 160 : i32
      %lt3A_209 = arith.cmpi slt, %add3A_207, %lt3A_208 : i32
      %convert_element_type3A_210 = arith.extui %lt3A_209 : i1 to i32
      %cond3A_211 = arith.constant 0 : i32
      %cond3A_212 = arith.cmpi ne, %convert_element_type3A_210, %cond3A_211 : i32
      scf.if %cond3A_212 {
        %add3A_253 = arith.constant 4 : i32
        %add3A_254 = arith.addi %add3A_72, %add3A_253 : i32
        %add3A_255 = arith.constant 1 : i32
        %add3A_256 = arith.addi %add3A_254, %add3A_255 : i32
        %dma_start3A_257 = arith.constant 1 : i32
        %dma_start3A_258 = arith.constant 0 : i32
        %dma_start3A_259 = arith.constant 0 : i32
        %dma_start3A_260 = tpu.memref_slice %arg8[%dma_start3A_257, %dma_start3A_258, %dma_start3A_259] : memref<4x128x32xf32, #tpu.memory_space<vmem>> -> memref<1x128x32xf32, #tpu.memory_space<vmem>>
        %dma_start3A_261 = tpu.memref_squeeze %dma_start3A_260 : memref<1x128x32xf32, #tpu.memory_space<vmem>> -> memref<128x32xf32, #tpu.memory_space<vmem>>
        %dma_start3A_262 = arith.constant 0 : i32
        %dma_start3A_263 = tpu.memref_slice %arg6[%add3A_256, %dma_start3A_262] : memref<160x128xi32, #tpu.memory_space<vmem>> -> memref<1x128xi32, #tpu.memory_space<vmem>>
        %dma_start3A_264 = tpu.memref_squeeze %dma_start3A_263 : memref<1x128xi32, #tpu.memory_space<vmem>> -> memref<128xi32, #tpu.memory_space<vmem>>
        %dma_start3A_265 = arith.constant 0 : i32
        %dma_start3A_266 = arith.constant 0 : i32
        %dma_start3A_267 = tpu.memref_slice %arg10[%dma_start3A_265, %dma_start3A_266] : memref<10000x32xf32, #tpu.memory_space<vmem_shared>> -> memref<10000x32xf32, #tpu.memory_space<vmem_shared>>
        tpu.enqueue_indirect_dma source(%dma_start3A_267 : memref<10000x32xf32, #tpu.memory_space<vmem_shared>>) target(%dma_start3A_261 : memref<128x32xf32, #tpu.memory_space<vmem>>) offsets(%dma_start3A_264 : memref<128xi32, #tpu.memory_space<vmem>>) semaphore(%arg12 : memref<!tpu.dma_semaphore, #tpu.memory_space<semaphore_mem>>)
      } else {
      }
      %dma_wait3A_213 = arith.constant 2 : i32
      %dma_wait3A_214 = arith.constant 0 : i32
      %dma_wait3A_215 = arith.constant 0 : i32
      %dma_wait3A_216 = tpu.memref_slice %arg8[%dma_wait3A_213, %dma_wait3A_214, %dma_wait3A_215] : memref<4x128x32xf32, #tpu.memory_space<vmem>> -> memref<1x128x32xf32, #tpu.memory_space<vmem>>
      %dma_wait3A_217 = tpu.memref_squeeze %dma_wait3A_216 : memref<1x128x32xf32, #tpu.memory_space<vmem>> -> memref<128x32xf32, #tpu.memory_space<vmem>>
      %dma_wait3A_218 = arith.constant 0 : i32
      %dma_wait3A_219 = tpu.memref_slice %arg7[%add3A_138, %dma_wait3A_218] : memref<160x128xi32, #tpu.memory_space<vmem>> -> memref<1x128xi32, #tpu.memory_space<vmem>>
      %dma_wait3A_220 = tpu.memref_squeeze %dma_wait3A_219 : memref<1x128xi32, #tpu.memory_space<vmem>> -> memref<128xi32, #tpu.memory_space<vmem>>
      %dma_wait3A_221 = arith.constant 0 : i32
      %dma_wait3A_222 = arith.constant 0 : i32
      %dma_wait3A_223 = tpu.memref_slice %arg11[%dma_wait3A_221, %dma_wait3A_222] : memref<10240x32xf32, #tpu.memory_space<vmem_shared>> -> memref<10240x32xf32, #tpu.memory_space<vmem_shared>>
      tpu.wait_indirect_dma semaphore(%arg13 : memref<!tpu.dma_semaphore, #tpu.memory_space<semaphore_mem>>) src(%dma_wait3A_217 : memref<128x32xf32, #tpu.memory_space<vmem>>) dst(%dma_wait3A_223 : memref<10240x32xf32, #tpu.memory_space<vmem_shared>>)
      %add3A_224 = arith.constant 4 : i32
      %add3A_225 = arith.addi %add3A_72, %add3A_224 : i32
      %add3A_226 = arith.constant 2 : i32
      %add3A_227 = arith.addi %add3A_225, %add3A_226 : i32
      %lt3A_228 = arith.constant 160 : i32
      %lt3A_229 = arith.cmpi slt, %add3A_227, %lt3A_228 : i32
      %convert_element_type3A_230 = arith.extui %lt3A_229 : i1 to i32
      %cond3A_231 = arith.constant 0 : i32
      %cond3A_232 = arith.cmpi ne, %convert_element_type3A_230, %cond3A_231 : i32
      scf.if %cond3A_232 {
        %add3A_253 = arith.constant 4 : i32
        %add3A_254 = arith.addi %add3A_72, %add3A_253 : i32
        %add3A_255 = arith.constant 2 : i32
        %add3A_256 = arith.addi %add3A_254, %add3A_255 : i32
        %dma_start3A_257 = arith.constant 2 : i32
        %dma_start3A_258 = arith.constant 0 : i32
        %dma_start3A_259 = arith.constant 0 : i32
        %dma_start3A_260 = tpu.memref_slice %arg8[%dma_start3A_257, %dma_start3A_258, %dma_start3A_259] : memref<4x128x32xf32, #tpu.memory_space<vmem>> -> memref<1x128x32xf32, #tpu.memory_space<vmem>>
        %dma_start3A_261 = tpu.memref_squeeze %dma_start3A_260 : memref<1x128x32xf32, #tpu.memory_space<vmem>> -> memref<128x32xf32, #tpu.memory_space<vmem>>
        %dma_start3A_262 = arith.constant 0 : i32
        %dma_start3A_263 = tpu.memref_slice %arg6[%add3A_256, %dma_start3A_262] : memref<160x128xi32, #tpu.memory_space<vmem>> -> memref<1x128xi32, #tpu.memory_space<vmem>>
        %dma_start3A_264 = tpu.memref_squeeze %dma_start3A_263 : memref<1x128xi32, #tpu.memory_space<vmem>> -> memref<128xi32, #tpu.memory_space<vmem>>
        %dma_start3A_265 = arith.constant 0 : i32
        %dma_start3A_266 = arith.constant 0 : i32
        %dma_start3A_267 = tpu.memref_slice %arg10[%dma_start3A_265, %dma_start3A_266] : memref<10000x32xf32, #tpu.memory_space<vmem_shared>> -> memref<10000x32xf32, #tpu.memory_space<vmem_shared>>
        tpu.enqueue_indirect_dma source(%dma_start3A_267 : memref<10000x32xf32, #tpu.memory_space<vmem_shared>>) target(%dma_start3A_261 : memref<128x32xf32, #tpu.memory_space<vmem>>) offsets(%dma_start3A_264 : memref<128xi32, #tpu.memory_space<vmem>>) semaphore(%arg12 : memref<!tpu.dma_semaphore, #tpu.memory_space<semaphore_mem>>)
      } else {
      }
      %dma_wait3A_233 = arith.constant 3 : i32
      %dma_wait3A_234 = arith.constant 0 : i32
      %dma_wait3A_235 = arith.constant 0 : i32
      %dma_wait3A_236 = tpu.memref_slice %arg8[%dma_wait3A_233, %dma_wait3A_234, %dma_wait3A_235] : memref<4x128x32xf32, #tpu.memory_space<vmem>> -> memref<1x128x32xf32, #tpu.memory_space<vmem>>
      %dma_wait3A_237 = tpu.memref_squeeze %dma_wait3A_236 : memref<1x128x32xf32, #tpu.memory_space<vmem>> -> memref<128x32xf32, #tpu.memory_space<vmem>>
      %dma_wait3A_238 = arith.constant 0 : i32
      %dma_wait3A_239 = tpu.memref_slice %arg7[%add3A_164, %dma_wait3A_238] : memref<160x128xi32, #tpu.memory_space<vmem>> -> memref<1x128xi32, #tpu.memory_space<vmem>>
      %dma_wait3A_240 = tpu.memref_squeeze %dma_wait3A_239 : memref<1x128xi32, #tpu.memory_space<vmem>> -> memref<128xi32, #tpu.memory_space<vmem>>
      %dma_wait3A_241 = arith.constant 0 : i32
      %dma_wait3A_242 = arith.constant 0 : i32
      %dma_wait3A_243 = tpu.memref_slice %arg11[%dma_wait3A_241, %dma_wait3A_242] : memref<10240x32xf32, #tpu.memory_space<vmem_shared>> -> memref<10240x32xf32, #tpu.memory_space<vmem_shared>>
      tpu.wait_indirect_dma semaphore(%arg13 : memref<!tpu.dma_semaphore, #tpu.memory_space<semaphore_mem>>) src(%dma_wait3A_237 : memref<128x32xf32, #tpu.memory_space<vmem>>) dst(%dma_wait3A_243 : memref<10240x32xf32, #tpu.memory_space<vmem_shared>>)
      %add3A_244 = arith.constant 4 : i32
      %add3A_245 = arith.addi %add3A_72, %add3A_244 : i32
      %add3A_246 = arith.constant 3 : i32
      %add3A_247 = arith.addi %add3A_245, %add3A_246 : i32
      %lt3A_248 = arith.constant 160 : i32
      %lt3A_249 = arith.cmpi slt, %add3A_247, %lt3A_248 : i32
      %convert_element_type3A_250 = arith.extui %lt3A_249 : i1 to i32
      %cond3A_251 = arith.constant 0 : i32
      %cond3A_252 = arith.cmpi ne, %convert_element_type3A_250, %cond3A_251 : i32
      scf.if %cond3A_252 {
        %add3A_253 = arith.constant 4 : i32
        %add3A_254 = arith.addi %add3A_72, %add3A_253 : i32
        %add3A_255 = arith.constant 3 : i32
        %add3A_256 = arith.addi %add3A_254, %add3A_255 : i32
        %dma_start3A_257 = arith.constant 3 : i32
        %dma_start3A_258 = arith.constant 0 : i32
        %dma_start3A_259 = arith.constant 0 : i32
        %dma_start3A_260 = tpu.memref_slice %arg8[%dma_start3A_257, %dma_start3A_258, %dma_start3A_259] : memref<4x128x32xf32, #tpu.memory_space<vmem>> -> memref<1x128x32xf32, #tpu.memory_space<vmem>>
        %dma_start3A_261 = tpu.memref_squeeze %dma_start3A_260 : memref<1x128x32xf32, #tpu.memory_space<vmem>> -> memref<128x32xf32, #tpu.memory_space<vmem>>
        %dma_start3A_262 = arith.constant 0 : i32
        %dma_start3A_263 = tpu.memref_slice %arg6[%add3A_256, %dma_start3A_262] : memref<160x128xi32, #tpu.memory_space<vmem>> -> memref<1x128xi32, #tpu.memory_space<vmem>>
        %dma_start3A_264 = tpu.memref_squeeze %dma_start3A_263 : memref<1x128xi32, #tpu.memory_space<vmem>> -> memref<128xi32, #tpu.memory_space<vmem>>
        %dma_start3A_265 = arith.constant 0 : i32
        %dma_start3A_266 = arith.constant 0 : i32
        %dma_start3A_267 = tpu.memref_slice %arg10[%dma_start3A_265, %dma_start3A_266] : memref<10000x32xf32, #tpu.memory_space<vmem_shared>> -> memref<10000x32xf32, #tpu.memory_space<vmem_shared>>
        tpu.enqueue_indirect_dma source(%dma_start3A_267 : memref<10000x32xf32, #tpu.memory_space<vmem_shared>>) target(%dma_start3A_261 : memref<128x32xf32, #tpu.memory_space<vmem>>) offsets(%dma_start3A_264 : memref<128xi32, #tpu.memory_space<vmem>>) semaphore(%arg12 : memref<!tpu.dma_semaphore, #tpu.memory_space<semaphore_mem>>)
      } else {
      }
    }
    %scan3A_67 = arith.constant 40 : i32
    %barrier3A_68 = arith.constant 0 : index
    tpu.barrier barrier_id(%barrier3A_68)
    "tpu.region"() ({
      %run_scoped3A = tpu.sem_alloc : memref<!tpu.dma_semaphore, #tpu.memory_space<semaphore_mem>>
      %dma_start3A_69 = arith.constant 0 : i32
      %dma_start3A_70 = tpu.memref_slice %arg5[%arg0, %mul3A_0, %dma_start3A_69] : memref<2x10240x32xf32, #tpu.memory_space<hbm>> -> memref<1x640x32xf32, #tpu.memory_space<hbm>>
      %dma_start3A_71 = tpu.memref_squeeze %dma_start3A_70 : memref<1x640x32xf32, #tpu.memory_space<hbm>> -> memref<640x32xf32, #tpu.memory_space<hbm>>
      %dma_start3A_72 = arith.constant 0 : i32
      %dma_start3A_73 = tpu.memref_slice %arg11[%mul3A_0, %dma_start3A_72] : memref<10240x32xf32, #tpu.memory_space<vmem_shared>> -> memref<640x32xf32, #tpu.memory_space<vmem_shared>>
      tpu.enqueue_dma source(%dma_start3A_73 : memref<640x32xf32, #tpu.memory_space<vmem_shared>>) target(%dma_start3A_71 : memref<640x32xf32, #tpu.memory_space<hbm>>) target_semaphore(%run_scoped3A : memref<!tpu.dma_semaphore, #tpu.memory_space<semaphore_mem>>)
      %dma_wait3A = arith.constant 0 : i32
      %dma_wait3A_74 = tpu.memref_slice %arg5[%arg0, %mul3A_0, %dma_wait3A] : memref<2x10240x32xf32, #tpu.memory_space<hbm>> -> memref<1x640x32xf32, #tpu.memory_space<hbm>>
      %dma_wait3A_75 = tpu.memref_squeeze %dma_wait3A_74 : memref<1x640x32xf32, #tpu.memory_space<hbm>> -> memref<640x32xf32, #tpu.memory_space<hbm>>
      %dma_wait3A_76 = arith.constant 0 : i32
      %dma_wait3A_77 = tpu.memref_slice %arg11[%mul3A_0, %dma_wait3A_76] : memref<10240x32xf32, #tpu.memory_space<vmem_shared>> -> memref<640x32xf32, #tpu.memory_space<vmem_shared>>
      tpu.wait_dma2 semaphore(%run_scoped3A : memref<!tpu.dma_semaphore, #tpu.memory_space<semaphore_mem>>) src(%dma_wait3A_77 : memref<640x32xf32, #tpu.memory_space<vmem_shared>>) dst(%dma_wait3A_75 : memref<640x32xf32, #tpu.memory_space<hbm>>)
      tpu.yield
    }) : () -> ()
    return
  }
}

#map = affine_map<(d0, d1) -> (0, 0, 0)>
#map1 = affine_map<(d0, d1) -> (0, 0)>
module attributes {stable_mosaic.version = 14 : i64} {
  func.func @k(%arg0: i32, %arg1: i32, %arg2: memref<2x10000x16xf32, #tpu.memory_space<hbm>>, %arg3: memref<2560x128xi32, #tpu.memory_space<hbm>>, %arg4: memref<2560x128xi32, #tpu.memory_space<hbm>>, %arg5: memref<2x10240x16xf32, #tpu.memory_space<hbm>>, %arg6: memref<160x128xi32, #tpu.memory_space<vmem>>, %arg7: memref<160x128xi32, #tpu.memory_space<vmem>>, %arg8: memref<4x128x16xf32, #tpu.memory_space<vmem>>, %arg9: memref<64x16xf32, #tpu.memory_space<vmem>>, %arg10: memref<10000x16xf32, #tpu.memory_space<vmem_shared>>, %arg11: memref<10240x16xf32, #tpu.memory_space<vmem_shared>>, %arg12: memref<!tpu.dma_semaphore, #tpu.memory_space<semaphore_mem>>, %arg13: memref<!tpu.dma_semaphore, #tpu.memory_space<semaphore_mem>>) attributes {dimension_semantics = [#tpu.dimension_semantics<core_parallel>, #tpu.dimension_semantics<subcore_parallel>], iteration_bounds = array<i64: 2, 16>, scalar_prefetch = 0 : i64, scratch_operands = 8 : i64, tpu.core_type = #tpu.core_type<sc_vector_subcore>, window_params = [{transform_indices = #map}, {transform_indices = #map1}, {transform_indices = #map1}, {transform_indices = #map}]} {
    %mul3A = arith.constant 640 : i32
    %mul3A_0 = arith.muli %arg1, %mul3A : i32
    %mul3A_1 = arith.constant 160 : i32
    %mul3A_2 = arith.muli %arg1, %mul3A_1 : i32
    %scan3A = arith.constant 0 : i32
    %scan3A_3 = arith.constant 64 : i32
    %scan3A_4 = arith.addi %scan3A, %scan3A_3 : i32
    %scan3A_5 = arith.constant 1 : i32
    scf.for %scan3A_69 = %scan3A to %scan3A_4 step %scan3A_5  : i32 {
      %mul3A_70 = arith.constant 1 : i32
      %mul3A_71 = arith.muli %scan3A_69, %mul3A_70 : i32
      %add3A = arith.constant 0 : i32
      %add3A_72 = arith.addi %add3A, %mul3A_71 : i32
      %scan3A_73 = arith.constant 0 : i32
      %mul3A_74 = arith.constant 16 : i32
      %mul3A_75 = arith.muli %scan3A_73, %mul3A_74 : i32
      %add3A_76 = arith.constant 0 : i32
      %add3A_77 = arith.addi %add3A_76, %mul3A_75 : i32
      %broadcast_in_dim3A = arith.constant 0.000000e+00 : f32
      %broadcast_in_dim3A_78 = vector.broadcast %broadcast_in_dim3A : f32 to vector<16xf32>
      %swap3A = arith.index_cast %add3A_72 : i32 to index
      %swap3A_79 = arith.index_cast %add3A_77 : i32 to index
      %swap3A_80 = tpu.vector_load %arg9[%swap3A, %swap3A_79] {strides = array<i32>} : memref<64x16xf32, #tpu.memory_space<vmem>>, vector<1x16xf32>,
      %swap3A_81 = vector.shape_cast %swap3A_80 : vector<1x16xf32> to vector<16xf32>
      %swap3A_82 = vector.shape_cast %broadcast_in_dim3A_78 : vector<16xf32> to vector<1x16xf32>
      tpu.vector_store %arg9[%swap3A, %swap3A_79], %swap3A_82 {strides = array<i32>} : memref<64x16xf32, #tpu.memory_space<vmem>>, vector<1x16xf32>,
      %scan3A_83 = arith.constant 1 : i32
    }
    %scan3A_6 = arith.constant 64 : i32
    %scan3A_7 = arith.constant 0 : i32
    %scan3A_8 = arith.constant 10 : i32
    %scan3A_9 = arith.addi %scan3A_7, %scan3A_8 : i32
    %scan3A_10 = arith.constant 1 : i32
    scf.for %scan3A_69 = %scan3A_7 to %scan3A_9 step %scan3A_10  : i32 {
      %mul3A_70 = arith.constant 64 : i32
      %mul3A_71 = arith.muli %scan3A_69, %mul3A_70 : i32
      %add3A = arith.constant 0 : i32
      %add3A_72 = arith.addi %add3A, %mul3A_71 : i32
      %add3A_73 = arith.addi %mul3A_0, %add3A_72 : i32
      "tpu.region"() ({
        %run_scoped3A = tpu.sem_alloc : memref<!tpu.dma_semaphore, #tpu.memory_space<semaphore_mem>>
        %dma_start3A_74 = arith.constant 0 : i32
        %dma_start3A_75 = tpu.memref_slice %arg11[%add3A_73, %dma_start3A_74] : memref<10240x16xf32, #tpu.memory_space<vmem_shared>> -> memref<64x16xf32, #tpu.memory_space<vmem_shared>>
        %dma_start3A_76 = arith.constant 0 : i32
        %dma_start3A_77 = tpu.memref_slice %arg11[%add3A_73, %dma_start3A_76] : memref<10240x16xf32, #tpu.memory_space<vmem_shared>> -> memref<64x16xf32, #tpu.memory_space<vmem_shared>>
        tpu.enqueue_dma source(%arg9 : memref<64x16xf32, #tpu.memory_space<vmem>>) target(%dma_start3A_77 : memref<64x16xf32, #tpu.memory_space<vmem_shared>>) target_semaphore(%run_scoped3A : memref<!tpu.dma_semaphore, #tpu.memory_space<semaphore_mem>>)
        %dma_wait3A = arith.constant 0 : i32
        %dma_wait3A_78 = tpu.memref_slice %arg11[%add3A_73, %dma_wait3A] : memref<10240x16xf32, #tpu.memory_space<vmem_shared>> -> memref<64x16xf32, #tpu.memory_space<vmem_shared>>
        %dma_wait3A_79 = arith.constant 0 : i32
        %dma_wait3A_80 = tpu.memref_slice %arg11[%add3A_73, %dma_wait3A_79] : memref<10240x16xf32, #tpu.memory_space<vmem_shared>> -> memref<64x16xf32, #tpu.memory_space<vmem_shared>>
        tpu.wait_dma2 semaphore(%run_scoped3A : memref<!tpu.dma_semaphore, #tpu.memory_space<semaphore_mem>>) src(%arg9 : memref<64x16xf32, #tpu.memory_space<vmem>>) dst(%dma_wait3A_80 : memref<64x16xf32, #tpu.memory_space<vmem_shared>>)
        tpu.yield
      }) : () -> ()
    }
    %scan3A_11 = arith.constant 10 : i32
    %mul3A_12 = arith.constant 625 : i32
    %mul3A_13 = arith.muli %arg1, %mul3A_12 : i32
    %mul3A_14 = arith.constant 625 : i32
    %mul3A_15 = arith.muli %arg1, %mul3A_14 : i32
    "tpu.region"() ({
      %run_scoped3A = tpu.sem_alloc : memref<!tpu.dma_semaphore, #tpu.memory_space<semaphore_mem>>
      %dma_start3A_69 = arith.constant 0 : i32
      %dma_start3A_70 = tpu.memref_slice %arg10[%mul3A_15, %dma_start3A_69] : memref<10000x16xf32, #tpu.memory_space<vmem_shared>> -> memref<625x16xf32, #tpu.memory_space<vmem_shared>>
      %dma_start3A_71 = arith.constant 0 : i32
      %dma_start3A_72 = tpu.memref_slice %arg2[%arg0, %mul3A_13, %dma_start3A_71] : memref<2x10000x16xf32, #tpu.memory_space<hbm>> -> memref<1x625x16xf32, #tpu.memory_space<hbm>>
      %dma_start3A_73 = tpu.memref_squeeze %dma_start3A_72 : memref<1x625x16xf32, #tpu.memory_space<hbm>> -> memref<625x16xf32, #tpu.memory_space<hbm>>
      tpu.enqueue_dma source(%dma_start3A_73 : memref<625x16xf32, #tpu.memory_space<hbm>>) target(%dma_start3A_70 : memref<625x16xf32, #tpu.memory_space<vmem_shared>>) target_semaphore(%run_scoped3A : memref<!tpu.dma_semaphore, #tpu.memory_space<semaphore_mem>>)
      %dma_wait3A = arith.constant 0 : i32
      %dma_wait3A_74 = tpu.memref_slice %arg10[%mul3A_15, %dma_wait3A] : memref<10000x16xf32, #tpu.memory_space<vmem_shared>> -> memref<625x16xf32, #tpu.memory_space<vmem_shared>>
      %dma_wait3A_75 = arith.constant 0 : i32
      %dma_wait3A_76 = tpu.memref_slice %arg2[%arg0, %mul3A_13, %dma_wait3A_75] : memref<2x10000x16xf32, #tpu.memory_space<hbm>> -> memref<1x625x16xf32, #tpu.memory_space<hbm>>
      %dma_wait3A_77 = tpu.memref_squeeze %dma_wait3A_76 : memref<1x625x16xf32, #tpu.memory_space<hbm>> -> memref<625x16xf32, #tpu.memory_space<hbm>>
      tpu.wait_dma2 semaphore(%run_scoped3A : memref<!tpu.dma_semaphore, #tpu.memory_space<semaphore_mem>>) src(%dma_wait3A_77 : memref<625x16xf32, #tpu.memory_space<hbm>>) dst(%dma_wait3A_74 : memref<625x16xf32, #tpu.memory_space<vmem_shared>>)
      tpu.yield
    }) : () -> ()
    "tpu.region"() ({
      %run_scoped3A = tpu.sem_alloc : memref<!tpu.dma_semaphore, #tpu.memory_space<semaphore_mem>>
      %dma_start3A_69 = arith.constant 0 : i32
      %dma_start3A_70 = tpu.memref_slice %arg3[%mul3A_2, %dma_start3A_69] : memref<2560x128xi32, #tpu.memory_space<hbm>> -> memref<160x128xi32, #tpu.memory_space<hbm>>
      %dma_start3A_71 = arith.constant 0 : i32
      %dma_start3A_72 = tpu.memref_slice %arg3[%mul3A_2, %dma_start3A_71] : memref<2560x128xi32, #tpu.memory_space<hbm>> -> memref<160x128xi32, #tpu.memory_space<hbm>>
      tpu.enqueue_dma source(%dma_start3A_72 : memref<160x128xi32, #tpu.memory_space<hbm>>) target(%arg6 : memref<160x128xi32, #tpu.memory_space<vmem>>) target_semaphore(%run_scoped3A : memref<!tpu.dma_semaphore, #tpu.memory_space<semaphore_mem>>)
      %dma_wait3A = arith.constant 0 : i32
      %dma_wait3A_73 = tpu.memref_slice %arg3[%mul3A_2, %dma_wait3A] : memref<2560x128xi32, #tpu.memory_space<hbm>> -> memref<160x128xi32, #tpu.memory_space<hbm>>
      %dma_wait3A_74 = arith.constant 0 : i32
      %dma_wait3A_75 = tpu.memref_slice %arg3[%mul3A_2, %dma_wait3A_74] : memref<2560x128xi32, #tpu.memory_space<hbm>> -> memref<160x128xi32, #tpu.memory_space<hbm>>
      tpu.wait_dma2 semaphore(%run_scoped3A : memref<!tpu.dma_semaphore, #tpu.memory_space<semaphore_mem>>) src(%dma_wait3A_75 : memref<160x128xi32, #tpu.memory_space<hbm>>) dst(%arg6 : memref<160x128xi32, #tpu.memory_space<vmem>>)
      tpu.yield
    }) : () -> ()
    "tpu.region"() ({
      %run_scoped3A = tpu.sem_alloc : memref<!tpu.dma_semaphore, #tpu.memory_space<semaphore_mem>>
      %dma_start3A_69 = arith.constant 0 : i32
      %dma_start3A_70 = tpu.memref_slice %arg4[%mul3A_2, %dma_start3A_69] : memref<2560x128xi32, #tpu.memory_space<hbm>> -> memref<160x128xi32, #tpu.memory_space<hbm>>
      %dma_start3A_71 = arith.constant 0 : i32
      %dma_start3A_72 = tpu.memref_slice %arg4[%mul3A_2, %dma_start3A_71] : memref<2560x128xi32, #tpu.memory_space<hbm>> -> memref<160x128xi32, #tpu.memory_space<hbm>>
      tpu.enqueue_dma source(%dma_start3A_72 : memref<160x128xi32, #tpu.memory_space<hbm>>) target(%arg7 : memref<160x128xi32, #tpu.memory_space<vmem>>) target_semaphore(%run_scoped3A : memref<!tpu.dma_semaphore, #tpu.memory_space<semaphore_mem>>)
      %dma_wait3A = arith.constant 0 : i32
      %dma_wait3A_73 = tpu.memref_slice %arg4[%mul3A_2, %dma_wait3A] : memref<2560x128xi32, #tpu.memory_space<hbm>> -> memref<160x128xi32, #tpu.memory_space<hbm>>
      %dma_wait3A_74 = arith.constant 0 : i32
      %dma_wait3A_75 = tpu.memref_slice %arg4[%mul3A_2, %dma_wait3A_74] : memref<2560x128xi32, #tpu.memory_space<hbm>> -> memref<160x128xi32, #tpu.memory_space<hbm>>
      tpu.wait_dma2 semaphore(%run_scoped3A : memref<!tpu.dma_semaphore, #tpu.memory_space<semaphore_mem>>) src(%dma_wait3A_75 : memref<160x128xi32, #tpu.memory_space<hbm>>) dst(%arg7 : memref<160x128xi32, #tpu.memory_space<vmem>>)
      tpu.yield
    }) : () -> ()
    %barrier3A = arith.constant 0 : index
    tpu.barrier barrier_id(%barrier3A)
    %dma_start3A = arith.constant 0 : i32
    %dma_start3A_16 = arith.constant 0 : i32
    %dma_start3A_17 = arith.constant 0 : i32
    %dma_start3A_18 = arith.constant 0 : i32
    %dma_start3A_19 = tpu.memref_slice %arg8[%dma_start3A_16, %dma_start3A_17, %dma_start3A_18] : memref<4x128x16xf32, #tpu.memory_space<vmem>> -> memref<1x128x16xf32, #tpu.memory_space<vmem>>
    %dma_start3A_20 = tpu.memref_squeeze %dma_start3A_19 : memref<1x128x16xf32, #tpu.memory_space<vmem>> -> memref<128x16xf32, #tpu.memory_space<vmem>>
    %dma_start3A_21 = arith.constant 0 : i32
    %dma_start3A_22 = tpu.memref_slice %arg6[%dma_start3A, %dma_start3A_21] : memref<160x128xi32, #tpu.memory_space<vmem>> -> memref<1x128xi32, #tpu.memory_space<vmem>>
    %dma_start3A_23 = tpu.memref_squeeze %dma_start3A_22 : memref<1x128xi32, #tpu.memory_space<vmem>> -> memref<128xi32, #tpu.memory_space<vmem>>
    %dma_start3A_24 = arith.constant 0 : i32
    %dma_start3A_25 = arith.constant 0 : i32
    %dma_start3A_26 = tpu.memref_slice %arg10[%dma_start3A_24, %dma_start3A_25] : memref<10000x16xf32, #tpu.memory_space<vmem_shared>> -> memref<10000x16xf32, #tpu.memory_space<vmem_shared>>
    tpu.enqueue_indirect_dma source(%dma_start3A_26 : memref<10000x16xf32, #tpu.memory_space<vmem_shared>>) target(%dma_start3A_20 : memref<128x16xf32, #tpu.memory_space<vmem>>) offsets(%dma_start3A_23 : memref<128xi32, #tpu.memory_space<vmem>>) semaphore(%arg12 : memref<!tpu.dma_semaphore, #tpu.memory_space<semaphore_mem>>)
    %dma_start3A_27 = arith.constant 1 : i32
    %dma_start3A_28 = arith.constant 1 : i32
    %dma_start3A_29 = arith.constant 0 : i32
    %dma_start3A_30 = arith.constant 0 : i32
    %dma_start3A_31 = tpu.memref_slice %arg8[%dma_start3A_28, %dma_start3A_29, %dma_start3A_30] : memref<4x128x16xf32, #tpu.memory_space<vmem>> -> memref<1x128x16xf32, #tpu.memory_space<vmem>>
    %dma_start3A_32 = tpu.memref_squeeze %dma_start3A_31 : memref<1x128x16xf32, #tpu.memory_space<vmem>> -> memref<128x16xf32, #tpu.memory_space<vmem>>
    %dma_start3A_33 = arith.constant 0 : i32
    %dma_start3A_34 = tpu.memref_slice %arg6[%dma_start3A_27, %dma_start3A_33] : memref<160x128xi32, #tpu.memory_space<vmem>> -> memref<1x128xi32, #tpu.memory_space<vmem>>
    %dma_start3A_35 = tpu.memref_squeeze %dma_start3A_34 : memref<1x128xi32, #tpu.memory_space<vmem>> -> memref<128xi32, #tpu.memory_space<vmem>>
    %dma_start3A_36 = arith.constant 0 : i32
    %dma_start3A_37 = arith.constant 0 : i32
    %dma_start3A_38 = tpu.memref_slice %arg10[%dma_start3A_36, %dma_start3A_37] : memref<10000x16xf32, #tpu.memory_space<vmem_shared>> -> memref<10000x16xf32, #tpu.memory_space<vmem_shared>>
    tpu.enqueue_indirect_dma source(%dma_start3A_38 : memref<10000x16xf32, #tpu.memory_space<vmem_shared>>) target(%dma_start3A_32 : memref<128x16xf32, #tpu.memory_space<vmem>>) offsets(%dma_start3A_35 : memref<128xi32, #tpu.memory_space<vmem>>) semaphore(%arg12 : memref<!tpu.dma_semaphore, #tpu.memory_space<semaphore_mem>>)
    %dma_start3A_39 = arith.constant 2 : i32
    %dma_start3A_40 = arith.constant 2 : i32
    %dma_start3A_41 = arith.constant 0 : i32
    %dma_start3A_42 = arith.constant 0 : i32
    %dma_start3A_43 = tpu.memref_slice %arg8[%dma_start3A_40, %dma_start3A_41, %dma_start3A_42] : memref<4x128x16xf32, #tpu.memory_space<vmem>> -> memref<1x128x16xf32, #tpu.memory_space<vmem>>
    %dma_start3A_44 = tpu.memref_squeeze %dma_start3A_43 : memref<1x128x16xf32, #tpu.memory_space<vmem>> -> memref<128x16xf32, #tpu.memory_space<vmem>>
    %dma_start3A_45 = arith.constant 0 : i32
    %dma_start3A_46 = tpu.memref_slice %arg6[%dma_start3A_39, %dma_start3A_45] : memref<160x128xi32, #tpu.memory_space<vmem>> -> memref<1x128xi32, #tpu.memory_space<vmem>>
    %dma_start3A_47 = tpu.memref_squeeze %dma_start3A_46 : memref<1x128xi32, #tpu.memory_space<vmem>> -> memref<128xi32, #tpu.memory_space<vmem>>
    %dma_start3A_48 = arith.constant 0 : i32
    %dma_start3A_49 = arith.constant 0 : i32
    %dma_start3A_50 = tpu.memref_slice %arg10[%dma_start3A_48, %dma_start3A_49] : memref<10000x16xf32, #tpu.memory_space<vmem_shared>> -> memref<10000x16xf32, #tpu.memory_space<vmem_shared>>
    tpu.enqueue_indirect_dma source(%dma_start3A_50 : memref<10000x16xf32, #tpu.memory_space<vmem_shared>>) target(%dma_start3A_44 : memref<128x16xf32, #tpu.memory_space<vmem>>) offsets(%dma_start3A_47 : memref<128xi32, #tpu.memory_space<vmem>>) semaphore(%arg12 : memref<!tpu.dma_semaphore, #tpu.memory_space<semaphore_mem>>)
    %dma_start3A_51 = arith.constant 3 : i32
    %dma_start3A_52 = arith.constant 3 : i32
    %dma_start3A_53 = arith.constant 0 : i32
    %dma_start3A_54 = arith.constant 0 : i32
    %dma_start3A_55 = tpu.memref_slice %arg8[%dma_start3A_52, %dma_start3A_53, %dma_start3A_54] : memref<4x128x16xf32, #tpu.memory_space<vmem>> -> memref<1x128x16xf32, #tpu.memory_space<vmem>>
    %dma_start3A_56 = tpu.memref_squeeze %dma_start3A_55 : memref<1x128x16xf32, #tpu.memory_space<vmem>> -> memref<128x16xf32, #tpu.memory_space<vmem>>
    %dma_start3A_57 = arith.constant 0 : i32
    %dma_start3A_58 = tpu.memref_slice %arg6[%dma_start3A_51, %dma_start3A_57] : memref<160x128xi32, #tpu.memory_space<vmem>> -> memref<1x128xi32, #tpu.memory_space<vmem>>
    %dma_start3A_59 = tpu.memref_squeeze %dma_start3A_58 : memref<1x128xi32, #tpu.memory_space<vmem>> -> memref<128xi32, #tpu.memory_space<vmem>>
    %dma_start3A_60 = arith.constant 0 : i32
    %dma_start3A_61 = arith.constant 0 : i32
    %dma_start3A_62 = tpu.memref_slice %arg10[%dma_start3A_60, %dma_start3A_61] : memref<10000x16xf32, #tpu.memory_space<vmem_shared>> -> memref<10000x16xf32, #tpu.memory_space<vmem_shared>>
    tpu.enqueue_indirect_dma source(%dma_start3A_62 : memref<10000x16xf32, #tpu.memory_space<vmem_shared>>) target(%dma_start3A_56 : memref<128x16xf32, #tpu.memory_space<vmem>>) offsets(%dma_start3A_59 : memref<128xi32, #tpu.memory_space<vmem>>) semaphore(%arg12 : memref<!tpu.dma_semaphore, #tpu.memory_space<semaphore_mem>>)
    %scan3A_63 = arith.constant 0 : i32
    %scan3A_64 = arith.constant 40 : i32
    %scan3A_65 = arith.addi %scan3A_63, %scan3A_64 : i32
    %scan3A_66 = arith.constant 1 : i32
    scf.for %scan3A_69 = %scan3A_63 to %scan3A_65 step %scan3A_66  : i32 {
      %mul3A_70 = arith.constant 4 : i32
      %mul3A_71 = arith.muli %scan3A_69, %mul3A_70 : i32
      %add3A = arith.constant 0 : i32
      %add3A_72 = arith.addi %add3A, %mul3A_71 : i32
      %add3A_73 = arith.constant 0 : i32
      %add3A_74 = arith.addi %add3A_72, %add3A_73 : i32
      %dma_wait3A = arith.constant 0 : i32
      %dma_wait3A_75 = arith.constant 0 : i32
      %dma_wait3A_76 = arith.constant 0 : i32
      %dma_wait3A_77 = tpu.memref_slice %arg8[%dma_wait3A, %dma_wait3A_75, %dma_wait3A_76] : memref<4x128x16xf32, #tpu.memory_space<vmem>> -> memref<1x128x16xf32, #tpu.memory_space<vmem>>
      %dma_wait3A_78 = tpu.memref_squeeze %dma_wait3A_77 : memref<1x128x16xf32, #tpu.memory_space<vmem>> -> memref<128x16xf32, #tpu.memory_space<vmem>>
      %dma_wait3A_79 = arith.constant 0 : i32
      %dma_wait3A_80 = tpu.memref_slice %arg6[%add3A_74, %dma_wait3A_79] : memref<160x128xi32, #tpu.memory_space<vmem>> -> memref<1x128xi32, #tpu.memory_space<vmem>>
      %dma_wait3A_81 = tpu.memref_squeeze %dma_wait3A_80 : memref<1x128xi32, #tpu.memory_space<vmem>> -> memref<128xi32, #tpu.memory_space<vmem>>
      %dma_wait3A_82 = arith.constant 0 : i32
      %dma_wait3A_83 = arith.constant 0 : i32
      %dma_wait3A_84 = tpu.memref_slice %arg10[%dma_wait3A_82, %dma_wait3A_83] : memref<10000x16xf32, #tpu.memory_space<vmem_shared>> -> memref<10000x16xf32, #tpu.memory_space<vmem_shared>>
      tpu.wait_indirect_dma semaphore(%arg12 : memref<!tpu.dma_semaphore, #tpu.memory_space<semaphore_mem>>) src(%dma_wait3A_84 : memref<10000x16xf32, #tpu.memory_space<vmem_shared>>) dst(%dma_wait3A_78 : memref<128x16xf32, #tpu.memory_space<vmem>>)
      %add3A_85 = arith.constant 0 : i32
      %add3A_86 = arith.addi %add3A_72, %add3A_85 : i32
      %dma_start3A_87 = arith.constant 0 : i32
      %dma_start3A_88 = arith.constant 0 : i32
      %dma_start3A_89 = arith.constant 0 : i32
      %dma_start3A_90 = tpu.memref_slice %arg8[%dma_start3A_87, %dma_start3A_88, %dma_start3A_89] : memref<4x128x16xf32, #tpu.memory_space<vmem>> -> memref<1x128x16xf32, #tpu.memory_space<vmem>>
      %dma_start3A_91 = tpu.memref_squeeze %dma_start3A_90 : memref<1x128x16xf32, #tpu.memory_space<vmem>> -> memref<128x16xf32, #tpu.memory_space<vmem>>
      %dma_start3A_92 = arith.constant 0 : i32
      %dma_start3A_93 = tpu.memref_slice %arg7[%add3A_86, %dma_start3A_92] : memref<160x128xi32, #tpu.memory_space<vmem>> -> memref<1x128xi32, #tpu.memory_space<vmem>>
      %dma_start3A_94 = tpu.memref_squeeze %dma_start3A_93 : memref<1x128xi32, #tpu.memory_space<vmem>> -> memref<128xi32, #tpu.memory_space<vmem>>
      %dma_start3A_95 = arith.constant 0 : i32
      %dma_start3A_96 = arith.constant 0 : i32
      %dma_start3A_97 = tpu.memref_slice %arg11[%dma_start3A_95, %dma_start3A_96] : memref<10240x16xf32, #tpu.memory_space<vmem_shared>> -> memref<10240x16xf32, #tpu.memory_space<vmem_shared>>
      tpu.enqueue_indirect_dma source(%dma_start3A_91 : memref<128x16xf32, #tpu.memory_space<vmem>>) target(%dma_start3A_97 : memref<10240x16xf32, #tpu.memory_space<vmem_shared>>) offsets(%dma_start3A_94 : memref<128xi32, #tpu.memory_space<vmem>>) semaphore(%arg13 : memref<!tpu.dma_semaphore, #tpu.memory_space<semaphore_mem>>) {add = true}
      %add3A_98 = arith.constant 1 : i32
      %add3A_99 = arith.addi %add3A_72, %add3A_98 : i32
      %dma_wait3A_100 = arith.constant 1 : i32
      %dma_wait3A_101 = arith.constant 0 : i32
      %dma_wait3A_102 = arith.constant 0 : i32
      %dma_wait3A_103 = tpu.memref_slice %arg8[%dma_wait3A_100, %dma_wait3A_101, %dma_wait3A_102] : memref<4x128x16xf32, #tpu.memory_space<vmem>> -> memref<1x128x16xf32, #tpu.memory_space<vmem>>
      %dma_wait3A_104 = tpu.memref_squeeze %dma_wait3A_103 : memref<1x128x16xf32, #tpu.memory_space<vmem>> -> memref<128x16xf32, #tpu.memory_space<vmem>>
      %dma_wait3A_105 = arith.constant 0 : i32
      %dma_wait3A_106 = tpu.memref_slice %arg6[%add3A_99, %dma_wait3A_105] : memref<160x128xi32, #tpu.memory_space<vmem>> -> memref<1x128xi32, #tpu.memory_space<vmem>>
      %dma_wait3A_107 = tpu.memref_squeeze %dma_wait3A_106 : memref<1x128xi32, #tpu.memory_space<vmem>> -> memref<128xi32, #tpu.memory_space<vmem>>
      %dma_wait3A_108 = arith.constant 0 : i32
      %dma_wait3A_109 = arith.constant 0 : i32
      %dma_wait3A_110 = tpu.memref_slice %arg10[%dma_wait3A_108, %dma_wait3A_109] : memref<10000x16xf32, #tpu.memory_space<vmem_shared>> -> memref<10000x16xf32, #tpu.memory_space<vmem_shared>>
      tpu.wait_indirect_dma semaphore(%arg12 : memref<!tpu.dma_semaphore, #tpu.memory_space<semaphore_mem>>) src(%dma_wait3A_110 : memref<10000x16xf32, #tpu.memory_space<vmem_shared>>) dst(%dma_wait3A_104 : memref<128x16xf32, #tpu.memory_space<vmem>>)
      %add3A_111 = arith.constant 1 : i32
      %add3A_112 = arith.addi %add3A_72, %add3A_111 : i32
      %dma_start3A_113 = arith.constant 1 : i32
      %dma_start3A_114 = arith.constant 0 : i32
      %dma_start3A_115 = arith.constant 0 : i32
      %dma_start3A_116 = tpu.memref_slice %arg8[%dma_start3A_113, %dma_start3A_114, %dma_start3A_115] : memref<4x128x16xf32, #tpu.memory_space<vmem>> -> memref<1x128x16xf32, #tpu.memory_space<vmem>>
      %dma_start3A_117 = tpu.memref_squeeze %dma_start3A_116 : memref<1x128x16xf32, #tpu.memory_space<vmem>> -> memref<128x16xf32, #tpu.memory_space<vmem>>
      %dma_start3A_118 = arith.constant 0 : i32
      %dma_start3A_119 = tpu.memref_slice %arg7[%add3A_112, %dma_start3A_118] : memref<160x128xi32, #tpu.memory_space<vmem>> -> memref<1x128xi32, #tpu.memory_space<vmem>>
      %dma_start3A_120 = tpu.memref_squeeze %dma_start3A_119 : memref<1x128xi32, #tpu.memory_space<vmem>> -> memref<128xi32, #tpu.memory_space<vmem>>
      %dma_start3A_121 = arith.constant 0 : i32
      %dma_start3A_122 = arith.constant 0 : i32
      %dma_start3A_123 = tpu.memref_slice %arg11[%dma_start3A_121, %dma_start3A_122] : memref<10240x16xf32, #tpu.memory_space<vmem_shared>> -> memref<10240x16xf32, #tpu.memory_space<vmem_shared>>
      tpu.enqueue_indirect_dma source(%dma_start3A_117 : memref<128x16xf32, #tpu.memory_space<vmem>>) target(%dma_start3A_123 : memref<10240x16xf32, #tpu.memory_space<vmem_shared>>) offsets(%dma_start3A_120 : memref<128xi32, #tpu.memory_space<vmem>>) semaphore(%arg13 : memref<!tpu.dma_semaphore, #tpu.memory_space<semaphore_mem>>) {add = true}
      %add3A_124 = arith.constant 2 : i32
      %add3A_125 = arith.addi %add3A_72, %add3A_124 : i32
      %dma_wait3A_126 = arith.constant 2 : i32
      %dma_wait3A_127 = arith.constant 0 : i32
      %dma_wait3A_128 = arith.constant 0 : i32
      %dma_wait3A_129 = tpu.memref_slice %arg8[%dma_wait3A_126, %dma_wait3A_127, %dma_wait3A_128] : memref<4x128x16xf32, #tpu.memory_space<vmem>> -> memref<1x128x16xf32, #tpu.memory_space<vmem>>
      %dma_wait3A_130 = tpu.memref_squeeze %dma_wait3A_129 : memref<1x128x16xf32, #tpu.memory_space<vmem>> -> memref<128x16xf32, #tpu.memory_space<vmem>>
      %dma_wait3A_131 = arith.constant 0 : i32
      %dma_wait3A_132 = tpu.memref_slice %arg6[%add3A_125, %dma_wait3A_131] : memref<160x128xi32, #tpu.memory_space<vmem>> -> memref<1x128xi32, #tpu.memory_space<vmem>>
      %dma_wait3A_133 = tpu.memref_squeeze %dma_wait3A_132 : memref<1x128xi32, #tpu.memory_space<vmem>> -> memref<128xi32, #tpu.memory_space<vmem>>
      %dma_wait3A_134 = arith.constant 0 : i32
      %dma_wait3A_135 = arith.constant 0 : i32
      %dma_wait3A_136 = tpu.memref_slice %arg10[%dma_wait3A_134, %dma_wait3A_135] : memref<10000x16xf32, #tpu.memory_space<vmem_shared>> -> memref<10000x16xf32, #tpu.memory_space<vmem_shared>>
      tpu.wait_indirect_dma semaphore(%arg12 : memref<!tpu.dma_semaphore, #tpu.memory_space<semaphore_mem>>) src(%dma_wait3A_136 : memref<10000x16xf32, #tpu.memory_space<vmem_shared>>) dst(%dma_wait3A_130 : memref<128x16xf32, #tpu.memory_space<vmem>>)
      %add3A_137 = arith.constant 2 : i32
      %add3A_138 = arith.addi %add3A_72, %add3A_137 : i32
      %dma_start3A_139 = arith.constant 2 : i32
      %dma_start3A_140 = arith.constant 0 : i32
      %dma_start3A_141 = arith.constant 0 : i32
      %dma_start3A_142 = tpu.memref_slice %arg8[%dma_start3A_139, %dma_start3A_140, %dma_start3A_141] : memref<4x128x16xf32, #tpu.memory_space<vmem>> -> memref<1x128x16xf32, #tpu.memory_space<vmem>>
      %dma_start3A_143 = tpu.memref_squeeze %dma_start3A_142 : memref<1x128x16xf32, #tpu.memory_space<vmem>> -> memref<128x16xf32, #tpu.memory_space<vmem>>
      %dma_start3A_144 = arith.constant 0 : i32
      %dma_start3A_145 = tpu.memref_slice %arg7[%add3A_138, %dma_start3A_144] : memref<160x128xi32, #tpu.memory_space<vmem>> -> memref<1x128xi32, #tpu.memory_space<vmem>>
      %dma_start3A_146 = tpu.memref_squeeze %dma_start3A_145 : memref<1x128xi32, #tpu.memory_space<vmem>> -> memref<128xi32, #tpu.memory_space<vmem>>
      %dma_start3A_147 = arith.constant 0 : i32
      %dma_start3A_148 = arith.constant 0 : i32
      %dma_start3A_149 = tpu.memref_slice %arg11[%dma_start3A_147, %dma_start3A_148] : memref<10240x16xf32, #tpu.memory_space<vmem_shared>> -> memref<10240x16xf32, #tpu.memory_space<vmem_shared>>
      tpu.enqueue_indirect_dma source(%dma_start3A_143 : memref<128x16xf32, #tpu.memory_space<vmem>>) target(%dma_start3A_149 : memref<10240x16xf32, #tpu.memory_space<vmem_shared>>) offsets(%dma_start3A_146 : memref<128xi32, #tpu.memory_space<vmem>>) semaphore(%arg13 : memref<!tpu.dma_semaphore, #tpu.memory_space<semaphore_mem>>) {add = true}
      %add3A_150 = arith.constant 3 : i32
      %add3A_151 = arith.addi %add3A_72, %add3A_150 : i32
      %dma_wait3A_152 = arith.constant 3 : i32
      %dma_wait3A_153 = arith.constant 0 : i32
      %dma_wait3A_154 = arith.constant 0 : i32
      %dma_wait3A_155 = tpu.memref_slice %arg8[%dma_wait3A_152, %dma_wait3A_153, %dma_wait3A_154] : memref<4x128x16xf32, #tpu.memory_space<vmem>> -> memref<1x128x16xf32, #tpu.memory_space<vmem>>
      %dma_wait3A_156 = tpu.memref_squeeze %dma_wait3A_155 : memref<1x128x16xf32, #tpu.memory_space<vmem>> -> memref<128x16xf32, #tpu.memory_space<vmem>>
      %dma_wait3A_157 = arith.constant 0 : i32
      %dma_wait3A_158 = tpu.memref_slice %arg6[%add3A_151, %dma_wait3A_157] : memref<160x128xi32, #tpu.memory_space<vmem>> -> memref<1x128xi32, #tpu.memory_space<vmem>>
      %dma_wait3A_159 = tpu.memref_squeeze %dma_wait3A_158 : memref<1x128xi32, #tpu.memory_space<vmem>> -> memref<128xi32, #tpu.memory_space<vmem>>
      %dma_wait3A_160 = arith.constant 0 : i32
      %dma_wait3A_161 = arith.constant 0 : i32
      %dma_wait3A_162 = tpu.memref_slice %arg10[%dma_wait3A_160, %dma_wait3A_161] : memref<10000x16xf32, #tpu.memory_space<vmem_shared>> -> memref<10000x16xf32, #tpu.memory_space<vmem_shared>>
      tpu.wait_indirect_dma semaphore(%arg12 : memref<!tpu.dma_semaphore, #tpu.memory_space<semaphore_mem>>) src(%dma_wait3A_162 : memref<10000x16xf32, #tpu.memory_space<vmem_shared>>) dst(%dma_wait3A_156 : memref<128x16xf32, #tpu.memory_space<vmem>>)
      %add3A_163 = arith.constant 3 : i32
      %add3A_164 = arith.addi %add3A_72, %add3A_163 : i32
      %dma_start3A_165 = arith.constant 3 : i32
      %dma_start3A_166 = arith.constant 0 : i32
      %dma_start3A_167 = arith.constant 0 : i32
      %dma_start3A_168 = tpu.memref_slice %arg8[%dma_start3A_165, %dma_start3A_166, %dma_start3A_167] : memref<4x128x16xf32, #tpu.memory_space<vmem>> -> memref<1x128x16xf32, #tpu.memory_space<vmem>>
      %dma_start3A_169 = tpu.memref_squeeze %dma_start3A_168 : memref<1x128x16xf32, #tpu.memory_space<vmem>> -> memref<128x16xf32, #tpu.memory_space<vmem>>
      %dma_start3A_170 = arith.constant 0 : i32
      %dma_start3A_171 = tpu.memref_slice %arg7[%add3A_164, %dma_start3A_170] : memref<160x128xi32, #tpu.memory_space<vmem>> -> memref<1x128xi32, #tpu.memory_space<vmem>>
      %dma_start3A_172 = tpu.memref_squeeze %dma_start3A_171 : memref<1x128xi32, #tpu.memory_space<vmem>> -> memref<128xi32, #tpu.memory_space<vmem>>
      %dma_start3A_173 = arith.constant 0 : i32
      %dma_start3A_174 = arith.constant 0 : i32
      %dma_start3A_175 = tpu.memref_slice %arg11[%dma_start3A_173, %dma_start3A_174] : memref<10240x16xf32, #tpu.memory_space<vmem_shared>> -> memref<10240x16xf32, #tpu.memory_space<vmem_shared>>
      tpu.enqueue_indirect_dma source(%dma_start3A_169 : memref<128x16xf32, #tpu.memory_space<vmem>>) target(%dma_start3A_175 : memref<10240x16xf32, #tpu.memory_space<vmem_shared>>) offsets(%dma_start3A_172 : memref<128xi32, #tpu.memory_space<vmem>>) semaphore(%arg13 : memref<!tpu.dma_semaphore, #tpu.memory_space<semaphore_mem>>) {add = true}
      %dma_wait3A_176 = arith.constant 0 : i32
      %dma_wait3A_177 = arith.constant 0 : i32
      %dma_wait3A_178 = arith.constant 0 : i32
      %dma_wait3A_179 = tpu.memref_slice %arg8[%dma_wait3A_176, %dma_wait3A_177, %dma_wait3A_178] : memref<4x128x16xf32, #tpu.memory_space<vmem>> -> memref<1x128x16xf32, #tpu.memory_space<vmem>>
      %dma_wait3A_180 = tpu.memref_squeeze %dma_wait3A_179 : memref<1x128x16xf32, #tpu.memory_space<vmem>> -> memref<128x16xf32, #tpu.memory_space<vmem>>
      %dma_wait3A_181 = arith.constant 0 : i32
      %dma_wait3A_182 = tpu.memref_slice %arg7[%add3A_86, %dma_wait3A_181] : memref<160x128xi32, #tpu.memory_space<vmem>> -> memref<1x128xi32, #tpu.memory_space<vmem>>
      %dma_wait3A_183 = tpu.memref_squeeze %dma_wait3A_182 : memref<1x128xi32, #tpu.memory_space<vmem>> -> memref<128xi32, #tpu.memory_space<vmem>>
      %dma_wait3A_184 = arith.constant 0 : i32
      %dma_wait3A_185 = arith.constant 0 : i32
      %dma_wait3A_186 = tpu.memref_slice %arg11[%dma_wait3A_184, %dma_wait3A_185] : memref<10240x16xf32, #tpu.memory_space<vmem_shared>> -> memref<10240x16xf32, #tpu.memory_space<vmem_shared>>
      tpu.wait_indirect_dma semaphore(%arg13 : memref<!tpu.dma_semaphore, #tpu.memory_space<semaphore_mem>>) src(%dma_wait3A_180 : memref<128x16xf32, #tpu.memory_space<vmem>>) dst(%dma_wait3A_186 : memref<10240x16xf32, #tpu.memory_space<vmem_shared>>)
      %add3A_187 = arith.constant 4 : i32
      %add3A_188 = arith.addi %add3A_72, %add3A_187 : i32
      %add3A_189 = arith.constant 0 : i32
      %add3A_190 = arith.addi %add3A_188, %add3A_189 : i32
      %lt3A = arith.constant 160 : i32
      %lt3A_191 = arith.cmpi slt, %add3A_190, %lt3A : i32
      %convert_element_type3A = arith.extui %lt3A_191 : i1 to i32
      %cond3A = arith.constant 0 : i32
      %cond3A_192 = arith.cmpi ne, %convert_element_type3A, %cond3A : i32
      scf.if %cond3A_192 {
        %add3A_253 = arith.constant 4 : i32
        %add3A_254 = arith.addi %add3A_72, %add3A_253 : i32
        %add3A_255 = arith.constant 0 : i32
        %add3A_256 = arith.addi %add3A_254, %add3A_255 : i32
        %dma_start3A_257 = arith.constant 0 : i32
        %dma_start3A_258 = arith.constant 0 : i32
        %dma_start3A_259 = arith.constant 0 : i32
        %dma_start3A_260 = tpu.memref_slice %arg8[%dma_start3A_257, %dma_start3A_258, %dma_start3A_259] : memref<4x128x16xf32, #tpu.memory_space<vmem>> -> memref<1x128x16xf32, #tpu.memory_space<vmem>>
        %dma_start3A_261 = tpu.memref_squeeze %dma_start3A_260 : memref<1x128x16xf32, #tpu.memory_space<vmem>> -> memref<128x16xf32, #tpu.memory_space<vmem>>
        %dma_start3A_262 = arith.constant 0 : i32
        %dma_start3A_263 = tpu.memref_slice %arg6[%add3A_256, %dma_start3A_262] : memref<160x128xi32, #tpu.memory_space<vmem>> -> memref<1x128xi32, #tpu.memory_space<vmem>>
        %dma_start3A_264 = tpu.memref_squeeze %dma_start3A_263 : memref<1x128xi32, #tpu.memory_space<vmem>> -> memref<128xi32, #tpu.memory_space<vmem>>
        %dma_start3A_265 = arith.constant 0 : i32
        %dma_start3A_266 = arith.constant 0 : i32
        %dma_start3A_267 = tpu.memref_slice %arg10[%dma_start3A_265, %dma_start3A_266] : memref<10000x16xf32, #tpu.memory_space<vmem_shared>> -> memref<10000x16xf32, #tpu.memory_space<vmem_shared>>
        tpu.enqueue_indirect_dma source(%dma_start3A_267 : memref<10000x16xf32, #tpu.memory_space<vmem_shared>>) target(%dma_start3A_261 : memref<128x16xf32, #tpu.memory_space<vmem>>) offsets(%dma_start3A_264 : memref<128xi32, #tpu.memory_space<vmem>>) semaphore(%arg12 : memref<!tpu.dma_semaphore, #tpu.memory_space<semaphore_mem>>)
      } else {
      }
      %dma_wait3A_193 = arith.constant 1 : i32
      %dma_wait3A_194 = arith.constant 0 : i32
      %dma_wait3A_195 = arith.constant 0 : i32
      %dma_wait3A_196 = tpu.memref_slice %arg8[%dma_wait3A_193, %dma_wait3A_194, %dma_wait3A_195] : memref<4x128x16xf32, #tpu.memory_space<vmem>> -> memref<1x128x16xf32, #tpu.memory_space<vmem>>
      %dma_wait3A_197 = tpu.memref_squeeze %dma_wait3A_196 : memref<1x128x16xf32, #tpu.memory_space<vmem>> -> memref<128x16xf32, #tpu.memory_space<vmem>>
      %dma_wait3A_198 = arith.constant 0 : i32
      %dma_wait3A_199 = tpu.memref_slice %arg7[%add3A_112, %dma_wait3A_198] : memref<160x128xi32, #tpu.memory_space<vmem>> -> memref<1x128xi32, #tpu.memory_space<vmem>>
      %dma_wait3A_200 = tpu.memref_squeeze %dma_wait3A_199 : memref<1x128xi32, #tpu.memory_space<vmem>> -> memref<128xi32, #tpu.memory_space<vmem>>
      %dma_wait3A_201 = arith.constant 0 : i32
      %dma_wait3A_202 = arith.constant 0 : i32
      %dma_wait3A_203 = tpu.memref_slice %arg11[%dma_wait3A_201, %dma_wait3A_202] : memref<10240x16xf32, #tpu.memory_space<vmem_shared>> -> memref<10240x16xf32, #tpu.memory_space<vmem_shared>>
      tpu.wait_indirect_dma semaphore(%arg13 : memref<!tpu.dma_semaphore, #tpu.memory_space<semaphore_mem>>) src(%dma_wait3A_197 : memref<128x16xf32, #tpu.memory_space<vmem>>) dst(%dma_wait3A_203 : memref<10240x16xf32, #tpu.memory_space<vmem_shared>>)
      %add3A_204 = arith.constant 4 : i32
      %add3A_205 = arith.addi %add3A_72, %add3A_204 : i32
      %add3A_206 = arith.constant 1 : i32
      %add3A_207 = arith.addi %add3A_205, %add3A_206 : i32
      %lt3A_208 = arith.constant 160 : i32
      %lt3A_209 = arith.cmpi slt, %add3A_207, %lt3A_208 : i32
      %convert_element_type3A_210 = arith.extui %lt3A_209 : i1 to i32
      %cond3A_211 = arith.constant 0 : i32
      %cond3A_212 = arith.cmpi ne, %convert_element_type3A_210, %cond3A_211 : i32
      scf.if %cond3A_212 {
        %add3A_253 = arith.constant 4 : i32
        %add3A_254 = arith.addi %add3A_72, %add3A_253 : i32
        %add3A_255 = arith.constant 1 : i32
        %add3A_256 = arith.addi %add3A_254, %add3A_255 : i32
        %dma_start3A_257 = arith.constant 1 : i32
        %dma_start3A_258 = arith.constant 0 : i32
        %dma_start3A_259 = arith.constant 0 : i32
        %dma_start3A_260 = tpu.memref_slice %arg8[%dma_start3A_257, %dma_start3A_258, %dma_start3A_259] : memref<4x128x16xf32, #tpu.memory_space<vmem>> -> memref<1x128x16xf32, #tpu.memory_space<vmem>>
        %dma_start3A_261 = tpu.memref_squeeze %dma_start3A_260 : memref<1x128x16xf32, #tpu.memory_space<vmem>> -> memref<128x16xf32, #tpu.memory_space<vmem>>
        %dma_start3A_262 = arith.constant 0 : i32
        %dma_start3A_263 = tpu.memref_slice %arg6[%add3A_256, %dma_start3A_262] : memref<160x128xi32, #tpu.memory_space<vmem>> -> memref<1x128xi32, #tpu.memory_space<vmem>>
        %dma_start3A_264 = tpu.memref_squeeze %dma_start3A_263 : memref<1x128xi32, #tpu.memory_space<vmem>> -> memref<128xi32, #tpu.memory_space<vmem>>
        %dma_start3A_265 = arith.constant 0 : i32
        %dma_start3A_266 = arith.constant 0 : i32
        %dma_start3A_267 = tpu.memref_slice %arg10[%dma_start3A_265, %dma_start3A_266] : memref<10000x16xf32, #tpu.memory_space<vmem_shared>> -> memref<10000x16xf32, #tpu.memory_space<vmem_shared>>
        tpu.enqueue_indirect_dma source(%dma_start3A_267 : memref<10000x16xf32, #tpu.memory_space<vmem_shared>>) target(%dma_start3A_261 : memref<128x16xf32, #tpu.memory_space<vmem>>) offsets(%dma_start3A_264 : memref<128xi32, #tpu.memory_space<vmem>>) semaphore(%arg12 : memref<!tpu.dma_semaphore, #tpu.memory_space<semaphore_mem>>)
      } else {
      }
      %dma_wait3A_213 = arith.constant 2 : i32
      %dma_wait3A_214 = arith.constant 0 : i32
      %dma_wait3A_215 = arith.constant 0 : i32
      %dma_wait3A_216 = tpu.memref_slice %arg8[%dma_wait3A_213, %dma_wait3A_214, %dma_wait3A_215] : memref<4x128x16xf32, #tpu.memory_space<vmem>> -> memref<1x128x16xf32, #tpu.memory_space<vmem>>
      %dma_wait3A_217 = tpu.memref_squeeze %dma_wait3A_216 : memref<1x128x16xf32, #tpu.memory_space<vmem>> -> memref<128x16xf32, #tpu.memory_space<vmem>>
      %dma_wait3A_218 = arith.constant 0 : i32
      %dma_wait3A_219 = tpu.memref_slice %arg7[%add3A_138, %dma_wait3A_218] : memref<160x128xi32, #tpu.memory_space<vmem>> -> memref<1x128xi32, #tpu.memory_space<vmem>>
      %dma_wait3A_220 = tpu.memref_squeeze %dma_wait3A_219 : memref<1x128xi32, #tpu.memory_space<vmem>> -> memref<128xi32, #tpu.memory_space<vmem>>
      %dma_wait3A_221 = arith.constant 0 : i32
      %dma_wait3A_222 = arith.constant 0 : i32
      %dma_wait3A_223 = tpu.memref_slice %arg11[%dma_wait3A_221, %dma_wait3A_222] : memref<10240x16xf32, #tpu.memory_space<vmem_shared>> -> memref<10240x16xf32, #tpu.memory_space<vmem_shared>>
      tpu.wait_indirect_dma semaphore(%arg13 : memref<!tpu.dma_semaphore, #tpu.memory_space<semaphore_mem>>) src(%dma_wait3A_217 : memref<128x16xf32, #tpu.memory_space<vmem>>) dst(%dma_wait3A_223 : memref<10240x16xf32, #tpu.memory_space<vmem_shared>>)
      %add3A_224 = arith.constant 4 : i32
      %add3A_225 = arith.addi %add3A_72, %add3A_224 : i32
      %add3A_226 = arith.constant 2 : i32
      %add3A_227 = arith.addi %add3A_225, %add3A_226 : i32
      %lt3A_228 = arith.constant 160 : i32
      %lt3A_229 = arith.cmpi slt, %add3A_227, %lt3A_228 : i32
      %convert_element_type3A_230 = arith.extui %lt3A_229 : i1 to i32
      %cond3A_231 = arith.constant 0 : i32
      %cond3A_232 = arith.cmpi ne, %convert_element_type3A_230, %cond3A_231 : i32
      scf.if %cond3A_232 {
        %add3A_253 = arith.constant 4 : i32
        %add3A_254 = arith.addi %add3A_72, %add3A_253 : i32
        %add3A_255 = arith.constant 2 : i32
        %add3A_256 = arith.addi %add3A_254, %add3A_255 : i32
        %dma_start3A_257 = arith.constant 2 : i32
        %dma_start3A_258 = arith.constant 0 : i32
        %dma_start3A_259 = arith.constant 0 : i32
        %dma_start3A_260 = tpu.memref_slice %arg8[%dma_start3A_257, %dma_start3A_258, %dma_start3A_259] : memref<4x128x16xf32, #tpu.memory_space<vmem>> -> memref<1x128x16xf32, #tpu.memory_space<vmem>>
        %dma_start3A_261 = tpu.memref_squeeze %dma_start3A_260 : memref<1x128x16xf32, #tpu.memory_space<vmem>> -> memref<128x16xf32, #tpu.memory_space<vmem>>
        %dma_start3A_262 = arith.constant 0 : i32
        %dma_start3A_263 = tpu.memref_slice %arg6[%add3A_256, %dma_start3A_262] : memref<160x128xi32, #tpu.memory_space<vmem>> -> memref<1x128xi32, #tpu.memory_space<vmem>>
        %dma_start3A_264 = tpu.memref_squeeze %dma_start3A_263 : memref<1x128xi32, #tpu.memory_space<vmem>> -> memref<128xi32, #tpu.memory_space<vmem>>
        %dma_start3A_265 = arith.constant 0 : i32
        %dma_start3A_266 = arith.constant 0 : i32
        %dma_start3A_267 = tpu.memref_slice %arg10[%dma_start3A_265, %dma_start3A_266] : memref<10000x16xf32, #tpu.memory_space<vmem_shared>> -> memref<10000x16xf32, #tpu.memory_space<vmem_shared>>
        tpu.enqueue_indirect_dma source(%dma_start3A_267 : memref<10000x16xf32, #tpu.memory_space<vmem_shared>>) target(%dma_start3A_261 : memref<128x16xf32, #tpu.memory_space<vmem>>) offsets(%dma_start3A_264 : memref<128xi32, #tpu.memory_space<vmem>>) semaphore(%arg12 : memref<!tpu.dma_semaphore, #tpu.memory_space<semaphore_mem>>)
      } else {
      }
      %dma_wait3A_233 = arith.constant 3 : i32
      %dma_wait3A_234 = arith.constant 0 : i32
      %dma_wait3A_235 = arith.constant 0 : i32
      %dma_wait3A_236 = tpu.memref_slice %arg8[%dma_wait3A_233, %dma_wait3A_234, %dma_wait3A_235] : memref<4x128x16xf32, #tpu.memory_space<vmem>> -> memref<1x128x16xf32, #tpu.memory_space<vmem>>
      %dma_wait3A_237 = tpu.memref_squeeze %dma_wait3A_236 : memref<1x128x16xf32, #tpu.memory_space<vmem>> -> memref<128x16xf32, #tpu.memory_space<vmem>>
      %dma_wait3A_238 = arith.constant 0 : i32
      %dma_wait3A_239 = tpu.memref_slice %arg7[%add3A_164, %dma_wait3A_238] : memref<160x128xi32, #tpu.memory_space<vmem>> -> memref<1x128xi32, #tpu.memory_space<vmem>>
      %dma_wait3A_240 = tpu.memref_squeeze %dma_wait3A_239 : memref<1x128xi32, #tpu.memory_space<vmem>> -> memref<128xi32, #tpu.memory_space<vmem>>
      %dma_wait3A_241 = arith.constant 0 : i32
      %dma_wait3A_242 = arith.constant 0 : i32
      %dma_wait3A_243 = tpu.memref_slice %arg11[%dma_wait3A_241, %dma_wait3A_242] : memref<10240x16xf32, #tpu.memory_space<vmem_shared>> -> memref<10240x16xf32, #tpu.memory_space<vmem_shared>>
      tpu.wait_indirect_dma semaphore(%arg13 : memref<!tpu.dma_semaphore, #tpu.memory_space<semaphore_mem>>) src(%dma_wait3A_237 : memref<128x16xf32, #tpu.memory_space<vmem>>) dst(%dma_wait3A_243 : memref<10240x16xf32, #tpu.memory_space<vmem_shared>>)
      %add3A_244 = arith.constant 4 : i32
      %add3A_245 = arith.addi %add3A_72, %add3A_244 : i32
      %add3A_246 = arith.constant 3 : i32
      %add3A_247 = arith.addi %add3A_245, %add3A_246 : i32
      %lt3A_248 = arith.constant 160 : i32
      %lt3A_249 = arith.cmpi slt, %add3A_247, %lt3A_248 : i32
      %convert_element_type3A_250 = arith.extui %lt3A_249 : i1 to i32
      %cond3A_251 = arith.constant 0 : i32
      %cond3A_252 = arith.cmpi ne, %convert_element_type3A_250, %cond3A_251 : i32
      scf.if %cond3A_252 {
        %add3A_253 = arith.constant 4 : i32
        %add3A_254 = arith.addi %add3A_72, %add3A_253 : i32
        %add3A_255 = arith.constant 3 : i32
        %add3A_256 = arith.addi %add3A_254, %add3A_255 : i32
        %dma_start3A_257 = arith.constant 3 : i32
        %dma_start3A_258 = arith.constant 0 : i32
        %dma_start3A_259 = arith.constant 0 : i32
        %dma_start3A_260 = tpu.memref_slice %arg8[%dma_start3A_257, %dma_start3A_258, %dma_start3A_259] : memref<4x128x16xf32, #tpu.memory_space<vmem>> -> memref<1x128x16xf32, #tpu.memory_space<vmem>>
        %dma_start3A_261 = tpu.memref_squeeze %dma_start3A_260 : memref<1x128x16xf32, #tpu.memory_space<vmem>> -> memref<128x16xf32, #tpu.memory_space<vmem>>
        %dma_start3A_262 = arith.constant 0 : i32
        %dma_start3A_263 = tpu.memref_slice %arg6[%add3A_256, %dma_start3A_262] : memref<160x128xi32, #tpu.memory_space<vmem>> -> memref<1x128xi32, #tpu.memory_space<vmem>>
        %dma_start3A_264 = tpu.memref_squeeze %dma_start3A_263 : memref<1x128xi32, #tpu.memory_space<vmem>> -> memref<128xi32, #tpu.memory_space<vmem>>
        %dma_start3A_265 = arith.constant 0 : i32
        %dma_start3A_266 = arith.constant 0 : i32
        %dma_start3A_267 = tpu.memref_slice %arg10[%dma_start3A_265, %dma_start3A_266] : memref<10000x16xf32, #tpu.memory_space<vmem_shared>> -> memref<10000x16xf32, #tpu.memory_space<vmem_shared>>
        tpu.enqueue_indirect_dma source(%dma_start3A_267 : memref<10000x16xf32, #tpu.memory_space<vmem_shared>>) target(%dma_start3A_261 : memref<128x16xf32, #tpu.memory_space<vmem>>) offsets(%dma_start3A_264 : memref<128xi32, #tpu.memory_space<vmem>>) semaphore(%arg12 : memref<!tpu.dma_semaphore, #tpu.memory_space<semaphore_mem>>)
      } else {
      }
    }
    %scan3A_67 = arith.constant 40 : i32
    %barrier3A_68 = arith.constant 0 : index
    tpu.barrier barrier_id(%barrier3A_68)
    "tpu.region"() ({
      %run_scoped3A = tpu.sem_alloc : memref<!tpu.dma_semaphore, #tpu.memory_space<semaphore_mem>>
      %dma_start3A_69 = arith.constant 0 : i32
      %dma_start3A_70 = tpu.memref_slice %arg5[%arg0, %mul3A_0, %dma_start3A_69] : memref<2x10240x16xf32, #tpu.memory_space<hbm>> -> memref<1x640x16xf32, #tpu.memory_space<hbm>>
      %dma_start3A_71 = tpu.memref_squeeze %dma_start3A_70 : memref<1x640x16xf32, #tpu.memory_space<hbm>> -> memref<640x16xf32, #tpu.memory_space<hbm>>
      %dma_start3A_72 = arith.constant 0 : i32
      %dma_start3A_73 = tpu.memref_slice %arg11[%mul3A_0, %dma_start3A_72] : memref<10240x16xf32, #tpu.memory_space<vmem_shared>> -> memref<640x16xf32, #tpu.memory_space<vmem_shared>>
      tpu.enqueue_dma source(%dma_start3A_73 : memref<640x16xf32, #tpu.memory_space<vmem_shared>>) target(%dma_start3A_71 : memref<640x16xf32, #tpu.memory_space<hbm>>) target_semaphore(%run_scoped3A : memref<!tpu.dma_semaphore, #tpu.memory_space<semaphore_mem>>)
      %dma_wait3A = arith.constant 0 : i32
      %dma_wait3A_74 = tpu.memref_slice %arg5[%arg0, %mul3A_0, %dma_wait3A] : memref<2x10240x16xf32, #tpu.memory_space<hbm>> -> memref<1x640x16xf32, #tpu.memory_space<hbm>>
      %dma_wait3A_75 = tpu.memref_squeeze %dma_wait3A_74 : memref<1x640x16xf32, #tpu.memory_space<hbm>> -> memref<640x16xf32, #tpu.memory_space<hbm>>
      %dma_wait3A_76 = arith.constant 0 : i32
      %dma_wait3A_77 = tpu.memref_slice %arg11[%mul3A_0, %dma_wait3A_76] : memref<10240x16xf32, #tpu.memory_space<vmem_shared>> -> memref<640x16xf32, #tpu.memory_space<vmem_shared>>
      tpu.wait_dma2 semaphore(%run_scoped3A : memref<!tpu.dma_semaphore, #tpu.memory_space<semaphore_mem>>) src(%dma_wait3A_77 : memref<640x16xf32, #tpu.memory_space<vmem_shared>>) dst(%dma_wait3A_75 : memref<640x16xf32, #tpu.memory_space<hbm>>)
      tpu.yield
    }) : () -> ()
    return
  }
}

#map = affine_map<(d0, d1) -> (0, 0)>
#map1 = affine_map<(d0, d1) -> (0, 0, 0)>
module attributes {stable_mosaic.version = 14 : i64} {
  func.func @k(%arg0: i32, %arg1: i32, %arg2: memref<2560x128xi32, #tpu.memory_space<hbm>>, %arg3: memref<128x1xf32, #tpu.memory_space<hbm>>, %arg4: memref<10240x1xf32, #tpu.memory_space<hbm>>, %arg5: memref<2x10240x1xf32, #tpu.memory_space<hbm>>, %arg6: memref<80x128xi32, #tpu.memory_space<vmem>>, %arg7: memref<128x1xf32, #tpu.memory_space<vmem>>, %arg8: memref<10240x1xf32, #tpu.memory_space<vmem_shared>>) attributes {dimension_semantics = [#tpu.dimension_semantics<core_parallel>, #tpu.dimension_semantics<subcore_parallel>], iteration_bounds = array<i64: 2, 16>, scalar_prefetch = 0 : i64, scratch_operands = 3 : i64, tpu.core_type = #tpu.core_type<sc_vector_subcore>, window_params = [{transform_indices = #map}, {transform_indices = #map}, {transform_indices = #map}, {transform_indices = #map1}]} {
    %mul3A = arith.constant 16 : i32
    %mul3A_0 = arith.muli %arg0, %mul3A : i32
    %add3A = arith.addi %mul3A_0, %arg1 : i32
    %mul3A_1 = arith.constant 640 : i32
    %mul3A_2 = arith.muli %arg1, %mul3A_1 : i32
    "tpu.region"() ({
      %run_scoped3A = tpu.sem_alloc : memref<!tpu.dma_semaphore, #tpu.memory_space<semaphore_mem>>
      %dma_start3A = arith.constant 0 : i32
      %dma_start3A_10 = tpu.memref_slice %arg8[%mul3A_2, %dma_start3A] : memref<10240x1xf32, #tpu.memory_space<vmem_shared>> -> memref<640x1xf32, #tpu.memory_space<vmem_shared>>
      %dma_start3A_11 = arith.constant 0 : i32
      %dma_start3A_12 = tpu.memref_slice %arg4[%mul3A_2, %dma_start3A_11] : memref<10240x1xf32, #tpu.memory_space<hbm>> -> memref<640x1xf32, #tpu.memory_space<hbm>>
      tpu.enqueue_dma source(%dma_start3A_12 : memref<640x1xf32, #tpu.memory_space<hbm>>) target(%dma_start3A_10 : memref<640x1xf32, #tpu.memory_space<vmem_shared>>) target_semaphore(%run_scoped3A : memref<!tpu.dma_semaphore, #tpu.memory_space<semaphore_mem>>)
      %dma_wait3A = arith.constant 0 : i32
      %dma_wait3A_13 = tpu.memref_slice %arg8[%mul3A_2, %dma_wait3A] : memref<10240x1xf32, #tpu.memory_space<vmem_shared>> -> memref<640x1xf32, #tpu.memory_space<vmem_shared>>
      %dma_wait3A_14 = arith.constant 0 : i32
      %dma_wait3A_15 = tpu.memref_slice %arg4[%mul3A_2, %dma_wait3A_14] : memref<10240x1xf32, #tpu.memory_space<hbm>> -> memref<640x1xf32, #tpu.memory_space<hbm>>
      tpu.wait_dma2 semaphore(%run_scoped3A : memref<!tpu.dma_semaphore, #tpu.memory_space<semaphore_mem>>) src(%dma_wait3A_15 : memref<640x1xf32, #tpu.memory_space<hbm>>) dst(%dma_wait3A_13 : memref<640x1xf32, #tpu.memory_space<vmem_shared>>)
      tpu.yield
    }) : () -> ()
    "tpu.region"() ({
      %run_scoped3A = tpu.sem_alloc : memref<!tpu.dma_semaphore, #tpu.memory_space<semaphore_mem>>
      tpu.enqueue_dma source(%arg3 : memref<128x1xf32, #tpu.memory_space<hbm>>) target(%arg7 : memref<128x1xf32, #tpu.memory_space<vmem>>) target_semaphore(%run_scoped3A : memref<!tpu.dma_semaphore, #tpu.memory_space<semaphore_mem>>)
      tpu.wait_dma2 semaphore(%run_scoped3A : memref<!tpu.dma_semaphore, #tpu.memory_space<semaphore_mem>>) src(%arg3 : memref<128x1xf32, #tpu.memory_space<hbm>>) dst(%arg7 : memref<128x1xf32, #tpu.memory_space<vmem>>)
      tpu.yield
    }) : () -> ()
    %mul3A_3 = arith.constant 80 : i32
    %mul3A_4 = arith.muli %add3A, %mul3A_3 : i32
    "tpu.region"() ({
      %run_scoped3A = tpu.sem_alloc : memref<!tpu.dma_semaphore, #tpu.memory_space<semaphore_mem>>
      %dma_start3A = arith.constant 0 : i32
      %dma_start3A_10 = tpu.memref_slice %arg2[%mul3A_4, %dma_start3A] : memref<2560x128xi32, #tpu.memory_space<hbm>> -> memref<80x128xi32, #tpu.memory_space<hbm>>
      %dma_start3A_11 = arith.constant 0 : i32
      %dma_start3A_12 = tpu.memref_slice %arg2[%mul3A_4, %dma_start3A_11] : memref<2560x128xi32, #tpu.memory_space<hbm>> -> memref<80x128xi32, #tpu.memory_space<hbm>>
      tpu.enqueue_dma source(%dma_start3A_12 : memref<80x128xi32, #tpu.memory_space<hbm>>) target(%arg6 : memref<80x128xi32, #tpu.memory_space<vmem>>) target_semaphore(%run_scoped3A : memref<!tpu.dma_semaphore, #tpu.memory_space<semaphore_mem>>)
      %dma_wait3A = arith.constant 0 : i32
      %dma_wait3A_13 = tpu.memref_slice %arg2[%mul3A_4, %dma_wait3A] : memref<2560x128xi32, #tpu.memory_space<hbm>> -> memref<80x128xi32, #tpu.memory_space<hbm>>
      %dma_wait3A_14 = arith.constant 0 : i32
      %dma_wait3A_15 = tpu.memref_slice %arg2[%mul3A_4, %dma_wait3A_14] : memref<2560x128xi32, #tpu.memory_space<hbm>> -> memref<80x128xi32, #tpu.memory_space<hbm>>
      tpu.wait_dma2 semaphore(%run_scoped3A : memref<!tpu.dma_semaphore, #tpu.memory_space<semaphore_mem>>) src(%dma_wait3A_15 : memref<80x128xi32, #tpu.memory_space<hbm>>) dst(%arg6 : memref<80x128xi32, #tpu.memory_space<vmem>>)
      tpu.yield
    }) : () -> ()
    %barrier3A = arith.constant 0 : index
    tpu.barrier barrier_id(%barrier3A)
    %scan3A = arith.constant 0 : i32
    %scan3A_5 = arith.constant 80 : i32
    %scan3A_6 = arith.addi %scan3A, %scan3A_5 : i32
    %scan3A_7 = arith.constant 1 : i32
    scf.for %scan3A_10 = %scan3A to %scan3A_6 step %scan3A_7  : i32 {
      %mul3A_11 = arith.constant 1 : i32
      %mul3A_12 = arith.muli %scan3A_10, %mul3A_11 : i32
      %add3A_13 = arith.constant 0 : i32
      %add3A_14 = arith.addi %add3A_13, %mul3A_12 : i32
      "tpu.region"() ({
        %run_scoped3A = tpu.sem_alloc : memref<!tpu.dma_semaphore, #tpu.memory_space<semaphore_mem>>
        %dma_start3A = arith.constant 0 : i32
        %dma_start3A_15 = tpu.memref_slice %arg6[%add3A_14, %dma_start3A] : memref<80x128xi32, #tpu.memory_space<vmem>> -> memref<1x128xi32, #tpu.memory_space<vmem>>
        %dma_start3A_16 = tpu.memref_squeeze %dma_start3A_15 : memref<1x128xi32, #tpu.memory_space<vmem>> -> memref<128xi32, #tpu.memory_space<vmem>>
        %dma_start3A_17 = arith.constant 0 : i32
        %dma_start3A_18 = arith.constant 0 : i32
        %dma_start3A_19 = tpu.memref_slice %arg8[%dma_start3A_17, %dma_start3A_18] : memref<10240x1xf32, #tpu.memory_space<vmem_shared>> -> memref<10240x1xf32, #tpu.memory_space<vmem_shared>>
        tpu.enqueue_indirect_dma source(%arg7 : memref<128x1xf32, #tpu.memory_space<vmem>>) target(%dma_start3A_19 : memref<10240x1xf32, #tpu.memory_space<vmem_shared>>) offsets(%dma_start3A_16 : memref<128xi32, #tpu.memory_space<vmem>>) semaphore(%run_scoped3A : memref<!tpu.dma_semaphore, #tpu.memory_space<semaphore_mem>>) {add = true}
        %dma_wait3A = arith.constant 0 : i32
        %dma_wait3A_20 = tpu.memref_slice %arg6[%add3A_14, %dma_wait3A] : memref<80x128xi32, #tpu.memory_space<vmem>> -> memref<1x128xi32, #tpu.memory_space<vmem>>
        %dma_wait3A_21 = tpu.memref_squeeze %dma_wait3A_20 : memref<1x128xi32, #tpu.memory_space<vmem>> -> memref<128xi32, #tpu.memory_space<vmem>>
        %dma_wait3A_22 = arith.constant 0 : i32
        %dma_wait3A_23 = arith.constant 0 : i32
        %dma_wait3A_24 = tpu.memref_slice %arg8[%dma_wait3A_22, %dma_wait3A_23] : memref<10240x1xf32, #tpu.memory_space<vmem_shared>> -> memref<10240x1xf32, #tpu.memory_space<vmem_shared>>
        tpu.wait_indirect_dma semaphore(%run_scoped3A : memref<!tpu.dma_semaphore, #tpu.memory_space<semaphore_mem>>) src(%arg7 : memref<128x1xf32, #tpu.memory_space<vmem>>) dst(%dma_wait3A_24 : memref<10240x1xf32, #tpu.memory_space<vmem_shared>>)
        tpu.yield
      }) : () -> ()
    }
    %scan3A_8 = arith.constant 80 : i32
    %barrier3A_9 = arith.constant 0 : index
    tpu.barrier barrier_id(%barrier3A_9)
    "tpu.region"() ({
      %run_scoped3A = tpu.sem_alloc : memref<!tpu.dma_semaphore, #tpu.memory_space<semaphore_mem>>
      %dma_start3A = arith.constant 0 : i32
      %dma_start3A_10 = tpu.memref_slice %arg5[%arg0, %mul3A_2, %dma_start3A] : memref<2x10240x1xf32, #tpu.memory_space<hbm>> -> memref<1x640x1xf32, #tpu.memory_space<hbm>>
      %dma_start3A_11 = tpu.memref_squeeze %dma_start3A_10 : memref<1x640x1xf32, #tpu.memory_space<hbm>> -> memref<640x1xf32, #tpu.memory_space<hbm>>
      %dma_start3A_12 = arith.constant 0 : i32
      %dma_start3A_13 = tpu.memref_slice %arg8[%mul3A_2, %dma_start3A_12] : memref<10240x1xf32, #tpu.memory_space<vmem_shared>> -> memref<640x1xf32, #tpu.memory_space<vmem_shared>>
      tpu.enqueue_dma source(%dma_start3A_13 : memref<640x1xf32, #tpu.memory_space<vmem_shared>>) target(%dma_start3A_11 : memref<640x1xf32, #tpu.memory_space<hbm>>) target_semaphore(%run_scoped3A : memref<!tpu.dma_semaphore, #tpu.memory_space<semaphore_mem>>)
      %dma_wait3A = arith.constant 0 : i32
      %dma_wait3A_14 = tpu.memref_slice %arg5[%arg0, %mul3A_2, %dma_wait3A] : memref<2x10240x1xf32, #tpu.memory_space<hbm>> -> memref<1x640x1xf32, #tpu.memory_space<hbm>>
      %dma_wait3A_15 = tpu.memref_squeeze %dma_wait3A_14 : memref<1x640x1xf32, #tpu.memory_space<hbm>> -> memref<640x1xf32, #tpu.memory_space<hbm>>
      %dma_wait3A_16 = arith.constant 0 : i32
      %dma_wait3A_17 = tpu.memref_slice %arg8[%mul3A_2, %dma_wait3A_16] : memref<10240x1xf32, #tpu.memory_space<vmem_shared>> -> memref<640x1xf32, #tpu.memory_space<vmem_shared>>
      tpu.wait_dma2 semaphore(%run_scoped3A : memref<!tpu.dma_semaphore, #tpu.memory_space<semaphore_mem>>) src(%dma_wait3A_17 : memref<640x1xf32, #tpu.memory_space<vmem_shared>>) dst(%dma_wait3A_15 : memref<640x1xf32, #tpu.memory_space<hbm>>)
      tpu.yield
    }) : () -> ()
    return
  }
}

module attributes {stable_mosaic.version = 14 : i64} {
  func.func @body(%arg0: i32, %arg1: memref<2000x128xf32, #tpu.memory_space<vmem>>, %arg2: memref<128x64xf32, #tpu.memory_space<vmem>>, %arg3: memref<2x2000x1xf32, #tpu.memory_space<vmem>>, %arg4: memref<2x2000x32xf32, #tpu.memory_space<vmem>>, %arg5: memref<2000x1xf32, #tpu.memory_space<vmem>>) attributes {dimension_semantics = [#tpu.dimension_semantics<arbitrary>], iteration_bounds = array<i64: 5>, scalar_prefetch = 0 : i64, scratch_operands = 0 : i64, tpu.core_type = #tpu.core_type<tc>, window_params = [{transform_indices = @transform_0, window_bounds = array<i64: 2000, 128>}, {pipeline_mode = #tpu.pipeline_mode<synchronous>, transform_indices = @transform_1, window_bounds = array<i64: 128, 64>}, {transform_indices = @transform_2, window_bounds = array<i64: 2, 2000, 1>}, {transform_indices = @transform_3, window_bounds = array<i64: 2, 2000, 32>}, {transform_indices = @transform_4, window_bounds = array<i64: 2000, 1>}]} {
    %get3A = arith.constant 0 : index
    %get3A_0 = arith.constant 0 : index
    %get3A_1 = arith.constant 0 : index
    %get3A_2 = vector.load %arg3[%get3A, %get3A_0, %get3A_1] : memref<2x2000x1xf32, #tpu.memory_space<vmem>>, vector<1x2000x1xf32>
    %get3A_3 = vector.shape_cast %get3A_2 : vector<1x2000x1xf32> to vector<2000x1xf32>
    %get3A_4 = arith.constant 1 : index
    %get3A_5 = arith.constant 0 : index
    %get3A_6 = arith.constant 0 : index
    %get3A_7 = vector.load %arg3[%get3A_4, %get3A_5, %get3A_6] : memref<2x2000x1xf32, #tpu.memory_space<vmem>>, vector<1x2000x1xf32>
    %get3A_8 = vector.shape_cast %get3A_7 : vector<1x2000x1xf32> to vector<2000x1xf32>
    %add3A = arith.addf %get3A_3, %get3A_8 : vector<2000x1xf32>
    %add3A_9 = arith.constant 1.000000e+00 : f32
    %add3A_10 = vector.broadcast %add3A_9 : f32 to vector<2000x1xf32>
    %add3A_11 = arith.addf %add3A, %add3A_10 : vector<2000x1xf32>
    %rsqrt3A = math.rsqrt %add3A_11 : vector<2000x1xf32>
    %get3A_12 = arith.constant 0 : index
    %get3A_13 = arith.constant 0 : index
    %get3A_14 = vector.load %arg1[%get3A_12, %get3A_13] : memref<2000x128xf32, #tpu.memory_space<vmem>>, vector<2000x128xf32>
    %get3A_15 = arith.constant 0 : index
    %get3A_16 = arith.constant 0 : index
    %get3A_17 = vector.load %arg2[%get3A_15, %get3A_16] : memref<128x64xf32, #tpu.memory_space<vmem>>, vector<128x64xf32>
    %dot_general3A = arith.constant dense<0.000000e+00> : vector<2000x64xf32>
    %dot_general3A_18 = tpu.matmul %get3A_14, %get3A_17, %dot_general3A {dimension_numbers = #tpu.dot_dimension_numbers<[1], [0], [0], [1], [0, 0, 1, 1], [], []>, transpose_lhs_hint = false} : vector<2000x128xf32>, vector<128x64xf32>, vector<2000x64xf32> -> vector<2000x64xf32>
    %mul3A = vector.broadcast %rsqrt3A : vector<2000x1xf32> to vector<2000x64xf32>
    %mul3A_19 = arith.mulf %dot_general3A_18, %mul3A : vector<2000x64xf32>
    %slice3A = vector.extract_strided_slice %mul3A_19 {offsets = [0, 0], sizes = [2000, 32], strides = [1, 1]} : vector<2000x64xf32> to vector<2000x32xf32>
    %swap3A = arith.constant 0 : index
    %swap3A_20 = arith.constant 0 : index
    %swap3A_21 = arith.constant 0 : index
    %swap3A_22 = vector.load %arg4[%swap3A, %swap3A_20, %swap3A_21] : memref<2x2000x32xf32, #tpu.memory_space<vmem>>, vector<1x2000x32xf32>
    %swap3A_23 = vector.shape_cast %swap3A_22 : vector<1x2000x32xf32> to vector<2000x32xf32>
    %swap3A_24 = vector.shape_cast %slice3A : vector<2000x32xf32> to vector<1x2000x32xf32>
    tpu.vector_store %arg4[%swap3A, %swap3A_20, %swap3A_21], %swap3A_24 {strides = array<i32>} : memref<2x2000x32xf32, #tpu.memory_space<vmem>>, vector<1x2000x32xf32>,
    %slice3A_25 = vector.extract_strided_slice %mul3A_19 {offsets = [0, 32], sizes = [2000, 32], strides = [1, 1]} : vector<2000x64xf32> to vector<2000x32xf32>
    %swap3A_26 = arith.constant 1 : index
    %swap3A_27 = arith.constant 0 : index
    %swap3A_28 = arith.constant 0 : index
    %swap3A_29 = vector.load %arg4[%swap3A_26, %swap3A_27, %swap3A_28] : memref<2x2000x32xf32, #tpu.memory_space<vmem>>, vector<1x2000x32xf32>
    %swap3A_30 = vector.shape_cast %swap3A_29 : vector<1x2000x32xf32> to vector<2000x32xf32>
    %swap3A_31 = vector.shape_cast %slice3A_25 : vector<2000x32xf32> to vector<1x2000x32xf32>
    tpu.vector_store %arg4[%swap3A_26, %swap3A_27, %swap3A_28], %swap3A_31 {strides = array<i32>} : memref<2x2000x32xf32, #tpu.memory_space<vmem>>, vector<1x2000x32xf32>,
    %swap3A_32 = arith.constant 0 : index
    %swap3A_33 = arith.constant 0 : index
    %swap3A_34 = vector.load %arg5[%swap3A_32, %swap3A_33] : memref<2000x1xf32, #tpu.memory_space<vmem>>, vector<2000x1xf32>
    tpu.vector_store %arg5[%swap3A_32, %swap3A_33], %rsqrt3A {strides = array<i32>} : memref<2000x1xf32, #tpu.memory_space<vmem>>, vector<2000x1xf32>,
    return
  }
  func.func @transform_0(%arg0: i32) -> (i32, i32) {
    %c0_i32 = arith.constant 0 : i32
    %c0_i32_0 = arith.constant 0 : i32
    return %arg0, %c0_i32 : i32, i32
  }
  func.func @transform_1(%arg0: i32) -> (i32, i32) {
    %c0_i32 = arith.constant 0 : i32
    %c0_i32_0 = arith.constant 0 : i32
    %c0_i32_1 = arith.constant 0 : i32
    return %c0_i32, %c0_i32_0 : i32, i32
  }
  func.func @transform_2(%arg0: i32) -> (i32, i32, i32) {
    %c0_i32 = arith.constant 0 : i32
    %c0_i32_0 = arith.constant 0 : i32
    %c0_i32_1 = arith.constant 0 : i32
    return %c0_i32, %arg0, %c0_i32_0 : i32, i32, i32
  }
  func.func @transform_3(%arg0: i32) -> (i32, i32, i32) {
    %c0_i32 = arith.constant 0 : i32
    %c0_i32_0 = arith.constant 0 : i32
    %c0_i32_1 = arith.constant 0 : i32
    return %c0_i32, %arg0, %c0_i32_0 : i32, i32, i32
  }
  func.func @transform_4(%arg0: i32) -> (i32, i32) {
    %c0_i32 = arith.constant 0 : i32
    %c0_i32_0 = arith.constant 0 : i32
    return %arg0, %c0_i32 : i32, i32
  }
}

module attributes {stable_mosaic.version = 14 : i64} {
  func.func @body(%arg0: i32, %arg1: memref<2x2000x32xf32, #tpu.memory_space<vmem>>, %arg2: memref<2x2000x32xf32, #tpu.memory_space<vmem>>, %arg3: memref<2000x1xf32, #tpu.memory_space<vmem>>, %arg4: memref<1x64xf32, #tpu.memory_space<vmem>>, %arg5: memref<64x32xf32, #tpu.memory_space<vmem>>, %arg6: memref<2x2000x16xf32, #tpu.memory_space<vmem>>) attributes {dimension_semantics = [#tpu.dimension_semantics<arbitrary>], iteration_bounds = array<i64: 5>, scalar_prefetch = 0 : i64, scratch_operands = 0 : i64, tpu.core_type = #tpu.core_type<tc>, window_params = [{transform_indices = @transform_0, window_bounds = array<i64: 2, 2000, 32>}, {transform_indices = @transform_1, window_bounds = array<i64: 2, 2000, 32>}, {transform_indices = @transform_2, window_bounds = array<i64: 2000, 1>}, {pipeline_mode = #tpu.pipeline_mode<synchronous>, transform_indices = @transform_3, window_bounds = array<i64: 1, 64>}, {pipeline_mode = #tpu.pipeline_mode<synchronous>, transform_indices = @transform_4, window_bounds = array<i64: 64, 32>}, {transform_indices = @transform_5, window_bounds = array<i64: 2, 2000, 16>}]} {
    %get3A = arith.constant 0 : index
    %get3A_0 = arith.constant 0 : index
    %get3A_1 = vector.load %arg3[%get3A, %get3A_0] : memref<2000x1xf32, #tpu.memory_space<vmem>>, vector<2000x1xf32>
    %get3A_2 = arith.constant 0 : index
    %get3A_3 = arith.constant 0 : index
    %get3A_4 = arith.constant 0 : index
    %get3A_5 = vector.load %arg1[%get3A_2, %get3A_3, %get3A_4] : memref<2x2000x32xf32, #tpu.memory_space<vmem>>, vector<1x2000x32xf32>
    %get3A_6 = vector.shape_cast %get3A_5 : vector<1x2000x32xf32> to vector<2000x32xf32>
    %get3A_7 = arith.constant 0 : index
    %get3A_8 = arith.constant 0 : index
    %get3A_9 = arith.constant 0 : index
    %get3A_10 = vector.load %arg2[%get3A_7, %get3A_8, %get3A_9] : memref<2x2000x32xf32, #tpu.memory_space<vmem>>, vector<1x2000x32xf32>
    %get3A_11 = vector.shape_cast %get3A_10 : vector<1x2000x32xf32> to vector<2000x32xf32>
    %add3A = arith.addf %get3A_6, %get3A_11 : vector<2000x32xf32>
    %get3A_12 = arith.constant 1 : index
    %get3A_13 = arith.constant 0 : index
    %get3A_14 = arith.constant 0 : index
    %get3A_15 = vector.load %arg1[%get3A_12, %get3A_13, %get3A_14] : memref<2x2000x32xf32, #tpu.memory_space<vmem>>, vector<1x2000x32xf32>
    %get3A_16 = vector.shape_cast %get3A_15 : vector<1x2000x32xf32> to vector<2000x32xf32>
    %get3A_17 = arith.constant 1 : index
    %get3A_18 = arith.constant 0 : index
    %get3A_19 = arith.constant 0 : index
    %get3A_20 = vector.load %arg2[%get3A_17, %get3A_18, %get3A_19] : memref<2x2000x32xf32, #tpu.memory_space<vmem>>, vector<1x2000x32xf32>
    %get3A_21 = vector.shape_cast %get3A_20 : vector<1x2000x32xf32> to vector<2000x32xf32>
    %add3A_22 = arith.addf %get3A_16, %get3A_21 : vector<2000x32xf32>
    %concatenate3A = tpu.concatenate %add3A, %add3A_22 in 1 : vector<2000x32xf32>, vector<2000x32xf32> -> vector<2000x64xf32>
    %mul3A = vector.broadcast %get3A_1 : vector<2000x1xf32> to vector<2000x64xf32>
    %mul3A_23 = arith.mulf %concatenate3A, %mul3A : vector<2000x64xf32>
    %get3A_24 = arith.constant 0 : index
    %get3A_25 = arith.constant 0 : index
    %get3A_26 = vector.load %arg4[%get3A_24, %get3A_25] : memref<1x64xf32, #tpu.memory_space<vmem>>, vector<1x64xf32>
    %add3A_27 = vector.broadcast %get3A_26 : vector<1x64xf32> to vector<2000x64xf32>
    %add3A_28 = arith.addf %mul3A_23, %add3A_27 : vector<2000x64xf32>
    %max3A = arith.constant 0.000000e+00 : f32
    %max3A_29 = vector.broadcast %max3A : f32 to vector<2000x64xf32>
    %max3A_30 = arith.maximumf %add3A_28, %max3A_29 : vector<2000x64xf32>
    %get3A_31 = arith.constant 0 : index
    %get3A_32 = arith.constant 0 : index
    %get3A_33 = vector.load %arg5[%get3A_31, %get3A_32] : memref<64x32xf32, #tpu.memory_space<vmem>>, vector<64x32xf32>
    %dot_general3A = arith.constant dense<0.000000e+00> : vector<2000x32xf32>
    %dot_general3A_34 = tpu.matmul %max3A_30, %get3A_33, %dot_general3A {dimension_numbers = #tpu.dot_dimension_numbers<[1], [0], [0], [1], [0, 0, 1, 1], [], []>, transpose_lhs_hint = false} : vector<2000x64xf32>, vector<64x32xf32>, vector<2000x32xf32> -> vector<2000x32xf32>
    %mul3A_35 = vector.broadcast %get3A_1 : vector<2000x1xf32> to vector<2000x32xf32>
    %mul3A_36 = arith.mulf %dot_general3A_34, %mul3A_35 : vector<2000x32xf32>
    %slice3A = vector.extract_strided_slice %mul3A_36 {offsets = [0, 0], sizes = [2000, 16], strides = [1, 1]} : vector<2000x32xf32> to vector<2000x16xf32>
    %swap3A = arith.constant 0 : index
    %swap3A_37 = arith.constant 0 : index
    %swap3A_38 = arith.constant 0 : index
    %swap3A_39 = vector.load %arg6[%swap3A, %swap3A_37, %swap3A_38] : memref<2x2000x16xf32, #tpu.memory_space<vmem>>, vector<1x2000x16xf32>
    %swap3A_40 = vector.shape_cast %swap3A_39 : vector<1x2000x16xf32> to vector<2000x16xf32>
    %swap3A_41 = vector.shape_cast %slice3A : vector<2000x16xf32> to vector<1x2000x16xf32>
    tpu.vector_store %arg6[%swap3A, %swap3A_37, %swap3A_38], %swap3A_41 {strides = array<i32>} : memref<2x2000x16xf32, #tpu.memory_space<vmem>>, vector<1x2000x16xf32>,
    %slice3A_42 = vector.extract_strided_slice %mul3A_36 {offsets = [0, 16], sizes = [2000, 16], strides = [1, 1]} : vector<2000x32xf32> to vector<2000x16xf32>
    %swap3A_43 = arith.constant 1 : index
    %swap3A_44 = arith.constant 0 : index
    %swap3A_45 = arith.constant 0 : index
    %swap3A_46 = vector.load %arg6[%swap3A_43, %swap3A_44, %swap3A_45] : memref<2x2000x16xf32, #tpu.memory_space<vmem>>, vector<1x2000x16xf32>
    %swap3A_47 = vector.shape_cast %swap3A_46 : vector<1x2000x16xf32> to vector<2000x16xf32>
    %swap3A_48 = vector.shape_cast %slice3A_42 : vector<2000x16xf32> to vector<1x2000x16xf32>
    tpu.vector_store %arg6[%swap3A_43, %swap3A_44, %swap3A_45], %swap3A_48 {strides = array<i32>} : memref<2x2000x16xf32, #tpu.memory_space<vmem>>, vector<1x2000x16xf32>,
    return
  }
  func.func @transform_0(%arg0: i32) -> (i32, i32, i32) {
    %c0_i32 = arith.constant 0 : i32
    %c0_i32_0 = arith.constant 0 : i32
    %c0_i32_1 = arith.constant 0 : i32
    return %c0_i32, %arg0, %c0_i32_0 : i32, i32, i32
  }
  func.func @transform_1(%arg0: i32) -> (i32, i32, i32) {
    %c0_i32 = arith.constant 0 : i32
    %c0_i32_0 = arith.constant 0 : i32
    %c0_i32_1 = arith.constant 0 : i32
    return %c0_i32, %arg0, %c0_i32_0 : i32, i32, i32
  }
  func.func @transform_2(%arg0: i32) -> (i32, i32) {
    %c0_i32 = arith.constant 0 : i32
    %c0_i32_0 = arith.constant 0 : i32
    return %arg0, %c0_i32 : i32, i32
  }
  func.func @transform_3(%arg0: i32) -> (i32, i32) {
    %c0_i32 = arith.constant 0 : i32
    %c0_i32_0 = arith.constant 0 : i32
    %c0_i32_1 = arith.constant 0 : i32
    return %c0_i32, %c0_i32_0 : i32, i32
  }
  func.func @transform_4(%arg0: i32) -> (i32, i32) {
    %c0_i32 = arith.constant 0 : i32
    %c0_i32_0 = arith.constant 0 : i32
    %c0_i32_1 = arith.constant 0 : i32
    return %c0_i32, %c0_i32_0 : i32, i32
  }
  func.func @transform_5(%arg0: i32) -> (i32, i32, i32) {
    %c0_i32 = arith.constant 0 : i32
    %c0_i32_0 = arith.constant 0 : i32
    %c0_i32_1 = arith.constant 0 : i32
    return %c0_i32, %arg0, %c0_i32_0 : i32, i32, i32
  }
}

module attributes {stable_mosaic.version = 14 : i64} {
  func.func @body(%arg0: i32, %arg1: memref<2x2000x16xf32, #tpu.memory_space<vmem>>, %arg2: memref<2x2000x16xf32, #tpu.memory_space<vmem>>, %arg3: memref<2000x1xf32, #tpu.memory_space<vmem>>, %arg4: memref<1x32xf32, #tpu.memory_space<vmem>>, %arg5: memref<2000x1xi32, #tpu.memory_space<vmem>>, %arg6: memref<128x40xf32, #tpu.memory_space<vmem>>, %arg7: memref<1x40xf32, #tpu.memory_space<vmem>>, %arg8: memref<16x40xf32, #tpu.memory_space<vmem>>, %arg9: memref<16x128xf32, #tpu.memory_space<vmem>>) attributes {dimension_semantics = [#tpu.dimension_semantics<arbitrary>], iteration_bounds = array<i64: 5>, scalar_prefetch = 0 : i64, scratch_operands = 1 : i64, tpu.core_type = #tpu.core_type<tc>, window_params = [{transform_indices = @transform_0, window_bounds = array<i64: 2, 2000, 16>}, {transform_indices = @transform_1, window_bounds = array<i64: 2, 2000, 16>}, {transform_indices = @transform_2, window_bounds = array<i64: 2000, 1>}, {pipeline_mode = #tpu.pipeline_mode<synchronous>, transform_indices = @transform_3, window_bounds = array<i64: 1, 32>}, {transform_indices = @transform_4, window_bounds = array<i64: 2000, 1>}, {pipeline_mode = #tpu.pipeline_mode<synchronous>, transform_indices = @transform_5, window_bounds = array<i64: 128, 40>}, {pipeline_mode = #tpu.pipeline_mode<synchronous>, transform_indices = @transform_6, window_bounds = array<i64: 1, 40>}, {pipeline_mode = #tpu.pipeline_mode<synchronous>, transform_indices = @transform_7, window_bounds = array<i64: 16, 40>}]} {
    %eq3A = arith.constant 0 : i32
    %eq3A_0 = arith.cmpi eq, %arg0, %eq3A : i32
    %convert_element_type3A = arith.extui %eq3A_0 : i1 to i32
    %cond3A = arith.constant 0 : i32
    %cond3A_1 = arith.cmpi ne, %convert_element_type3A, %cond3A : i32
    scf.if %cond3A_1 {
      %broadcast_in_dim3A_262 = arith.constant 0xFF800000 : f32
      %broadcast_in_dim3A_263 = vector.broadcast %broadcast_in_dim3A_262 : f32 to vector<16x128xf32>
      %swap3A_264 = arith.constant 0 : index
      %swap3A_265 = arith.constant 0 : index
      %swap3A_266 = vector.load %arg9[%swap3A_264, %swap3A_265] : memref<16x128xf32, #tpu.memory_space<vmem>>, vector<16x128xf32>
      tpu.vector_store %arg9[%swap3A_264, %swap3A_265], %broadcast_in_dim3A_263 {strides = array<i32>} : memref<16x128xf32, #tpu.memory_space<vmem>>, vector<16x128xf32>,
    } else {
    }
    %get3A = arith.constant 0 : index
    %get3A_2 = arith.constant 0 : index
    %get3A_3 = arith.constant 0 : index
    %get3A_4 = vector.load %arg1[%get3A, %get3A_2, %get3A_3] : memref<2x2000x16xf32, #tpu.memory_space<vmem>>, vector<1x2000x16xf32>
    %get3A_5 = vector.shape_cast %get3A_4 : vector<1x2000x16xf32> to vector<2000x16xf32>
    %get3A_6 = arith.constant 0 : index
    %get3A_7 = arith.constant 0 : index
    %get3A_8 = arith.constant 0 : index
    %get3A_9 = vector.load %arg2[%get3A_6, %get3A_7, %get3A_8] : memref<2x2000x16xf32, #tpu.memory_space<vmem>>, vector<1x2000x16xf32>
    %get3A_10 = vector.shape_cast %get3A_9 : vector<1x2000x16xf32> to vector<2000x16xf32>
    %add3A = arith.addf %get3A_5, %get3A_10 : vector<2000x16xf32>
    %get3A_11 = arith.constant 1 : index
    %get3A_12 = arith.constant 0 : index
    %get3A_13 = arith.constant 0 : index
    %get3A_14 = vector.load %arg1[%get3A_11, %get3A_12, %get3A_13] : memref<2x2000x16xf32, #tpu.memory_space<vmem>>, vector<1x2000x16xf32>
    %get3A_15 = vector.shape_cast %get3A_14 : vector<1x2000x16xf32> to vector<2000x16xf32>
    %get3A_16 = arith.constant 1 : index
    %get3A_17 = arith.constant 0 : index
    %get3A_18 = arith.constant 0 : index
    %get3A_19 = vector.load %arg2[%get3A_16, %get3A_17, %get3A_18] : memref<2x2000x16xf32, #tpu.memory_space<vmem>>, vector<1x2000x16xf32>
    %get3A_20 = vector.shape_cast %get3A_19 : vector<1x2000x16xf32> to vector<2000x16xf32>
    %add3A_21 = arith.addf %get3A_15, %get3A_20 : vector<2000x16xf32>
    %concatenate3A = tpu.concatenate %add3A, %add3A_21 in 1 : vector<2000x16xf32>, vector<2000x16xf32> -> vector<2000x32xf32>
    %get3A_22 = arith.constant 0 : index
    %get3A_23 = arith.constant 0 : index
    %get3A_24 = vector.load %arg3[%get3A_22, %get3A_23] : memref<2000x1xf32, #tpu.memory_space<vmem>>, vector<2000x1xf32>
    %mul3A = vector.broadcast %get3A_24 : vector<2000x1xf32> to vector<2000x32xf32>
    %mul3A_25 = arith.mulf %concatenate3A, %mul3A : vector<2000x32xf32>
    %get3A_26 = arith.constant 0 : index
    %get3A_27 = arith.constant 0 : index
    %get3A_28 = vector.load %arg4[%get3A_26, %get3A_27] : memref<1x32xf32, #tpu.memory_space<vmem>>, vector<1x32xf32>
    %add3A_29 = vector.broadcast %get3A_28 : vector<1x32xf32> to vector<2000x32xf32>
    %add3A_30 = arith.addf %mul3A_25, %add3A_29 : vector<2000x32xf32>
    %max3A = arith.constant 0.000000e+00 : f32
    %max3A_31 = vector.broadcast %max3A : f32 to vector<2000x32xf32>
    %max3A_32 = arith.maximumf %add3A_30, %max3A_31 : vector<2000x32xf32>
    %get3A_33 = arith.constant 0 : index
    %get3A_34 = arith.constant 0 : index
    %get3A_35 = vector.load %arg5[%get3A_33, %get3A_34] : memref<2000x1xi32, #tpu.memory_space<vmem>>, vector<2000x1xi32>
    %concatenate3A_36 = tpu.concatenate %max3A_32, %max3A_32, %max3A_32, %max3A_32 in 1 : vector<2000x32xf32>, vector<2000x32xf32>, vector<2000x32xf32>, vector<2000x32xf32> -> vector<2000x128xf32>
    %iota3A = tpu.iota {dimensions = array<i32: 1>} : vector<1x128xi32>
    %jit3A = arith.constant 32 : i32
    %div3A = vector.broadcast %jit3A : i32 to vector<1x128xi32>
    %div3A_37 = arith.divsi %iota3A, %div3A : vector<1x128xi32>
    %sign3A = arith.constant 0 : i32
    %sign3A_38 = vector.broadcast %sign3A : i32 to vector<1x128xi32>
    %sign3A_39 = arith.cmpi sgt, %iota3A, %sign3A_38 : vector<1x128xi32>
    %sign3A_40 = arith.extui %sign3A_39 : vector<1x128xi1> to vector<1x128xi32>
    %sign3A_41 = arith.constant 0 : i32
    %sign3A_42 = vector.broadcast %sign3A_41 : i32 to vector<1x128xi32>
    %sign3A_43 = arith.cmpi slt, %iota3A, %sign3A_42 : vector<1x128xi32>
    %sign3A_44 = arith.extui %sign3A_43 : vector<1x128xi1> to vector<1x128xi32>
    %sign3A_45 = arith.subi %sign3A_40, %sign3A_44 : vector<1x128xi32>
    %sign3A_46 = arith.constant 0 : i32
    %sign3A_47 = arith.cmpi sgt, %jit3A, %sign3A_46 : i32
    %sign3A_48 = arith.extui %sign3A_47 : i1 to i32
    %sign3A_49 = arith.constant 0 : i32
    %sign3A_50 = arith.cmpi slt, %jit3A, %sign3A_49 : i32
    %sign3A_51 = arith.extui %sign3A_50 : i1 to i32
    %sign3A_52 = arith.subi %sign3A_48, %sign3A_51 : i32
    %ne3A = vector.broadcast %sign3A_52 : i32 to vector<1x128xi32>
    %ne3A_53 = arith.cmpi ne, %sign3A_45, %ne3A : vector<1x128xi32>
    %rem3A = vector.broadcast %jit3A : i32 to vector<1x128xi32>
    %rem3A_54 = arith.remsi %iota3A, %rem3A : vector<1x128xi32>
    %ne3A_55 = arith.constant 0 : i32
    %ne3A_56 = vector.broadcast %ne3A_55 : i32 to vector<1x128xi32>
    %ne3A_57 = arith.cmpi ne, %rem3A_54, %ne3A_56 : vector<1x128xi32>
    %and3A = arith.andi %ne3A_53, %ne3A_57 : vector<1x128xi1>
    %sub3A = arith.constant 1 : i32
    %sub3A_58 = vector.broadcast %sub3A : i32 to vector<1x128xi32>
    %sub3A_59 = arith.subi %div3A_37, %sub3A_58 : vector<1x128xi32>
    %select_n3A = arith.select %and3A, %sub3A_59, %div3A_37 : vector<1x128xi1>, vector<1x128xi32>
    %add3A_60 = arith.constant 0 : i32
    %add3A_61 = vector.broadcast %add3A_60 : i32 to vector<1x128xi32>
    %add3A_62 = arith.addi %add3A_61, %select_n3A : vector<1x128xi32>
    %eq3A_63 = vector.broadcast %get3A_35 : vector<2000x1xi32> to vector<2000x128xi32>
    %eq3A_64 = vector.broadcast %add3A_62 : vector<1x128xi32> to vector<2000x128xi32>
    %eq3A_65 = arith.cmpi eq, %eq3A_63, %eq3A_64 : vector<2000x128xi32>
    %jit3A_66 = arith.constant 0xFF800000 : f32
    %broadcast_in_dim3A = vector.broadcast %jit3A_66 : f32 to vector<2000x128xf32>
    %select_n3A_67 = arith.select %eq3A_65, %concatenate3A_36, %broadcast_in_dim3A : vector<2000x128xi1>, vector<2000x128xf32>
    %reduce_max3A = arith.constant dense<0xFF800000> : vector<128xf32>
    %reduce_max3A_68 = vector.multi_reduction <maximumf>, %select_n3A_67, %reduce_max3A [0] : vector<2000x128xf32> to vector<128xf32>
    %broadcast_in_dim3A_69 = vector.shape_cast %reduce_max3A_68 : vector<128xf32> to vector<1x128xf32>
    %add3A_70 = arith.constant 4 : i32
    %add3A_71 = vector.broadcast %add3A_70 : i32 to vector<1x128xi32>
    %add3A_72 = arith.addi %add3A_71, %select_n3A : vector<1x128xi32>
    %eq3A_73 = vector.broadcast %get3A_35 : vector<2000x1xi32> to vector<2000x128xi32>
    %eq3A_74 = vector.broadcast %add3A_72 : vector<1x128xi32> to vector<2000x128xi32>
    %eq3A_75 = arith.cmpi eq, %eq3A_73, %eq3A_74 : vector<2000x128xi32>
    %jit3A_76 = arith.constant 0xFF800000 : f32
    %broadcast_in_dim3A_77 = vector.broadcast %jit3A_76 : f32 to vector<2000x128xf32>
    %select_n3A_78 = arith.select %eq3A_75, %concatenate3A_36, %broadcast_in_dim3A_77 : vector<2000x128xi1>, vector<2000x128xf32>
    %reduce_max3A_79 = arith.constant dense<0xFF800000> : vector<128xf32>
    %reduce_max3A_80 = vector.multi_reduction <maximumf>, %select_n3A_78, %reduce_max3A_79 [0] : vector<2000x128xf32> to vector<128xf32>
    %broadcast_in_dim3A_81 = vector.shape_cast %reduce_max3A_80 : vector<128xf32> to vector<1x128xf32>
    %add3A_82 = arith.constant 8 : i32
    %add3A_83 = vector.broadcast %add3A_82 : i32 to vector<1x128xi32>
    %add3A_84 = arith.addi %add3A_83, %select_n3A : vector<1x128xi32>
    %eq3A_85 = vector.broadcast %get3A_35 : vector<2000x1xi32> to vector<2000x128xi32>
    %eq3A_86 = vector.broadcast %add3A_84 : vector<1x128xi32> to vector<2000x128xi32>
    %eq3A_87 = arith.cmpi eq, %eq3A_85, %eq3A_86 : vector<2000x128xi32>
    %jit3A_88 = arith.constant 0xFF800000 : f32
    %broadcast_in_dim3A_89 = vector.broadcast %jit3A_88 : f32 to vector<2000x128xf32>
    %select_n3A_90 = arith.select %eq3A_87, %concatenate3A_36, %broadcast_in_dim3A_89 : vector<2000x128xi1>, vector<2000x128xf32>
    %reduce_max3A_91 = arith.constant dense<0xFF800000> : vector<128xf32>
    %reduce_max3A_92 = vector.multi_reduction <maximumf>, %select_n3A_90, %reduce_max3A_91 [0] : vector<2000x128xf32> to vector<128xf32>
    %broadcast_in_dim3A_93 = vector.shape_cast %reduce_max3A_92 : vector<128xf32> to vector<1x128xf32>
    %add3A_94 = arith.constant 12 : i32
    %add3A_95 = vector.broadcast %add3A_94 : i32 to vector<1x128xi32>
    %add3A_96 = arith.addi %add3A_95, %select_n3A : vector<1x128xi32>
    %eq3A_97 = vector.broadcast %get3A_35 : vector<2000x1xi32> to vector<2000x128xi32>
    %eq3A_98 = vector.broadcast %add3A_96 : vector<1x128xi32> to vector<2000x128xi32>
    %eq3A_99 = arith.cmpi eq, %eq3A_97, %eq3A_98 : vector<2000x128xi32>
    %jit3A_100 = arith.constant 0xFF800000 : f32
    %broadcast_in_dim3A_101 = vector.broadcast %jit3A_100 : f32 to vector<2000x128xf32>
    %select_n3A_102 = arith.select %eq3A_99, %concatenate3A_36, %broadcast_in_dim3A_101 : vector<2000x128xi1>, vector<2000x128xf32>
    %reduce_max3A_103 = arith.constant dense<0xFF800000> : vector<128xf32>
    %reduce_max3A_104 = vector.multi_reduction <maximumf>, %select_n3A_102, %reduce_max3A_103 [0] : vector<2000x128xf32> to vector<128xf32>
    %broadcast_in_dim3A_105 = vector.shape_cast %reduce_max3A_104 : vector<128xf32> to vector<1x128xf32>
    %add3A_106 = arith.constant 16 : i32
    %add3A_107 = vector.broadcast %add3A_106 : i32 to vector<1x128xi32>
    %add3A_108 = arith.addi %add3A_107, %select_n3A : vector<1x128xi32>
    %eq3A_109 = vector.broadcast %get3A_35 : vector<2000x1xi32> to vector<2000x128xi32>
    %eq3A_110 = vector.broadcast %add3A_108 : vector<1x128xi32> to vector<2000x128xi32>
    %eq3A_111 = arith.cmpi eq, %eq3A_109, %eq3A_110 : vector<2000x128xi32>
    %jit3A_112 = arith.constant 0xFF800000 : f32
    %broadcast_in_dim3A_113 = vector.broadcast %jit3A_112 : f32 to vector<2000x128xf32>
    %select_n3A_114 = arith.select %eq3A_111, %concatenate3A_36, %broadcast_in_dim3A_113 : vector<2000x128xi1>, vector<2000x128xf32>
    %reduce_max3A_115 = arith.constant dense<0xFF800000> : vector<128xf32>
    %reduce_max3A_116 = vector.multi_reduction <maximumf>, %select_n3A_114, %reduce_max3A_115 [0] : vector<2000x128xf32> to vector<128xf32>
    %broadcast_in_dim3A_117 = vector.shape_cast %reduce_max3A_116 : vector<128xf32> to vector<1x128xf32>
    %add3A_118 = arith.constant 20 : i32
    %add3A_119 = vector.broadcast %add3A_118 : i32 to vector<1x128xi32>
    %add3A_120 = arith.addi %add3A_119, %select_n3A : vector<1x128xi32>
    %eq3A_121 = vector.broadcast %get3A_35 : vector<2000x1xi32> to vector<2000x128xi32>
    %eq3A_122 = vector.broadcast %add3A_120 : vector<1x128xi32> to vector<2000x128xi32>
    %eq3A_123 = arith.cmpi eq, %eq3A_121, %eq3A_122 : vector<2000x128xi32>
    %jit3A_124 = arith.constant 0xFF800000 : f32
    %broadcast_in_dim3A_125 = vector.broadcast %jit3A_124 : f32 to vector<2000x128xf32>
    %select_n3A_126 = arith.select %eq3A_123, %concatenate3A_36, %broadcast_in_dim3A_125 : vector<2000x128xi1>, vector<2000x128xf32>
    %reduce_max3A_127 = arith.constant dense<0xFF800000> : vector<128xf32>
    %reduce_max3A_128 = vector.multi_reduction <maximumf>, %select_n3A_126, %reduce_max3A_127 [0] : vector<2000x128xf32> to vector<128xf32>
    %broadcast_in_dim3A_129 = vector.shape_cast %reduce_max3A_128 : vector<128xf32> to vector<1x128xf32>
    %add3A_130 = arith.constant 24 : i32
    %add3A_131 = vector.broadcast %add3A_130 : i32 to vector<1x128xi32>
    %add3A_132 = arith.addi %add3A_131, %select_n3A : vector<1x128xi32>
    %eq3A_133 = vector.broadcast %get3A_35 : vector<2000x1xi32> to vector<2000x128xi32>
    %eq3A_134 = vector.broadcast %add3A_132 : vector<1x128xi32> to vector<2000x128xi32>
    %eq3A_135 = arith.cmpi eq, %eq3A_133, %eq3A_134 : vector<2000x128xi32>
    %jit3A_136 = arith.constant 0xFF800000 : f32
    %broadcast_in_dim3A_137 = vector.broadcast %jit3A_136 : f32 to vector<2000x128xf32>
    %select_n3A_138 = arith.select %eq3A_135, %concatenate3A_36, %broadcast_in_dim3A_137 : vector<2000x128xi1>, vector<2000x128xf32>
    %reduce_max3A_139 = arith.constant dense<0xFF800000> : vector<128xf32>
    %reduce_max3A_140 = vector.multi_reduction <maximumf>, %select_n3A_138, %reduce_max3A_139 [0] : vector<2000x128xf32> to vector<128xf32>
    %broadcast_in_dim3A_141 = vector.shape_cast %reduce_max3A_140 : vector<128xf32> to vector<1x128xf32>
    %add3A_142 = arith.constant 28 : i32
    %add3A_143 = vector.broadcast %add3A_142 : i32 to vector<1x128xi32>
    %add3A_144 = arith.addi %add3A_143, %select_n3A : vector<1x128xi32>
    %eq3A_145 = vector.broadcast %get3A_35 : vector<2000x1xi32> to vector<2000x128xi32>
    %eq3A_146 = vector.broadcast %add3A_144 : vector<1x128xi32> to vector<2000x128xi32>
    %eq3A_147 = arith.cmpi eq, %eq3A_145, %eq3A_146 : vector<2000x128xi32>
    %jit3A_148 = arith.constant 0xFF800000 : f32
    %broadcast_in_dim3A_149 = vector.broadcast %jit3A_148 : f32 to vector<2000x128xf32>
    %select_n3A_150 = arith.select %eq3A_147, %concatenate3A_36, %broadcast_in_dim3A_149 : vector<2000x128xi1>, vector<2000x128xf32>
    %reduce_max3A_151 = arith.constant dense<0xFF800000> : vector<128xf32>
    %reduce_max3A_152 = vector.multi_reduction <maximumf>, %select_n3A_150, %reduce_max3A_151 [0] : vector<2000x128xf32> to vector<128xf32>
    %broadcast_in_dim3A_153 = vector.shape_cast %reduce_max3A_152 : vector<128xf32> to vector<1x128xf32>
    %add3A_154 = arith.constant 32 : i32
    %add3A_155 = vector.broadcast %add3A_154 : i32 to vector<1x128xi32>
    %add3A_156 = arith.addi %add3A_155, %select_n3A : vector<1x128xi32>
    %eq3A_157 = vector.broadcast %get3A_35 : vector<2000x1xi32> to vector<2000x128xi32>
    %eq3A_158 = vector.broadcast %add3A_156 : vector<1x128xi32> to vector<2000x128xi32>
    %eq3A_159 = arith.cmpi eq, %eq3A_157, %eq3A_158 : vector<2000x128xi32>
    %jit3A_160 = arith.constant 0xFF800000 : f32
    %broadcast_in_dim3A_161 = vector.broadcast %jit3A_160 : f32 to vector<2000x128xf32>
    %select_n3A_162 = arith.select %eq3A_159, %concatenate3A_36, %broadcast_in_dim3A_161 : vector<2000x128xi1>, vector<2000x128xf32>
    %reduce_max3A_163 = arith.constant dense<0xFF800000> : vector<128xf32>
    %reduce_max3A_164 = vector.multi_reduction <maximumf>, %select_n3A_162, %reduce_max3A_163 [0] : vector<2000x128xf32> to vector<128xf32>
    %broadcast_in_dim3A_165 = vector.shape_cast %reduce_max3A_164 : vector<128xf32> to vector<1x128xf32>
    %add3A_166 = arith.constant 36 : i32
    %add3A_167 = vector.broadcast %add3A_166 : i32 to vector<1x128xi32>
    %add3A_168 = arith.addi %add3A_167, %select_n3A : vector<1x128xi32>
    %eq3A_169 = vector.broadcast %get3A_35 : vector<2000x1xi32> to vector<2000x128xi32>
    %eq3A_170 = vector.broadcast %add3A_168 : vector<1x128xi32> to vector<2000x128xi32>
    %eq3A_171 = arith.cmpi eq, %eq3A_169, %eq3A_170 : vector<2000x128xi32>
    %jit3A_172 = arith.constant 0xFF800000 : f32
    %broadcast_in_dim3A_173 = vector.broadcast %jit3A_172 : f32 to vector<2000x128xf32>
    %select_n3A_174 = arith.select %eq3A_171, %concatenate3A_36, %broadcast_in_dim3A_173 : vector<2000x128xi1>, vector<2000x128xf32>
    %reduce_max3A_175 = arith.constant dense<0xFF800000> : vector<128xf32>
    %reduce_max3A_176 = vector.multi_reduction <maximumf>, %select_n3A_174, %reduce_max3A_175 [0] : vector<2000x128xf32> to vector<128xf32>
    %broadcast_in_dim3A_177 = vector.shape_cast %reduce_max3A_176 : vector<128xf32> to vector<1x128xf32>
    %add3A_178 = arith.constant 40 : i32
    %add3A_179 = vector.broadcast %add3A_178 : i32 to vector<1x128xi32>
    %add3A_180 = arith.addi %add3A_179, %select_n3A : vector<1x128xi32>
    %eq3A_181 = vector.broadcast %get3A_35 : vector<2000x1xi32> to vector<2000x128xi32>
    %eq3A_182 = vector.broadcast %add3A_180 : vector<1x128xi32> to vector<2000x128xi32>
    %eq3A_183 = arith.cmpi eq, %eq3A_181, %eq3A_182 : vector<2000x128xi32>
    %jit3A_184 = arith.constant 0xFF800000 : f32
    %broadcast_in_dim3A_185 = vector.broadcast %jit3A_184 : f32 to vector<2000x128xf32>
    %select_n3A_186 = arith.select %eq3A_183, %concatenate3A_36, %broadcast_in_dim3A_185 : vector<2000x128xi1>, vector<2000x128xf32>
    %reduce_max3A_187 = arith.constant dense<0xFF800000> : vector<128xf32>
    %reduce_max3A_188 = vector.multi_reduction <maximumf>, %select_n3A_186, %reduce_max3A_187 [0] : vector<2000x128xf32> to vector<128xf32>
    %broadcast_in_dim3A_189 = vector.shape_cast %reduce_max3A_188 : vector<128xf32> to vector<1x128xf32>
    %add3A_190 = arith.constant 44 : i32
    %add3A_191 = vector.broadcast %add3A_190 : i32 to vector<1x128xi32>
    %add3A_192 = arith.addi %add3A_191, %select_n3A : vector<1x128xi32>
    %eq3A_193 = vector.broadcast %get3A_35 : vector<2000x1xi32> to vector<2000x128xi32>
    %eq3A_194 = vector.broadcast %add3A_192 : vector<1x128xi32> to vector<2000x128xi32>
    %eq3A_195 = arith.cmpi eq, %eq3A_193, %eq3A_194 : vector<2000x128xi32>
    %jit3A_196 = arith.constant 0xFF800000 : f32
    %broadcast_in_dim3A_197 = vector.broadcast %jit3A_196 : f32 to vector<2000x128xf32>
    %select_n3A_198 = arith.select %eq3A_195, %concatenate3A_36, %broadcast_in_dim3A_197 : vector<2000x128xi1>, vector<2000x128xf32>
    %reduce_max3A_199 = arith.constant dense<0xFF800000> : vector<128xf32>
    %reduce_max3A_200 = vector.multi_reduction <maximumf>, %select_n3A_198, %reduce_max3A_199 [0] : vector<2000x128xf32> to vector<128xf32>
    %broadcast_in_dim3A_201 = vector.shape_cast %reduce_max3A_200 : vector<128xf32> to vector<1x128xf32>
    %add3A_202 = arith.constant 48 : i32
    %add3A_203 = vector.broadcast %add3A_202 : i32 to vector<1x128xi32>
    %add3A_204 = arith.addi %add3A_203, %select_n3A : vector<1x128xi32>
    %eq3A_205 = vector.broadcast %get3A_35 : vector<2000x1xi32> to vector<2000x128xi32>
    %eq3A_206 = vector.broadcast %add3A_204 : vector<1x128xi32> to vector<2000x128xi32>
    %eq3A_207 = arith.cmpi eq, %eq3A_205, %eq3A_206 : vector<2000x128xi32>
    %jit3A_208 = arith.constant 0xFF800000 : f32
    %broadcast_in_dim3A_209 = vector.broadcast %jit3A_208 : f32 to vector<2000x128xf32>
    %select_n3A_210 = arith.select %eq3A_207, %concatenate3A_36, %broadcast_in_dim3A_209 : vector<2000x128xi1>, vector<2000x128xf32>
    %reduce_max3A_211 = arith.constant dense<0xFF800000> : vector<128xf32>
    %reduce_max3A_212 = vector.multi_reduction <maximumf>, %select_n3A_210, %reduce_max3A_211 [0] : vector<2000x128xf32> to vector<128xf32>
    %broadcast_in_dim3A_213 = vector.shape_cast %reduce_max3A_212 : vector<128xf32> to vector<1x128xf32>
    %add3A_214 = arith.constant 52 : i32
    %add3A_215 = vector.broadcast %add3A_214 : i32 to vector<1x128xi32>
    %add3A_216 = arith.addi %add3A_215, %select_n3A : vector<1x128xi32>
    %eq3A_217 = vector.broadcast %get3A_35 : vector<2000x1xi32> to vector<2000x128xi32>
    %eq3A_218 = vector.broadcast %add3A_216 : vector<1x128xi32> to vector<2000x128xi32>
    %eq3A_219 = arith.cmpi eq, %eq3A_217, %eq3A_218 : vector<2000x128xi32>
    %jit3A_220 = arith.constant 0xFF800000 : f32
    %broadcast_in_dim3A_221 = vector.broadcast %jit3A_220 : f32 to vector<2000x128xf32>
    %select_n3A_222 = arith.select %eq3A_219, %concatenate3A_36, %broadcast_in_dim3A_221 : vector<2000x128xi1>, vector<2000x128xf32>
    %reduce_max3A_223 = arith.constant dense<0xFF800000> : vector<128xf32>
    %reduce_max3A_224 = vector.multi_reduction <maximumf>, %select_n3A_222, %reduce_max3A_223 [0] : vector<2000x128xf32> to vector<128xf32>
    %broadcast_in_dim3A_225 = vector.shape_cast %reduce_max3A_224 : vector<128xf32> to vector<1x128xf32>
    %add3A_226 = arith.constant 56 : i32
    %add3A_227 = vector.broadcast %add3A_226 : i32 to vector<1x128xi32>
    %add3A_228 = arith.addi %add3A_227, %select_n3A : vector<1x128xi32>
    %eq3A_229 = vector.broadcast %get3A_35 : vector<2000x1xi32> to vector<2000x128xi32>
    %eq3A_230 = vector.broadcast %add3A_228 : vector<1x128xi32> to vector<2000x128xi32>
    %eq3A_231 = arith.cmpi eq, %eq3A_229, %eq3A_230 : vector<2000x128xi32>
    %jit3A_232 = arith.constant 0xFF800000 : f32
    %broadcast_in_dim3A_233 = vector.broadcast %jit3A_232 : f32 to vector<2000x128xf32>
    %select_n3A_234 = arith.select %eq3A_231, %concatenate3A_36, %broadcast_in_dim3A_233 : vector<2000x128xi1>, vector<2000x128xf32>
    %reduce_max3A_235 = arith.constant dense<0xFF800000> : vector<128xf32>
    %reduce_max3A_236 = vector.multi_reduction <maximumf>, %select_n3A_234, %reduce_max3A_235 [0] : vector<2000x128xf32> to vector<128xf32>
    %broadcast_in_dim3A_237 = vector.shape_cast %reduce_max3A_236 : vector<128xf32> to vector<1x128xf32>
    %add3A_238 = arith.constant 60 : i32
    %add3A_239 = vector.broadcast %add3A_238 : i32 to vector<1x128xi32>
    %add3A_240 = arith.addi %add3A_239, %select_n3A : vector<1x128xi32>
    %eq3A_241 = vector.broadcast %get3A_35 : vector<2000x1xi32> to vector<2000x128xi32>
    %eq3A_242 = vector.broadcast %add3A_240 : vector<1x128xi32> to vector<2000x128xi32>
    %eq3A_243 = arith.cmpi eq, %eq3A_241, %eq3A_242 : vector<2000x128xi32>
    %jit3A_244 = arith.constant 0xFF800000 : f32
    %broadcast_in_dim3A_245 = vector.broadcast %jit3A_244 : f32 to vector<2000x128xf32>
    %select_n3A_246 = arith.select %eq3A_243, %concatenate3A_36, %broadcast_in_dim3A_245 : vector<2000x128xi1>, vector<2000x128xf32>
    %reduce_max3A_247 = arith.constant dense<0xFF800000> : vector<128xf32>
    %reduce_max3A_248 = vector.multi_reduction <maximumf>, %select_n3A_246, %reduce_max3A_247 [0] : vector<2000x128xf32> to vector<128xf32>
    %broadcast_in_dim3A_249 = vector.shape_cast %reduce_max3A_248 : vector<128xf32> to vector<1x128xf32>
    %concatenate3A_250 = tpu.concatenate %broadcast_in_dim3A_69, %broadcast_in_dim3A_81, %broadcast_in_dim3A_93, %broadcast_in_dim3A_105, %broadcast_in_dim3A_117, %broadcast_in_dim3A_129, %broadcast_in_dim3A_141, %broadcast_in_dim3A_153, %broadcast_in_dim3A_165, %broadcast_in_dim3A_177, %broadcast_in_dim3A_189, %broadcast_in_dim3A_201, %broadcast_in_dim3A_213, %broadcast_in_dim3A_225, %broadcast_in_dim3A_237, %broadcast_in_dim3A_249 in 0 : vector<1x128xf32>, vector<1x128xf32>, vector<1x128xf32>, vector<1x128xf32>, vector<1x128xf32>, vector<1x128xf32>, vector<1x128xf32>, vector<1x128xf32>, vector<1x128xf32>, vector<1x128xf32>, vector<1x128xf32>, vector<1x128xf32>, vector<1x128xf32>, vector<1x128xf32>, vector<1x128xf32>, vector<1x128xf32> -> vector<16x128xf32>
    %get3A_251 = arith.constant 0 : index
    %get3A_252 = arith.constant 0 : index
    %get3A_253 = vector.load %arg9[%get3A_251, %get3A_252] : memref<16x128xf32, #tpu.memory_space<vmem>>, vector<16x128xf32>
    %max3A_254 = arith.maximumf %get3A_253, %concatenate3A_250 : vector<16x128xf32>
    %swap3A = arith.constant 0 : index
    %swap3A_255 = arith.constant 0 : index
    %swap3A_256 = vector.load %arg9[%swap3A, %swap3A_255] : memref<16x128xf32, #tpu.memory_space<vmem>>, vector<16x128xf32>
    tpu.vector_store %arg9[%swap3A, %swap3A_255], %max3A_254 {strides = array<i32>} : memref<16x128xf32, #tpu.memory_space<vmem>>, vector<16x128xf32>,
    %eq3A_257 = arith.constant 4 : i32
    %eq3A_258 = arith.cmpi eq, %arg0, %eq3A_257 : i32
    %convert_element_type3A_259 = arith.extui %eq3A_258 : i1 to i32
    %cond3A_260 = arith.constant 0 : i32
    %cond3A_261 = arith.cmpi ne, %convert_element_type3A_259, %cond3A_260 : i32
    scf.if %cond3A_261 {
      %get3A_262 = arith.constant 0 : index
      %get3A_263 = arith.constant 0 : index
      %get3A_264 = vector.load %arg9[%get3A_262, %get3A_263] : memref<16x128xf32, #tpu.memory_space<vmem>>, vector<16x128xf32>
      %get3A_265 = arith.constant 0 : index
      %get3A_266 = arith.constant 0 : index
      %get3A_267 = vector.load %arg6[%get3A_265, %get3A_266] : memref<128x40xf32, #tpu.memory_space<vmem>>, vector<128x40xf32>
      %dot_general3A = arith.constant dense<0.000000e+00> : vector<16x40xf32>
      %dot_general3A_268 = tpu.matmul %get3A_264, %get3A_267, %dot_general3A {dimension_numbers = #tpu.dot_dimension_numbers<[1], [0], [0], [1], [0, 0, 1, 1], [], []>, transpose_lhs_hint = false} : vector<16x128xf32>, vector<128x40xf32>, vector<16x40xf32> -> vector<16x40xf32>
      %get3A_269 = arith.constant 0 : index
      %get3A_270 = arith.constant 0 : index
      %get3A_271 = vector.load %arg7[%get3A_269, %get3A_270] : memref<1x40xf32, #tpu.memory_space<vmem>>, vector<1x40xf32>
      %add3A_272 = vector.broadcast %get3A_271 : vector<1x40xf32> to vector<16x40xf32>
      %add3A_273 = arith.addf %dot_general3A_268, %add3A_272 : vector<16x40xf32>
      %swap3A_274 = arith.constant 0 : index
      %swap3A_275 = arith.constant 0 : index
      %swap3A_276 = vector.load %arg8[%swap3A_274, %swap3A_275] : memref<16x40xf32, #tpu.memory_space<vmem>>, vector<16x40xf32>
      tpu.vector_store %arg8[%swap3A_274, %swap3A_275], %add3A_273 {strides = array<i32>} : memref<16x40xf32, #tpu.memory_space<vmem>>, vector<16x40xf32>,
    } else {
    }
    return
  }
  func.func @transform_0(%arg0: i32) -> (i32, i32, i32) {
    %c0_i32 = arith.constant 0 : i32
    %c0_i32_0 = arith.constant 0 : i32
    %c0_i32_1 = arith.constant 0 : i32
    return %c0_i32, %arg0, %c0_i32_0 : i32, i32, i32
  }
  func.func @transform_1(%arg0: i32) -> (i32, i32, i32) {
    %c0_i32 = arith.constant 0 : i32
    %c0_i32_0 = arith.constant 0 : i32
    %c0_i32_1 = arith.constant 0 : i32
    return %c0_i32, %arg0, %c0_i32_0 : i32, i32, i32
  }
  func.func @transform_2(%arg0: i32) -> (i32, i32) {
    %c0_i32 = arith.constant 0 : i32
    %c0_i32_0 = arith.constant 0 : i32
    return %arg0, %c0_i32 : i32, i32
  }
  func.func @transform_3(%arg0: i32) -> (i32, i32) {
    %c0_i32 = arith.constant 0 : i32
    %c0_i32_0 = arith.constant 0 : i32
    %c0_i32_1 = arith.constant 0 : i32
    return %c0_i32, %c0_i32_0 : i32, i32
  }
  func.func @transform_4(%arg0: i32) -> (i32, i32) {
    %c0_i32 = arith.constant 0 : i32
    %c0_i32_0 = arith.constant 0 : i32
    return %arg0, %c0_i32 : i32, i32
  }
  func.func @transform_5(%arg0: i32) -> (i32, i32) {
    %c0_i32 = arith.constant 0 : i32
    %c0_i32_0 = arith.constant 0 : i32
    %c0_i32_1 = arith.constant 0 : i32
    return %c0_i32, %c0_i32_0 : i32, i32
  }
  func.func @transform_6(%arg0: i32) -> (i32, i32) {
    %c0_i32 = arith.constant 0 : i32
    %c0_i32_0 = arith.constant 0 : i32
    %c0_i32_1 = arith.constant 0 : i32
    return %c0_i32, %c0_i32_0 : i32, i32
  }
  func.func @transform_7(%arg0: i32) -> (i32, i32) {
    %c0_i32 = arith.constant 0 : i32
    %c0_i32_0 = arith.constant 0 : i32
    %c0_i32_1 = arith.constant 0 : i32
    return %c0_i32, %c0_i32_0 : i32, i32
  }
}

</mosaic_0001>

<sc_bundles>
// kernel: kernel.11.cloned.1.call-start
scs
__scs_entry_jumppad:
0x0: {  	(pc) =	sbr.rel $0x88, $3  }
0x1: {  	(tag) =	ssettag $0x0;
	lr =	simm.s32 $0x1  }
0x2: {  	[smem:$0x3F98] =	sst lr;
	_ =	strace $0xD0000000  }
0x3: {  	_ = 	snop  }
0x4: {  	_ = 	snop  }
0x5: {  	_ = 	snop  }
0x6: {  	_ = 	snop  }
0x7: {  	_ = 	snop  }
__scs_overlays_trampoline_lowered:
0x8: {  	[smem:$0x3FA7] =	sst s0  }
0x9: {  	[smem:$0x3FA8] =	sst s1  }
0xa: {  	[smem:$0x3FA9] =	sst s2  }
0xb: {  	[smem:$0x3FAA] =	sst s3  }
0xc: {  	[smem:$0x3FAB] =	sst s4  }
0xd: {  	[smem:$0x3FAC] =	sst s5  }
0xe: {  	[smem:$0x3FAD] =	sst s6  }
0xf: {  	[smem:$0x3FAE] =	sst s7  }
0x10: {  	[smem:$0x3FAF] =	sst s8  }
0x11: {  	[smem:$0x3FB0] =	sst s9;
	s0 =	simm.s32 @!p0 $0x0  }
0x12: {  	s1 =	sld [smem:$0x3F96];
	s0 =	simm.s32 @p0 $0x1  }
0x13: {  	[smem:$0x3FB1] =	sst s0;
	s0 =	simm.s32 @!p1 $0x0  }
0x14: {  	s2 =	sld [smem:$0x3F95];
	s0 =	simm.s32 @p1 $0x1  }
0x15: {  	[smem:$0x3FB2] =	sst s0;
	s0 =	simm.s32 @!p2 $0x0  }
0x16: {  	s3 =	sld [smem:$0x3FDB];
	s0 =	simm.s32 @p2 $0x1  }
0x17: {  	s4 =	simm.s32 $0x1BF5;
	[smem:$0x3FB4] =	sst s0  }
0x18: {  	s0 =	sld [smem:$0x3F97];
	_ =	swait.ge [sflag:s4], $0x0  }
0x19: {  	s7 =	sld [smem:$0x3F98]  }
0x1a: {  	s8 =	sadd.s32 $0xFFFFE003, lr  }
0x1b: {  	s9 =	sadd.s32 $0xFFFFFEF7, lr;
	s5 =	simm.s32 $0xFFFFFFFF;
	p2 =	slt.u32 s8, $0xFFFFF086  }
0x1c: {  	p1 =	slt.u32 s9, $0xF7A;
	s5 =	simm.s32 @!p2 $0x0  }
0x1d: {  	s5 =	simm.s32 @p1 $0x1;
	p0 =	seq.s32 s7, s2  }
0x1e: {  	s7 =	smul.u32 @!p0 $0xF7A, s2;
	p2 =	seq.s32 @!p0 s5, $0x0  }
0x1f: {  	s9 =	smul.u32 $0xF7A, s1;
	s8 =	simm.s32 @!p0 $0x1BF5;
	p2 =	por !p2, p0  }
0x20: {  	[sflag:s8] =	ssyncset.s32 @!p0 $0xFFFFF086;
	s6 =	sadd.s32 @!p0 s3, s7;
	s7 =	simm.s32 @!p0 $0x108  }
0x21: {  	s3 =	sadd.s32 s3, s9;
	s6 =	sadd.s32 @!p0 $0x88, s6;
	s7 =	simm.s32 @p2 $0x1082  }
0x22: {  	[simem:s7], [sflag:s8] =	dma.local @!p0 [hbm:s6], $0xF7A  }
0x23: {  	s9 =	sor.u32 $0xD0000000, s2;
	s6 =	simm.s32 $0x108;
	_ =	swait.ge @!p0 [sflag:s8], $0x0  }
0x24: {  	s3 =	sadd.s32 $0x88, s3;
	s6 =	simm.s32 @!p1 $0x1082;
	[sflag:s4] =	ssyncset.s32 $0xFFFFF086  }
0x25: {  	[simem:s6], [sflag:s4] =	dma.local [hbm:s3], $0xF7A  }
0x26: {  	[smem:$0x3F98] =	sst s1;
	(tag) =	ssettag s2;
	_ =	strace s9  }
0x27: {  	s1 =	sld [smem:$0x3FA8]  }
0x28: {  	s2 =	sld [smem:$0x3FA9]  }
0x29: {  	s4 =	sld [smem:$0x3FAB]  }
0x2a: {  	p0 =	seq.s32 s5, $0x0;
	s5 =	sld [smem:$0x3FAC]  }
0x2b: {  	s6 =	sld [smem:$0x3FAD]  }
0x2c: {  	s7 =	sld [smem:$0x3FAE]  }
0x2d: {  	s3 =	simm.s32 $0x108;
	s8 =	sld [smem:$0x3FAF]  }
0x2e: {  	s3 =	simm.s32 @!p0 $0x1082;
	s9 =	sld [smem:$0x3FB0]  }
0x2f: {  	lr =	sadd.s32 s0, s3;
	s0 =	sld [smem:$0x3FA7]  }
0x30: {  	s3 =	sld [smem:$0x3FAA]  }
0x31: {  	[smem:$0x3FB3] =	sst s10  }
0x32: {  	s10 =	sld [smem:$0x3FB1];
	_ =	sdelay $0x3  }
0x33: {  	p0 =	seq.s32 s10, $0x1;
	s10 =	sld [smem:$0x3FB3];
	_ =	sdelay $0x3  }
0x34: {  	[smem:$0x3FB3] =	sst s10  }
0x35: {  	s10 =	sld [smem:$0x3FB2];
	_ =	sdelay $0x3  }
0x36: {  	p1 =	seq.s32 s10, $0x1;
	s10 =	sld [smem:$0x3FB3];
	_ =	sdelay $0x3  }
0x37: {  	[smem:$0x3FB3] =	sst s10  }
0x38: {  	s10 =	sld [smem:$0x3FB4]  }
0x39: {  	_ = 	snop;
	(pc) =	sbr.ind lr, $3  }
0x3a: {  	_ = 	snop  }
0x3b: {  	_ = 	snop  }
0x3c: {  	p2 =	seq.s32 s10, $0x1;
	s10 =	sld [smem:$0x3FB3]  }
0x3d: {  	_ =	shalt  }
0x3e: {  	_ =	shalt  }
0x3f: {  	_ =	shalt  }
0x40: {  	_ =	shalt  }
0x41: {  	_ =	shalt  }
0x42: {  	_ =	shalt  }
0x43: {  	_ =	shalt  }
0x44: {  	_ =	shalt  }
0x45: {  	_ =	shalt  }
0x46: {  	_ =	shalt  }
0x47: {  	_ =	shalt  }
0x48: {  	_ =	shalt  }
0x49: {  	_ =	shalt  }
0x4a: {  	_ =	shalt  }
0x4b: {  	_ =	shalt  }
0x4c: {  	_ =	shalt  }
0x4d: {  	_ =	shalt  }
0x4e: {  	_ =	shalt  }
0x4f: {  	_ =	shalt  }
0x50: {  	_ =	shalt  }
0x51: {  	_ =	shalt  }
0x52: {  	_ =	shalt  }
0x53: {  	_ =	shalt  }
0x54: {  	_ =	shalt  }
0x55: {  	_ =	shalt  }
0x56: {  	_ =	shalt  }
0x57: {  	_ =	shalt  }
0x58: {  	_ =	shalt  }
0x59: {  	_ =	shalt  }
0x5a: {  	_ =	shalt  }
0x5b: {  	_ =	shalt  }
0x5c: {  	_ =	shalt  }
0x5d: {  	_ =	shalt  }
0x5e: {  	_ =	shalt  }
0x5f: {  	_ =	shalt  }
0x60: {  	_ =	shalt  }
0x61: {  	_ =	shalt  }
0x62: {  	_ =	shalt  }
0x63: {  	_ =	shalt  }
0x64: {  	_ =	shalt  }
0x65: {  	_ =	shalt  }
0x66: {  	_ =	shalt  }
0x67: {  	_ =	shalt  }
0x68: {  	_ =	shalt  }
0x69: {  	_ =	shalt  }
0x6a: {  	_ =	shalt  }
0x6b: {  	_ =	shalt  }
0x6c: {  	_ =	shalt  }
0x6d: {  	_ =	shalt  }
0x6e: {  	_ =	shalt  }
0x6f: {  	_ =	shalt  }
0x70: {  	_ =	shalt  }
0x71: {  	_ =	shalt  }
0x72: {  	_ =	shalt  }
0x73: {  	_ =	shalt  }
0x74: {  	_ =	shalt  }
0x75: {  	_ =	shalt  }
0x76: {  	_ =	shalt  }
0x77: {  	_ =	shalt  }
0x78: {  	_ =	shalt  }
0x79: {  	_ =	shalt  }
0x7a: {  	_ =	shalt  }
0x7b: {  	_ =	shalt  }
0x7c: {  	_ =	shalt  }
0x7d: {  	_ =	shalt  }
0x7e: {  	_ =	shalt  }
0x7f: {  	_ =	shalt  }
0x80: {  	_ =	shalt  }
0x81: {  	_ =	shalt  }
0x82: {  	_ =	shalt  }
0x83: {  	_ =	shalt  }
0x84: {  	_ =	shalt  }
0x85: {  	_ =	shalt  }
0x86: {  	_ =	shalt  }
0x87: {  	_ =	shalt  }
.Lfunc_end0:
.L_simem_size_0:
called_computation.1_lowered:
.L_overlay_start_0:
0x88: {  	s2 =	sld [smem:$0x3FD9]  }
0x89: {  	s3 =	sld [smem:$0x3FFE];
	_ =	sdelay $0x1  }
0x8a: {  	s1 =	srdreg.scid  }
0x8b: {  	s0 =	sand.u32 $0x1, s1  }
0x8c: {  	s16 =	sshll.u32 s0, $0xA;
	s2 =	sadd.s32 s3, s2  }
0x8d: {  	s2 =	sadd.s32 s2, s16  }
0x8e: {  	[smem:$0x3FBF] =	sst s2  }
0x8f: {  	_ = 	snop  }
0x90: {  	(tm) =	ssettm $0x1  }
0x91: {  	s17 =	sld [smem:$0x3FFB];
	_ =	sdelay $0x3  }
0x92: {  	_ =	strace s17  }
0x93: {  	s2 =	sld [smem:$0x3FFC];
	_ =	sdelay $0x3  }
0x94: {  	_ =	strace s2  }
0x95: {  	s2 =	sld [smem:$0x3FFD];
	_ =	sdelay $0x3  }
0x96: {  	_ =	strace s2  }
0x97: {  	_ =	strace $0x8FFFFFFF  }
0x98: {  	s18 =	sld [smem:$0x3FDB];
	_ =	sdelay $0x1  }
0x99: {  	s19 =	simm.s32 $_scs_section_size  }
0x9a: {  	s4 =	simm.s32 $_size__tile_overlayer_lowered;
	s5 =	simm.s32 $_tile_overlayer_lowered  }
0x9b: {  	s22 =	simm.s32 $0x1BFF;
	s21 =	sshll.u32 s5, $0x1;
	s2 =	sadd.s32 s19, s18  }
0x9c: {  	s6 =	simm.s32 $0x0;
	s20 =	sshll.u32 s4, $0x1;
	s4 =	sadd.s32 s21, s2  }
0x9d: {  	[timem:s6], [sflag:s22] =	dma.local [hbm:s4], s20  }
0x9e: {  	_ =	swait.ge [sflag:s22], s20  }
0x9f: {  	s3 =	ssub.s32 $0x0, s20;
	[sflag:s22] =	ssyncset.done $0x0  }
0xa0: {  	[sflag:s22] =	ssyncadd.s32 s3;
	_ =	sdelay $0x1  }
0xa1: {  	s23 =	simm.s32 $0x1B8B  }
0xa2: {  	_ =	swait.ge [sflag:s23], $0x1  }
0xa3: {  	[sflag:s23] =	ssyncset.done $0x0  }
0xa4: {  	s25 =	simm.s32 $0x1B8E;
	s24 =	sld [smem:$0x3FFE];
	[sflag:s23] =	ssyncadd.s32 $0xFFFFFFFF  }
0xa5: {  	s26 =	simm.s32 $execute0_lowered;
	[smem:$0x3FD2] =	sst s25  }
0xa6: {  	s4 =	sshll.u32 s26, $0x1;
	_ =	strace $0x80000049;
	[dreg:$0x1] =	wrdreg $0xFFFFFFFF  }
0xa7: {  	s28 =	simm.s32 $_size_execute0_lowered;
	s2 =	sadd.s32 s2, s4;
	[dreg:$0x0] =	wrdreg $0x0  }
0xa8: {  	s4 =	sshll.u32 s28, $0x1;
	[dreg:$0x2] =	wrdreg s2  }
0xa9: {  	[dreg:$0x3] =	wrdreg s4  }
0xaa: {  	[dreg:$0x4] =	wrdreg $0xC0  }
0xab: {  	_ =	task [dreg:s6], $0x5FFFF  }
0xac: {  	[dreg:$0x1] =	wrdreg $0xFFFFFFFF  }
0xad: {  	[dreg:$0x0] =	wrdreg $0x60  }
0xae: {  	[dreg:$0x2] =	wrdreg s24  }
0xaf: {  	[dreg:$0x3] =	wrdreg $0x136200  }
0xb0: {  	[dreg:$0x4] =	wrdreg $0xE8000  }
0xb1: {  	[dreg:$0x5] =	wrdreg $0x9  }
0xb2: {  	_ =	task.clear_ibuf [dreg:s6], $0x6FFFF;
	_ =	strace $0x90000049  }
0xb3: {  	s29 =	simm.s32 $0x9;
	_ =	strace $0x8000004B  }
0xb4: {  	_ =	swait.ge [sflag:s29], $0x1  }
0xb5: {  	[sflag:s29] =	ssyncadd.s32 $0xFFFFFFFF  }
0xb6: {  	_ =	strace $0x9000004B  }
0xb7: {  	_ =	sfence  }
0xb8: {  	s30 =	sld [smem:$0x0];
	_ =	sdelay $0x2  }
0xb9: {  	s31 =	sshll.u32 s1, $0xD;
	s1 =	sshrl.u32 s1, $0x2  }
0xba: {  	s3 =	sand.u32 $0x4000, s31;
	s1 =	sadd.s32 s1, s30  }
0xbb: {  	s0 =	sor.u32 s3, s0;
	s1 =	sshll.u32 s1, $0x11  }
0xbc: {  	s0 =	sor.u32 s1, s0  }
0xbd: {  	s0 =	sadd.s32 $0x8F2B, s0  }
0xbe: {  	[sflag:s0] =	ssyncadd.remote.s32 $0x1  }
0xbf: {  	_ =	sfence.sel $0xFFFF  }
0xc0: {  	[dreg:$0x0] =	wrdreg $0xFFFFFFFF;
	(pc) =	sbr.abs _section_cstart, $3  }
0xc1: {  	[dreg:$0x1] =	wrdreg $0xFFFFFFFF  }
0xc2: {  	_ =	task.clear_ibuf [dreg:s6], $0x2FFFF;
	_ =	strace $0x9FFFFFFF  }
0xc3: {  	(tm) =	ssettm $0x7FFFFFFF  }
tec
execute0_lowered:
.L_overlay_start_1:
0x0: {  	(tag) =	ssettag $0x1  }
0x1: {  	s0 =	rddreg [dreg:$0x0]  }
0x2: {  	s1 =	srdreg.scid;
	s11 =	stileid.u32  }
0x3: {  	s2 =	rddreg [dreg:$0x1];
	s6 =	smul.u32 $0x4E20, s11  }
0x4: {  	s3 =	rddreg [dreg:$0x2];
	s4 =	simm.s32 $0x0;
	s10 =	smul.u32 $0x5000, s11  }
0x5: {  	s20 =	simm.s32 $0xE000;
	s21 =	simm.s32 $0x3;
	s8 =	smul.u32 $0xA00, s11  }
0x6: {  	s28 =	simm.s32 $0xB000;
	s1 =	sand.u32 $0x1, s1;
	s24 =	smul.u32 $0x14000, s11  }
0x7: {  	s30 =	simm.s32 $0xC000;
	[smem:$0x7FF] =	sst s4;
	s5 =	smul.u32 $0x4E200, s1  }
0x8: {  	s7 =	smul.u32 $0x50000, s1;
	_ =	strace $0x8000004A;
	s1 =	ssub.s32 $0x2, s1  }
0x9: {  	s8 =	sadd.s32 s8, s0;
	s25 =	sshrl.u32 s1, $0x1;
	s31 =	sadd.s32 s10, s2  }
0xa: {  	s5 =	sadd.s32 s6, s5;
	s23 =	sadd.s32 s10, s7;
	s7 =	sshrl.u32 s24, $0x2  }
0xb: {  	s1 =	ssub.s32 s1, s25;
	s6 =	sadd.s32 s6, s3;
	s29 =	sadd.s32 $0x14000, s8  }
0xc: {  	s8 =	sadd.s32 $0x5000, s8;
	s24 =	simm.s32 $0x80;
	s25 =	sshrl.u32 s31, $0x3  }
0xd: {  	s5 =	sshrl.u32 s5, $0x3;
	[dreg:$0x5] =	wrdreg s29;
	s10 =	smax.u32 s1, $0x1  }
0xe: {  	s22 =	sshrl.u32 s6, $0x3;
	s1 =	simm.s32 $0xD000;
	s9 =	sadd.s32 s5, s0  }
0xf: {  	s5 =	sshrl.u32 s23, $0x3;
	s23 =	simm.s32 $0x2;
	s26 =	sadd.s32 $0x93400, s9  }
0x10: {  	s0 =	sadd.s32 s5, s0;
	s5 =	sadd.s32 s7, s2;
	[dreg:$0x4] =	wrdreg s26  }
0x11: {  	s9 =	sadd.s32 $0xA6E00, s0;
	s11 =	sadd.s32 $0x800, s5;
	s12 =	sadd.s32 $0x1000, s5  }
0x12: {  	s13 =	sadd.s32 $0x1800, s5;
	s14 =	sadd.s32 $0x2000, s5;
	s15 =	sadd.s32 $0x2800, s5  }
0x13: {  	s16 =	sadd.s32 $0x3000, s5;
	s17 =	sadd.s32 $0x3800, s5;
	s18 =	sadd.s32 $0x4000, s5  }
0x14: {  	v0 =	vimm.f32 $0.0e+00;
	s19 =	sadd.s32 $0x4800, s5;
	s26 =	simm.s32 $0xA000;
	s0 =	simm.s32 $0x1  }
.LBB2_1:
0x15: {  	s6 =	simm.s32 $0x80;
	s29 =	simm.s32 $0x0  }
.LBB2_2:
0x16: {  	p0 =	sne.s32 s6, $0x1F80;
	[tilespmem:s29+$0xE000] =	vst v0;
	s31 =	smov.u32 s6;
	s6 =	sadd.s32 $0x80, s6  }
.Ltmp0:
0x17: {  	[tilespmem:s29+$0xE010] =	vst v0;
	(pc) =	sbr.rel @p0 .LBB2_2-.Ltmp0, $2  }
0x18: {  	_ =	sdelay $0x2  }
0x19: {  	s29 =	sshra.s32 s31, $0x2  }
0x1a: {  	[tilespmem:s29+$0xE000] =	vst v0  }
0x1b: {  	[tilespmem:s29+$0xE010] =	vst v0  }
0x1c: {  	[spmem:s5] =	stream.linear.scatter [tilespmem:s20], [sflag:$0x3], $0x800, $0x38;
	[tilespmem:$0x18620] =	vst v63  }
0x1d: {  	_ =	swait.ge [sflag:s21], $0x800  }
0x1e: {  	[sflag:s21] =	ssyncset.done $0x0  }
0x1f: {  	[sflag:s21] =	ssyncadd.s32 $0xFFFFF800  }
0x20: {  	[spmem:s11] =	stream.linear.scatter [tilespmem:s20], [sflag:$0x3], $0x800, $0x38;
	[tilespmem:$0x18620] =	vst v63  }
0x21: {  	_ =	swait.ge [sflag:s21], $0x800  }
0x22: {  	[sflag:s21] =	ssyncset.done $0x0  }
0x23: {  	[sflag:s21] =	ssyncadd.s32 $0xFFFFF800  }
0x24: {  	[spmem:s12] =	stream.linear.scatter [tilespmem:s20], [sflag:$0x3], $0x800, $0x38;
	[tilespmem:$0x18620] =	vst v63  }
0x25: {  	_ =	swait.ge [sflag:s21], $0x800  }
0x26: {  	[sflag:s21] =	ssyncset.done $0x0  }
0x27: {  	[sflag:s21] =	ssyncadd.s32 $0xFFFFF800  }
0x28: {  	[spmem:s13] =	stream.linear.scatter [tilespmem:s20], [sflag:$0x3], $0x800, $0x38;
	[tilespmem:$0x18620] =	vst v63  }
0x29: {  	_ =	swait.ge [sflag:s21], $0x800  }
0x2a: {  	[sflag:s21] =	ssyncset.done $0x0  }
0x2b: {  	[sflag:s21] =	ssyncadd.s32 $0xFFFFF800  }
0x2c: {  	[spmem:s14] =	stream.linear.scatter [tilespmem:s20], [sflag:$0x3], $0x800, $0x38;
	[tilespmem:$0x18620] =	vst v63  }
0x2d: {  	_ =	swait.ge [sflag:s21], $0x800  }
0x2e: {  	[sflag:s21] =	ssyncset.done $0x0  }
0x2f: {  	[sflag:s21] =	ssyncadd.s32 $0xFFFFF800  }
0x30: {  	[spmem:s15] =	stream.linear.scatter [tilespmem:s20], [sflag:$0x3], $0x800, $0x38;
	[tilespmem:$0x18620] =	vst v63  }
0x31: {  	_ =	swait.ge [sflag:s21], $0x800  }
0x32: {  	[sflag:s21] =	ssyncset.done $0x0  }
0x33: {  	[sflag:s21] =	ssyncadd.s32 $0xFFFFF800  }
0x34: {  	[spmem:s16] =	stream.linear.scatter [tilespmem:s20], [sflag:$0x3], $0x800, $0x38;
	[tilespmem:$0x18620] =	vst v63  }
0x35: {  	_ =	swait.ge [sflag:s21], $0x800  }
0x36: {  	[sflag:s21] =	ssyncset.done $0x0  }
0x37: {  	[sflag:s21] =	ssyncadd.s32 $0xFFFFF800  }
0x38: {  	[spmem:s17] =	stream.linear.scatter [tilespmem:s20], [sflag:$0x3], $0x800, $0x38;
	[tilespmem:$0x18620] =	vst v63  }
0x39: {  	_ =	swait.ge [sflag:s21], $0x800  }
0x3a: {  	[sflag:s21] =	ssyncset.done $0x0  }
0x3b: {  	[sflag:s21] =	ssyncadd.s32 $0xFFFFF800  }
0x3c: {  	[spmem:s18] =	stream.linear.scatter [tilespmem:s20], [sflag:$0x3], $0x800, $0x38;
	[tilespmem:$0x18620] =	vst v63  }
0x3d: {  	_ =	swait.ge [sflag:s21], $0x800  }
0x3e: {  	[sflag:s21] =	ssyncset.done $0x0  }
0x3f: {  	[sflag:s21] =	ssyncadd.s32 $0xFFFFF800  }
0x40: {  	[spmem:s19] =	stream.linear.scatter [tilespmem:s20], [sflag:$0x3], $0x800, $0x38;
	[tilespmem:$0x18620] =	vst v63  }
0x41: {  	s6 =	stileid.u32;
	_ =	swait.ge [sflag:s21], $0x800  }
0x42: {  	s6 =	sshll.u32 s6, $0x6;
	[sflag:s21] =	ssyncset.done $0x0  }
0x43: {  	s29 =	sor.u32 $0x1C03, s6;
	s7 =	rddreg [dreg:$0x4];
	[sflag:s21] =	ssyncadd.s32 $0xFFFFF800  }
0x44: {  	[spmem:s22], [sflag:s29] =	dma.local [hbm:s7], $0x9C4  }
0x45: {  	_ =	swait.ge [sflag:s21], $0x9C4  }
0x46: {  	[sflag:s21] =	ssyncset.done $0x0  }
0x47: {  	s6 =	simm.s32 $0x0;
	s7 =	rddreg [dreg:$0x5];
	[sflag:s21] =	ssyncadd.s32 $0xFFFFF63C  }
0x48: {  	[tilespmem:s6], [sflag:$0x3] =	stream.linear.gather [hbm4b:s7+s6], $0x5000, $0x38;
	[tilespmem:$0x18620] =	vst v63  }
0x49: {  	_ =	swait.ge [sflag:s21], $0x5000  }
0x4a: {  	[sflag:s21] =	ssyncset.done $0x0  }
0x4b: {  	s7 =	simm.s32 $0x5000;
	[sflag:s21] =	ssyncadd.s32 $0xFFFFB000  }
0x4c: {  	[tilespmem:s7], [sflag:$0x3] =	stream.linear.gather [hbm4b:s8+s6], $0x5000, $0x38;
	[tilespmem:$0x18620] =	vst v63  }
0x4d: {  	_ =	swait.ge [sflag:s21], $0x5000  }
0x4e: {  	[sflag:s21] =	ssyncset.done $0x0  }
0x4f: {  	[sflag:s21] =	ssyncadd.s32 $0xFFFFB000  }
0x50: {  	[bflag:$0x0] =	sbarrier.arrive $0xFFFF  }
0x51: {  	[tilespmem:s26], [sflag:$0x1] =	stream.indirect.gather [spmem:s3], $0x20, s6, s24, $0xb8;
	[tilespmem:$0x18620] =	vst v63  }
0x52: {  	_ = 	snop  }
0x53: {  	[tilespmem:s28], [sflag:$0x1] =	stream.indirect.gather [spmem:s3], $0x20, s24, s24, $0xb8;
	[tilespmem:$0x18620] =	vst v63  }
0x54: {  	s7 =	simm.s32 $0x100  }
0x55: {  	[tilespmem:s30], [sflag:$0x1] =	stream.indirect.gather [spmem:s3], $0x20, s7, s24, $0xb8;
	[tilespmem:$0x18620] =	vst v63  }
0x56: {  	s7 =	simm.s32 $0x180  }
0x57: {  	[tilespmem:s1], [sflag:$0x1] =	stream.indirect.gather [spmem:s3], $0x20, s7, s24, $0xb8;
	[tilespmem:$0x18620] =	vst v63  }
0x58: {  	_ =	swait.ge [sflag:s0], $0x1000  }
0x59: {  	[sflag:s0] =	ssyncset.done $0x0  }
0x5a: {  	s7 =	simm.s32 $0x5000;
	[sflag:s0] =	ssyncadd.s32 $0xFFFFF000  }
0x5b: {  	[spmem:s2] =	stream.indirect.scatter.add.f32 [tilespmem:s26], [sflag:$0x2], $0x20, s7, s24, $0xb8;
	[tilespmem:$0x18620] =	vst v63  }
0x5c: {  	_ =	swait.ge [sflag:s0], $0x1000  }
0x5d: {  	[sflag:s0] =	ssyncset.done $0x0  }
0x5e: {  	s7 =	simm.s32 $0x5080;
	[sflag:s0] =	ssyncadd.s32 $0xFFFFF000  }
0x5f: {  	[spmem:s2] =	stream.indirect.scatter.add.f32 [tilespmem:s28], [sflag:$0x2], $0x20, s7, s24, $0xb8;
	[tilespmem:$0x18620] =	vst v63  }
0x60: {  	_ =	swait.ge [sflag:s0], $0x1000  }
0x61: {  	[sflag:s0] =	ssyncset.done $0x0  }
0x62: {  	s7 =	simm.s32 $0x5100;
	[sflag:s0] =	ssyncadd.s32 $0xFFFFF000  }
0x63: {  	[spmem:s2] =	stream.indirect.scatter.add.f32 [tilespmem:s30], [sflag:$0x2], $0x20, s7, s24, $0xb8;
	[tilespmem:$0x18620] =	vst v63  }
0x64: {  	_ =	swait.ge [sflag:s0], $0x1000  }
0x65: {  	[sflag:s0] =	ssyncset.done $0x0  }
0x66: {  	s7 =	simm.s32 $0x5180;
	[sflag:s0] =	ssyncadd.s32 $0xFFFFF000  }
0x67: {  	[spmem:s2] =	stream.indirect.scatter.add.f32 [tilespmem:s1], [sflag:$0x2], $0x20, s7, s24, $0xb8;
	[tilespmem:$0x18620] =	vst v63  }
0x68: {  	_ =	swait.ge [sflag:s23], $0x1000  }
0x69: {  	[sflag:s23] =	ssyncset.done $0x0  }
0x6a: {  	s7 =	simm.s32 $0x200;
	[sflag:s23] =	ssyncadd.s32 $0xFFFFF000  }
0x6b: {  	[tilespmem:s26], [sflag:$0x1] =	stream.indirect.gather [spmem:s3], $0x20, s7, s24, $0xb8;
	[tilespmem:$0x18620] =	vst v63  }
0x6c: {  	_ =	swait.ge [sflag:s23], $0x1000  }
0x6d: {  	[sflag:s23] =	ssyncset.done $0x0  }
0x6e: {  	s7 =	simm.s32 $0x280;
	[sflag:s23] =	ssyncadd.s32 $0xFFFFF000  }
0x6f: {  	[tilespmem:s28], [sflag:$0x1] =	stream.indirect.gather [spmem:s3], $0x20, s7, s24, $0xb8;
	[tilespmem:$0x18620] =	vst v63  }
0x70: {  	_ =	swait.ge [sflag:s23], $0x1000  }
0x71: {  	[sflag:s23] =	ssyncset.done $0x0  }
0x72: {  	s7 =	simm.s32 $0x300;
	[sflag:s23] =	ssyncadd.s32 $0xFFFFF000  }
0x73: {  	[tilespmem:s30], [sflag:$0x1] =	stream.indirect.gather [spmem:s3], $0x20, s7, s24, $0xb8;
	[tilespmem:$0x18620] =	vst v63  }
0x74: {  	_ =	swait.ge [sflag:s23], $0x1000  }
0x75: {  	[sflag:s23] =	ssyncset.done $0x0  }
0x76: {  	s31 =	simm.s32 $0x800;
	s6 =	simm.s32 $0x380;
	[sflag:s23] =	ssyncadd.s32 $0xFFFFF000  }
.LBB2_4:
0x77: {  	[tilespmem:s1], [sflag:$0x1] =	stream.indirect.gather [spmem:s3], $0x20, s6, s24, $0xb8;
	[tilespmem:$0x18620] =	vst v63  }
0x78: {  	s6 =	smov.u32 s31  }
0x79: {  	p0 =	sne.s32 s31, $0x13000;
	s31 =	sadd.s32 $0x800, s31;
	_ =	swait.ge [sflag:s0], $0x1000  }
0x7a: {  	s6 =	sshra.s32 s6, $0x2;
	[sflag:s0] =	ssyncset.done $0x0  }
0x7b: {  	s7 =	sadd.s32 $0x5000, s6;
	[sflag:s0] =	ssyncadd.s32 $0xFFFFF000  }
0x7c: {  	[spmem:s2] =	stream.indirect.scatter.add.f32 [tilespmem:s26], [sflag:$0x2], $0x20, s7, s24, $0xb8;
	[tilespmem:$0x18620] =	vst v63  }
0x7d: {  	_ =	swait.ge [sflag:s0], $0x1000  }
0x7e: {  	[sflag:s0] =	ssyncset.done $0x0  }
0x7f: {  	s7 =	sadd.s32 $0x5080, s6;
	[sflag:s0] =	ssyncadd.s32 $0xFFFFF000  }
0x80: {  	[spmem:s2] =	stream.indirect.scatter.add.f32 [tilespmem:s28], [sflag:$0x2], $0x20, s7, s24, $0xb8;
	[tilespmem:$0x18620] =	vst v63  }
0x81: {  	_ =	swait.ge [sflag:s0], $0x1000  }
0x82: {  	[sflag:s0] =	ssyncset.done $0x0  }
0x83: {  	s7 =	sadd.s32 $0x5100, s6;
	[sflag:s0] =	ssyncadd.s32 $0xFFFFF000  }
0x84: {  	[spmem:s2] =	stream.indirect.scatter.add.f32 [tilespmem:s30], [sflag:$0x2], $0x20, s7, s24, $0xb8;
	[tilespmem:$0x18620] =	vst v63  }
0x85: {  	_ =	swait.ge [sflag:s0], $0x1000  }
0x86: {  	[sflag:s0] =	ssyncset.done $0x0  }
0x87: {  	s7 =	sadd.s32 $0x5180, s6;
	[sflag:s0] =	ssyncadd.s32 $0xFFFFF000  }
0x88: {  	[spmem:s2] =	stream.indirect.scatter.add.f32 [tilespmem:s1], [sflag:$0x2], $0x20, s7, s24, $0xb8;
	[tilespmem:$0x18620] =	vst v63  }
0x89: {  	_ =	swait.ge [sflag:s23], $0x1000  }
0x8a: {  	[sflag:s23] =	ssyncset.done $0x0  }
0x8b: {  	s7 =	sadd.s32 $0x200, s6;
	[sflag:s23] =	ssyncadd.s32 $0xFFFFF000  }
0x8c: {  	[tilespmem:s26], [sflag:$0x1] =	stream.indirect.gather [spmem:s3], $0x20, s7, s24, $0xb8;
	[tilespmem:$0x18620] =	vst v63  }
0x8d: {  	_ =	swait.ge [sflag:s23], $0x1000  }
0x8e: {  	[sflag:s23] =	ssyncset.done $0x0  }
0x8f: {  	s7 =	sadd.s32 $0x280, s6;
	[sflag:s23] =	ssyncadd.s32 $0xFFFFF000  }
0x90: {  	[tilespmem:s28], [sflag:$0x1] =	stream.indirect.gather [spmem:s3], $0x20, s7, s24, $0xb8;
	[tilespmem:$0x18620] =	vst v63  }
0x91: {  	_ =	swait.ge [sflag:s23], $0x1000  }
0x92: {  	[sflag:s23] =	ssyncset.done $0x0  }
.Ltmp1:
0x93: {  	s7 =	sadd.s32 $0x300, s6;
	[sflag:s23] =	ssyncadd.s32 $0xFFFFF000;
	(pc) =	sbr.rel @p0 .LBB2_4-.Ltmp1, $4  }
0x94: {  	[tilespmem:s30], [sflag:$0x1] =	stream.indirect.gather [spmem:s3], $0x20, s7, s24, $0xb8;
	[tilespmem:$0x18620] =	vst v63  }
0x95: {  	_ =	swait.ge [sflag:s23], $0x1000  }
0x96: {  	[sflag:s23] =	ssyncset.done $0x0  }
0x97: {  	s6 =	sadd.s32 $0x380, s6;
	[sflag:s23] =	ssyncadd.s32 $0xFFFFF000  }
0x98: {  	[tilespmem:s1], [sflag:$0x1] =	stream.indirect.gather [spmem:s3], $0x20, s6, s24, $0xb8;
	[tilespmem:$0x18620] =	vst v63  }
0x99: {  	_ =	swait.ge [sflag:s0], $0x1000  }
0x9a: {  	[sflag:s0] =	ssyncset.done $0x0  }
0x9b: {  	s7 =	simm.s32 $0x9E00;
	[sflag:s0] =	ssyncadd.s32 $0xFFFFF000  }
0x9c: {  	[spmem:s2] =	stream.indirect.scatter.add.f32 [tilespmem:s26], [sflag:$0x2], $0x20, s7, s24, $0xb8;
	[tilespmem:$0x18620] =	vst v63  }
0x9d: {  	_ =	swait.ge [sflag:s0], $0x1000  }
0x9e: {  	[sflag:s0] =	ssyncset.done $0x0  }
0x9f: {  	s31 =	simm.s32 $0x9E80;
	[sflag:s0] =	ssyncadd.s32 $0xFFFFF000  }
0xa0: {  	[spmem:s2] =	stream.indirect.scatter.add.f32 [tilespmem:s28], [sflag:$0x2], $0x20, s31, s24, $0xb8;
	[tilespmem:$0x18620] =	vst v63  }
0xa1: {  	_ =	swait.ge [sflag:s0], $0x1000  }
0xa2: {  	[sflag:s0] =	ssyncset.done $0x0  }
0xa3: {  	s7 =	simm.s32 $0x9F00;
	[sflag:s0] =	ssyncadd.s32 $0xFFFFF000  }
0xa4: {  	[spmem:s2] =	stream.indirect.scatter.add.f32 [tilespmem:s30], [sflag:$0x2], $0x20, s7, s24, $0xb8;
	[tilespmem:$0x18620] =	vst v63  }
0xa5: {  	_ =	swait.ge [sflag:s0], $0x1000  }
0xa6: {  	[sflag:s0] =	ssyncset.done $0x0  }
0xa7: {  	s31 =	simm.s32 $0x9F80;
	[sflag:s0] =	ssyncadd.s32 $0xFFFFF000  }
0xa8: {  	[spmem:s2] =	stream.indirect.scatter.add.f32 [tilespmem:s1], [sflag:$0x2], $0x20, s31, s24, $0xb8;
	[tilespmem:$0x18620] =	vst v63  }
0xa9: {  	_ =	swait.ge [sflag:s23], $0x1000  }
0xaa: {  	[sflag:s23] =	ssyncset.done $0x0  }
0xab: {  	[sflag:s23] =	ssyncadd.s32 $0xFFFFF000  }
0xac: {  	_ =	swait.ge [sflag:s23], $0x1000  }
0xad: {  	[sflag:s23] =	ssyncset.done $0x0  }
0xae: {  	[sflag:s23] =	ssyncadd.s32 $0xFFFFF000  }
0xaf: {  	_ =	swait.ge [sflag:s23], $0x1000  }
0xb0: {  	[sflag:s23] =	ssyncset.done $0x0  }
0xb1: {  	[sflag:s23] =	ssyncadd.s32 $0xFFFFF000  }
0xb2: {  	_ =	swait.ge [sflag:s23], $0x1000  }
0xb3: {  	s4 =	sadd.s32 $0x1, s4;
	[sflag:s23] =	ssyncset.done $0x0  }
0xb4: {  	p0 =	sne.s32 s4, s10;
	[sflag:s23] =	ssyncadd.s32 $0xFFFFF000  }
.Ltmp2:
0xb5: {  	[bflag:$0x0] =	sbarrier.arrive $0xFFFF;
	(pc) =	sbr.rel @p0 .LBB2_1-.Ltmp2, $4  }
0xb6: {  	[hbm:s9], [sflag:s29] =	dma.local [spmem:s25], $0xA00  }
0xb7: {  	_ =	swait.ge [sflag:s21], $0xA00  }
0xb8: {  	[sflag:s21] =	ssyncset.done $0x0  }
0xb9: {  	[sflag:s21] =	ssyncadd.s32 $0xFFFFF600  }
0xba: {  	_ =	sfence.sel $0x180000  }
0xbb: {  	[bflag:$0x0] =	sbarrier.arrive $0xFFFF  }
0xbc: {  	_ =	strace $0x9000004A  }
0xbd: {  	s0 =	stileid.u32;
	[bflag:$0x2] =	sbarrier.arrive $0xFFFF  }
0xbe: {  	p0 =	sne.s32 s0, $0x0;
	s0 =	rddreg [dreg:$0x3]  }
0xbf: {  	s0 =	sadd.s32 @!p0 $0x100000, s0  }
0xc0: {  	[sflag:s0] =	ssyncadd.tile.s32 @!p0 $0x1;
	_ =	shalt  }
.Lfunc_end2:
_tile_overlayer_lowered:
.L_overlay_start_2:
0xc1: {  	(tag) =	ssettag $0x2  }
0xc2: {  	s0 =	rddreg [dreg:$0x0];
	s2 =	stileid.u32  }
0xc3: {  	s1 =	rddreg [dreg:$0x1];
	p0 =	sne.s32 s2, $0x0  }
0xc4: {  	s3 =	rddreg [dreg:$0x2];
	[bflag:$0x3] =	sbarrier.arrive $0xFFFF;
	s2 =	simm.s32 @!p0 $0x1C03  }
0xc5: {  	[timem:s3], [sflag:s2] =	dma.local @!p0 [hbm:s0], s1  }
0xc6: {  	s0 =	simm.s32 @!p0 $0x3  }
0xc7: {  	_ =	swait.ge @!p0 [sflag:s0], s1  }
0xc8: {  	s1 =	ssub.s32 @!p0 $0x0, s1;
	[sflag:s0] =	ssyncset.done @!p0 $0x0  }
0xc9: {  	[sflag:s0] =	ssyncadd.s32 @!p0 s1  }
0xca: {  	[bflag:$0x3] =	sbarrier.arrive $0xFFFF  }
0xcb: {  	_ =	shalt  }

// kernel: kernel.14.cloned.1.call-start
scs
__scs_entry_jumppad:
0x0: {  	(pc) =	sbr.rel $0x88, $3  }
0x1: {  	(tag) =	ssettag $0x0;
	lr =	simm.s32 $0x1  }
0x2: {  	[smem:$0x3F98] =	sst lr;
	_ =	strace $0xD0000000  }
0x3: {  	_ = 	snop  }
0x4: {  	_ = 	snop  }
0x5: {  	_ = 	snop  }
0x6: {  	_ = 	snop  }
0x7: {  	_ = 	snop  }
__scs_overlays_trampoline_lowered:
0x8: {  	[smem:$0x3FA7] =	sst s0  }
0x9: {  	[smem:$0x3FA8] =	sst s1  }
0xa: {  	[smem:$0x3FA9] =	sst s2  }
0xb: {  	[smem:$0x3FAA] =	sst s3  }
0xc: {  	[smem:$0x3FAB] =	sst s4  }
0xd: {  	[smem:$0x3FAC] =	sst s5  }
0xe: {  	[smem:$0x3FAD] =	sst s6  }
0xf: {  	[smem:$0x3FAE] =	sst s7  }
0x10: {  	[smem:$0x3FAF] =	sst s8  }
0x11: {  	[smem:$0x3FB0] =	sst s9;
	s0 =	simm.s32 @!p0 $0x0  }
0x12: {  	s1 =	sld [smem:$0x3F96];
	s0 =	simm.s32 @p0 $0x1  }
0x13: {  	[smem:$0x3FB1] =	sst s0;
	s0 =	simm.s32 @!p1 $0x0  }
0x14: {  	s2 =	sld [smem:$0x3F95];
	s0 =	simm.s32 @p1 $0x1  }
0x15: {  	[smem:$0x3FB2] =	sst s0;
	s0 =	simm.s32 @!p2 $0x0  }
0x16: {  	s3 =	sld [smem:$0x3FDB];
	s0 =	simm.s32 @p2 $0x1  }
0x17: {  	s4 =	simm.s32 $0x1BF5;
	[smem:$0x3FB4] =	sst s0  }
0x18: {  	s0 =	sld [smem:$0x3F97];
	_ =	swait.ge [sflag:s4], $0x0  }
0x19: {  	s7 =	sld [smem:$0x3F98]  }
0x1a: {  	s8 =	sadd.s32 $0xFFFFE003, lr  }
0x1b: {  	s9 =	sadd.s32 $0xFFFFFEF7, lr;
	s5 =	simm.s32 $0xFFFFFFFF;
	p2 =	slt.u32 s8, $0xFFFFF086  }
0x1c: {  	p1 =	slt.u32 s9, $0xF7A;
	s5 =	simm.s32 @!p2 $0x0  }
0x1d: {  	s5 =	simm.s32 @p1 $0x1;
	p0 =	seq.s32 s7, s2  }
0x1e: {  	s7 =	smul.u32 @!p0 $0xF7A, s2;
	p2 =	seq.s32 @!p0 s5, $0x0  }
0x1f: {  	s9 =	smul.u32 $0xF7A, s1;
	s8 =	simm.s32 @!p0 $0x1BF5;
	p2 =	por !p2, p0  }
0x20: {  	[sflag:s8] =	ssyncset.s32 @!p0 $0xFFFFF086;
	s6 =	sadd.s32 @!p0 s3, s7;
	s7 =	simm.s32 @!p0 $0x108  }
0x21: {  	s3 =	sadd.s32 s3, s9;
	s6 =	sadd.s32 @!p0 $0x88, s6;
	s7 =	simm.s32 @p2 $0x1082  }
0x22: {  	[simem:s7], [sflag:s8] =	dma.local @!p0 [hbm:s6], $0xF7A  }
0x23: {  	s9 =	sor.u32 $0xD0000000, s2;
	s6 =	simm.s32 $0x108;
	_ =	swait.ge @!p0 [sflag:s8], $0x0  }
0x24: {  	s3 =	sadd.s32 $0x88, s3;
	s6 =	simm.s32 @!p1 $0x1082;
	[sflag:s4] =	ssyncset.s32 $0xFFFFF086  }
0x25: {  	[simem:s6], [sflag:s4] =	dma.local [hbm:s3], $0xF7A  }
0x26: {  	[smem:$0x3F98] =	sst s1;
	(tag) =	ssettag s2;
	_ =	strace s9  }
0x27: {  	s1 =	sld [smem:$0x3FA8]  }
0x28: {  	s2 =	sld [smem:$0x3FA9]  }
0x29: {  	s4 =	sld [smem:$0x3FAB]  }
0x2a: {  	p0 =	seq.s32 s5, $0x0;
	s5 =	sld [smem:$0x3FAC]  }
0x2b: {  	s6 =	sld [smem:$0x3FAD]  }
0x2c: {  	s7 =	sld [smem:$0x3FAE]  }
0x2d: {  	s3 =	simm.s32 $0x108;
	s8 =	sld [smem:$0x3FAF]  }
0x2e: {  	s3 =	simm.s32 @!p0 $0x1082;
	s9 =	sld [smem:$0x3FB0]  }
0x2f: {  	lr =	sadd.s32 s0, s3;
	s0 =	sld [smem:$0x3FA7]  }
0x30: {  	s3 =	sld [smem:$0x3FAA]  }
0x31: {  	[smem:$0x3FB3] =	sst s10  }
0x32: {  	s10 =	sld [smem:$0x3FB1];
	_ =	sdelay $0x3  }
0x33: {  	p0 =	seq.s32 s10, $0x1;
	s10 =	sld [smem:$0x3FB3];
	_ =	sdelay $0x3  }
0x34: {  	[smem:$0x3FB3] =	sst s10  }
0x35: {  	s10 =	sld [smem:$0x3FB2];
	_ =	sdelay $0x3  }
0x36: {  	p1 =	seq.s32 s10, $0x1;
	s10 =	sld [smem:$0x3FB3];
	_ =	sdelay $0x3  }
0x37: {  	[smem:$0x3FB3] =	sst s10  }
0x38: {  	s10 =	sld [smem:$0x3FB4]  }
0x39: {  	_ = 	snop;
	(pc) =	sbr.ind lr, $3  }
0x3a: {  	_ = 	snop  }
0x3b: {  	_ = 	snop  }
0x3c: {  	p2 =	seq.s32 s10, $0x1;
	s10 =	sld [smem:$0x3FB3]  }
0x3d: {  	_ =	shalt  }
0x3e: {  	_ =	shalt  }
0x3f: {  	_ =	shalt  }
0x40: {  	_ =	shalt  }
0x41: {  	_ =	shalt  }
0x42: {  	_ =	shalt  }
0x43: {  	_ =	shalt  }
0x44: {  	_ =	shalt  }
0x45: {  	_ =	shalt  }
0x46: {  	_ =	shalt  }
0x47: {  	_ =	shalt  }
0x48: {  	_ =	shalt  }
0x49: {  	_ =	shalt  }
0x4a: {  	_ =	shalt  }
0x4b: {  	_ =	shalt  }
0x4c: {  	_ =	shalt  }
0x4d: {  	_ =	shalt  }
0x4e: {  	_ =	shalt  }
0x4f: {  	_ =	shalt  }
0x50: {  	_ =	shalt  }
0x51: {  	_ =	shalt  }
0x52: {  	_ =	shalt  }
0x53: {  	_ =	shalt  }
0x54: {  	_ =	shalt  }
0x55: {  	_ =	shalt  }
0x56: {  	_ =	shalt  }
0x57: {  	_ =	shalt  }
0x58: {  	_ =	shalt  }
0x59: {  	_ =	shalt  }
0x5a: {  	_ =	shalt  }
0x5b: {  	_ =	shalt  }
0x5c: {  	_ =	shalt  }
0x5d: {  	_ =	shalt  }
0x5e: {  	_ =	shalt  }
0x5f: {  	_ =	shalt  }
0x60: {  	_ =	shalt  }
0x61: {  	_ =	shalt  }
0x62: {  	_ =	shalt  }
0x63: {  	_ =	shalt  }
0x64: {  	_ =	shalt  }
0x65: {  	_ =	shalt  }
0x66: {  	_ =	shalt  }
0x67: {  	_ =	shalt  }
0x68: {  	_ =	shalt  }
0x69: {  	_ =	shalt  }
0x6a: {  	_ =	shalt  }
0x6b: {  	_ =	shalt  }
0x6c: {  	_ =	shalt  }
0x6d: {  	_ =	shalt  }
0x6e: {  	_ =	shalt  }
0x6f: {  	_ =	shalt  }
0x70: {  	_ =	shalt  }
0x71: {  	_ =	shalt  }
0x72: {  	_ =	shalt  }
0x73: {  	_ =	shalt  }
0x74: {  	_ =	shalt  }
0x75: {  	_ =	shalt  }
0x76: {  	_ =	shalt  }
0x77: {  	_ =	shalt  }
0x78: {  	_ =	shalt  }
0x79: {  	_ =	shalt  }
0x7a: {  	_ =	shalt  }
0x7b: {  	_ =	shalt  }
0x7c: {  	_ =	shalt  }
0x7d: {  	_ =	shalt  }
0x7e: {  	_ =	shalt  }
0x7f: {  	_ =	shalt  }
0x80: {  	_ =	shalt  }
0x81: {  	_ =	shalt  }
0x82: {  	_ =	shalt  }
0x83: {  	_ =	shalt  }
0x84: {  	_ =	shalt  }
0x85: {  	_ =	shalt  }
0x86: {  	_ =	shalt  }
0x87: {  	_ =	shalt  }
.Lfunc_end0:
.L_simem_size_0:
called_computation.2_lowered:
.L_overlay_start_0:
0x88: {  	s2 =	sld [smem:$0x3FD9]  }
0x89: {  	s3 =	sld [smem:$0x3FFE];
	_ =	sdelay $0x1  }
0x8a: {  	s1 =	srdreg.scid  }
0x8b: {  	s0 =	sand.u32 $0x1, s1  }
0x8c: {  	s16 =	sshll.u32 s0, $0xA;
	s2 =	sadd.s32 s3, s2  }
0x8d: {  	s2 =	sadd.s32 s2, s16  }
0x8e: {  	[smem:$0x3FBF] =	sst s2  }
0x8f: {  	_ = 	snop  }
0x90: {  	(tm) =	ssettm $0x1  }
0x91: {  	s17 =	sld [smem:$0x3FFB];
	_ =	sdelay $0x3  }
0x92: {  	_ =	strace s17  }
0x93: {  	s2 =	sld [smem:$0x3FFC];
	_ =	sdelay $0x3  }
0x94: {  	_ =	strace s2  }
0x95: {  	s2 =	sld [smem:$0x3FFD];
	_ =	sdelay $0x3  }
0x96: {  	_ =	strace s2  }
0x97: {  	_ =	strace $0x8FFFFFFF  }
0x98: {  	s18 =	sld [smem:$0x3FDB];
	_ =	sdelay $0x1  }
0x99: {  	s19 =	simm.s32 $_scs_section_size  }
0x9a: {  	s4 =	simm.s32 $_size__tile_overlayer_lowered;
	s5 =	simm.s32 $_tile_overlayer_lowered  }
0x9b: {  	s22 =	simm.s32 $0x1BFF;
	s21 =	sshll.u32 s5, $0x1;
	s2 =	sadd.s32 s19, s18  }
0x9c: {  	s6 =	simm.s32 $0x0;
	s20 =	sshll.u32 s4, $0x1;
	s4 =	sadd.s32 s21, s2  }
0x9d: {  	[timem:s6], [sflag:s22] =	dma.local [hbm:s4], s20  }
0x9e: {  	_ =	swait.ge [sflag:s22], s20  }
0x9f: {  	s3 =	ssub.s32 $0x0, s20;
	[sflag:s22] =	ssyncset.done $0x0  }
0xa0: {  	[sflag:s22] =	ssyncadd.s32 s3;
	_ =	sdelay $0x1  }
0xa1: {  	s23 =	simm.s32 $0x1B8B  }
0xa2: {  	_ =	swait.ge [sflag:s23], $0x1  }
0xa3: {  	[sflag:s23] =	ssyncset.done $0x0  }
0xa4: {  	s25 =	simm.s32 $0x1B8E;
	s24 =	sld [smem:$0x3FFE];
	[sflag:s23] =	ssyncadd.s32 $0xFFFFFFFF  }
0xa5: {  	s26 =	simm.s32 $execute0_lowered;
	[smem:$0x3FD2] =	sst s25  }
0xa6: {  	s4 =	sshll.u32 s26, $0x1;
	_ =	strace $0x8000004C;
	[dreg:$0x1] =	wrdreg $0xFFFFFFFF  }
0xa7: {  	s28 =	simm.s32 $_size_execute0_lowered;
	s2 =	sadd.s32 s2, s4;
	[dreg:$0x0] =	wrdreg $0x0  }
0xa8: {  	s4 =	sshll.u32 s28, $0x1;
	[dreg:$0x2] =	wrdreg s2  }
0xa9: {  	[dreg:$0x3] =	wrdreg s4  }
0xaa: {  	[dreg:$0x4] =	wrdreg $0xC0  }
0xab: {  	_ =	task [dreg:s6], $0x5FFFF  }
0xac: {  	[dreg:$0x1] =	wrdreg $0xFFFFFFFF  }
0xad: {  	[dreg:$0x0] =	wrdreg $0x60  }
0xae: {  	[dreg:$0x2] =	wrdreg s24  }
0xaf: {  	[dreg:$0x3] =	wrdreg $0xEB100  }
0xb0: {  	[dreg:$0x4] =	wrdreg $0xC4000  }
0xb1: {  	[dreg:$0x5] =	wrdreg $0x9  }
0xb2: {  	_ =	task.clear_ibuf [dreg:s6], $0x6FFFF;
	_ =	strace $0x9000004C  }
0xb3: {  	s29 =	simm.s32 $0x9;
	_ =	strace $0x8000004E  }
0xb4: {  	_ =	swait.ge [sflag:s29], $0x1  }
0xb5: {  	[sflag:s29] =	ssyncadd.s32 $0xFFFFFFFF  }
0xb6: {  	_ =	strace $0x9000004E  }
0xb7: {  	_ =	sfence  }
0xb8: {  	s30 =	sld [smem:$0x0];
	_ =	sdelay $0x2  }
0xb9: {  	s31 =	sshll.u32 s1, $0xD;
	s1 =	sshrl.u32 s1, $0x2  }
0xba: {  	s3 =	sand.u32 $0x4000, s31;
	s1 =	sadd.s32 s1, s30  }
0xbb: {  	s0 =	sor.u32 s3, s0;
	s1 =	sshll.u32 s1, $0x11  }
0xbc: {  	s0 =	sor.u32 s1, s0  }
0xbd: {  	s0 =	sadd.s32 $0x8F2B, s0  }
0xbe: {  	[sflag:s0] =	ssyncadd.remote.s32 $0x1  }
0xbf: {  	_ =	sfence.sel $0xFFFF  }
0xc0: {  	[dreg:$0x0] =	wrdreg $0xFFFFFFFF;
	(pc) =	sbr.abs _section_cstart, $3  }
0xc1: {  	[dreg:$0x1] =	wrdreg $0xFFFFFFFF  }
0xc2: {  	_ =	task.clear_ibuf [dreg:s6], $0x2FFFF;
	_ =	strace $0x9FFFFFFF  }
0xc3: {  	(tm) =	ssettm $0x7FFFFFFF  }
tec
execute0_lowered:
.L_overlay_start_1:
0x0: {  	(tag) =	ssettag $0x1  }
0x1: {  	s0 =	rddreg [dreg:$0x0]  }
0x2: {  	s1 =	srdreg.scid;
	s11 =	stileid.u32  }
0x3: {  	s2 =	rddreg [dreg:$0x1];
	s6 =	smul.u32 $0x2710, s11  }
0x4: {  	s3 =	rddreg [dreg:$0x2];
	s4 =	simm.s32 $0x0;
	s10 =	smul.u32 $0x2800, s11  }
0x5: {  	s20 =	simm.s32 $0xC000;
	s21 =	simm.s32 $0x3;
	s8 =	smul.u32 $0xA00, s11  }
0x6: {  	s28 =	simm.s32 $0xA800;
	s1 =	sand.u32 $0x1, s1;
	s24 =	smul.u32 $0xA000, s11  }
0x7: {  	s30 =	simm.s32 $0xB000;
	[smem:$0x7FF] =	sst s4;
	s5 =	smul.u32 $0x27100, s1  }
0x8: {  	s7 =	smul.u32 $0x28000, s1;
	_ =	strace $0x8000004D;
	s1 =	ssub.s32 $0x2, s1  }
0x9: {  	s8 =	sadd.s32 s8, s0;
	s25 =	sshrl.u32 s1, $0x1;
	s31 =	sadd.s32 s10, s2  }
0xa: {  	s5 =	sadd.s32 s6, s5;
	s23 =	sadd.s32 s10, s7;
	s7 =	sshrl.u32 s24, $0x2  }
0xb: {  	s1 =	ssub.s32 s1, s25;
	s6 =	sadd.s32 s6, s3;
	s29 =	sadd.s32 $0x14000, s8  }
0xc: {  	s8 =	sadd.s32 $0x5000, s8;
	s24 =	simm.s32 $0x80;
	s25 =	sshrl.u32 s31, $0x3  }
0xd: {  	s5 =	sshrl.u32 s5, $0x3;
	[dreg:$0x5] =	wrdreg s29;
	s10 =	smax.u32 s1, $0x1  }
0xe: {  	s22 =	sshrl.u32 s6, $0x3;
	s1 =	simm.s32 $0xB800;
	s9 =	sadd.s32 s5, s0  }
0xf: {  	s5 =	sshrl.u32 s23, $0x3;
	s23 =	simm.s32 $0x2;
	s26 =	sadd.s32 $0x1E000, s9  }
0x10: {  	s0 =	sadd.s32 s5, s0;
	s5 =	sadd.s32 s7, s2;
	[dreg:$0x4] =	wrdreg s26  }
0x11: {  	s9 =	sadd.s32 $0x27E00, s0;
	s11 =	sadd.s32 $0x400, s5;
	s12 =	sadd.s32 $0x800, s5  }
0x12: {  	s13 =	sadd.s32 $0xC00, s5;
	s14 =	sadd.s32 $0x1000, s5;
	s15 =	sadd.s32 $0x1400, s5  }
0x13: {  	s16 =	sadd.s32 $0x1800, s5;
	s17 =	sadd.s32 $0x1C00, s5;
	s18 =	sadd.s32 $0x2000, s5  }
0x14: {  	v0 =	vimm.f32 $0.0e+00;
	s19 =	sadd.s32 $0x2400, s5;
	s26 =	simm.s32 $0xA000;
	s0 =	simm.s32 $0x1  }
.LBB2_1:
0x15: {  	s6 =	simm.s32 $0x40;
	s29 =	simm.s32 $0x0  }
.LBB2_2:
0x16: {  	p0 =	sne.s32 s6, $0xFC0;
	[tilespmem:s29+$0xC000] =	vst v0;
	s29 =	smov.u32 s6;
	s6 =	sadd.s32 $0x40, s6  }
.Ltmp0:
0x17: {  	(pc) =	sbr.rel @p0 .LBB2_2-.Ltmp0, $2  }
0x18: {  	_ =	sdelay $0x2  }
0x19: {  	s29 =	sshra.s32 s29, $0x2  }
0x1a: {  	[tilespmem:s29+$0xC000] =	vst v0  }
0x1b: {  	[spmem:s5] =	stream.linear.scatter [tilespmem:s20], [sflag:$0x3], $0x400, $0x38;
	[tilespmem:$0x11310] =	vst v63  }
0x1c: {  	_ =	swait.ge [sflag:s21], $0x400  }
0x1d: {  	[sflag:s21] =	ssyncset.done $0x0  }
0x1e: {  	[sflag:s21] =	ssyncadd.s32 $0xFFFFFC00  }
0x1f: {  	[spmem:s11] =	stream.linear.scatter [tilespmem:s20], [sflag:$0x3], $0x400, $0x38;
	[tilespmem:$0x11310] =	vst v63  }
0x20: {  	_ =	swait.ge [sflag:s21], $0x400  }
0x21: {  	[sflag:s21] =	ssyncset.done $0x0  }
0x22: {  	[sflag:s21] =	ssyncadd.s32 $0xFFFFFC00  }
0x23: {  	[spmem:s12] =	stream.linear.scatter [tilespmem:s20], [sflag:$0x3], $0x400, $0x38;
	[tilespmem:$0x11310] =	vst v63  }
0x24: {  	_ =	swait.ge [sflag:s21], $0x400  }
0x25: {  	[sflag:s21] =	ssyncset.done $0x0  }
0x26: {  	[sflag:s21] =	ssyncadd.s32 $0xFFFFFC00  }
0x27: {  	[spmem:s13] =	stream.linear.scatter [tilespmem:s20], [sflag:$0x3], $0x400, $0x38;
	[tilespmem:$0x11310] =	vst v63  }
0x28: {  	_ =	swait.ge [sflag:s21], $0x400  }
0x29: {  	[sflag:s21] =	ssyncset.done $0x0  }
0x2a: {  	[sflag:s21] =	ssyncadd.s32 $0xFFFFFC00  }
0x2b: {  	[spmem:s14] =	stream.linear.scatter [tilespmem:s20], [sflag:$0x3], $0x400, $0x38;
	[tilespmem:$0x11310] =	vst v63  }
0x2c: {  	_ =	swait.ge [sflag:s21], $0x400  }
0x2d: {  	[sflag:s21] =	ssyncset.done $0x0  }
0x2e: {  	[sflag:s21] =	ssyncadd.s32 $0xFFFFFC00  }
0x2f: {  	[spmem:s15] =	stream.linear.scatter [tilespmem:s20], [sflag:$0x3], $0x400, $0x38;
	[tilespmem:$0x11310] =	vst v63  }
0x30: {  	_ =	swait.ge [sflag:s21], $0x400  }
0x31: {  	[sflag:s21] =	ssyncset.done $0x0  }
0x32: {  	[sflag:s21] =	ssyncadd.s32 $0xFFFFFC00  }
0x33: {  	[spmem:s16] =	stream.linear.scatter [tilespmem:s20], [sflag:$0x3], $0x400, $0x38;
	[tilespmem:$0x11310] =	vst v63  }
0x34: {  	_ =	swait.ge [sflag:s21], $0x400  }
0x35: {  	[sflag:s21] =	ssyncset.done $0x0  }
0x36: {  	[sflag:s21] =	ssyncadd.s32 $0xFFFFFC00  }
0x37: {  	[spmem:s17] =	stream.linear.scatter [tilespmem:s20], [sflag:$0x3], $0x400, $0x38;
	[tilespmem:$0x11310] =	vst v63  }
0x38: {  	_ =	swait.ge [sflag:s21], $0x400  }
0x39: {  	[sflag:s21] =	ssyncset.done $0x0  }
0x3a: {  	[sflag:s21] =	ssyncadd.s32 $0xFFFFFC00  }
0x3b: {  	[spmem:s18] =	stream.linear.scatter [tilespmem:s20], [sflag:$0x3], $0x400, $0x38;
	[tilespmem:$0x11310] =	vst v63  }
0x3c: {  	_ =	swait.ge [sflag:s21], $0x400  }
0x3d: {  	[sflag:s21] =	ssyncset.done $0x0  }
0x3e: {  	[sflag:s21] =	ssyncadd.s32 $0xFFFFFC00  }
0x3f: {  	[spmem:s19] =	stream.linear.scatter [tilespmem:s20], [sflag:$0x3], $0x400, $0x38;
	[tilespmem:$0x11310] =	vst v63  }
0x40: {  	s6 =	stileid.u32;
	_ =	swait.ge [sflag:s21], $0x400  }
0x41: {  	s6 =	sshll.u32 s6, $0x6;
	[sflag:s21] =	ssyncset.done $0x0  }
0x42: {  	s29 =	sor.u32 $0x1C03, s6;
	s7 =	rddreg [dreg:$0x4];
	[sflag:s21] =	ssyncadd.s32 $0xFFFFFC00  }
0x43: {  	[spmem:s22], [sflag:s29] =	dma.local [hbm:s7], $0x4E2  }
0x44: {  	_ =	swait.ge [sflag:s21], $0x4E2  }
0x45: {  	[sflag:s21] =	ssyncset.done $0x0  }
0x46: {  	s6 =	simm.s32 $0x0;
	s7 =	rddreg [dreg:$0x5];
	[sflag:s21] =	ssyncadd.s32 $0xFFFFFB1E  }
0x47: {  	[tilespmem:s6], [sflag:$0x3] =	stream.linear.gather [hbm4b:s7+s6], $0x5000, $0x38;
	[tilespmem:$0x11310] =	vst v63  }
0x48: {  	_ =	swait.ge [sflag:s21], $0x5000  }
0x49: {  	[sflag:s21] =	ssyncset.done $0x0  }
0x4a: {  	s7 =	simm.s32 $0x5000;
	[sflag:s21] =	ssyncadd.s32 $0xFFFFB000  }
0x4b: {  	[tilespmem:s7], [sflag:$0x3] =	stream.linear.gather [hbm4b:s8+s6], $0x5000, $0x38;
	[tilespmem:$0x11310] =	vst v63  }
0x4c: {  	_ =	swait.ge [sflag:s21], $0x5000  }
0x4d: {  	[sflag:s21] =	ssyncset.done $0x0  }
0x4e: {  	[sflag:s21] =	ssyncadd.s32 $0xFFFFB000  }
0x4f: {  	[bflag:$0x0] =	sbarrier.arrive $0xFFFF  }
0x50: {  	[tilespmem:s26], [sflag:$0x1] =	stream.indirect.gather [spmem:s3], $0x10, s6, s24, $0xb8;
	[tilespmem:$0x11310] =	vst v63  }
0x51: {  	_ = 	snop  }
0x52: {  	[tilespmem:s28], [sflag:$0x1] =	stream.indirect.gather [spmem:s3], $0x10, s24, s24, $0xb8;
	[tilespmem:$0x11310] =	vst v63  }
0x53: {  	s7 =	simm.s32 $0x100  }
0x54: {  	[tilespmem:s30], [sflag:$0x1] =	stream.indirect.gather [spmem:s3], $0x10, s7, s24, $0xb8;
	[tilespmem:$0x11310] =	vst v63  }
0x55: {  	s7 =	simm.s32 $0x180  }
0x56: {  	[tilespmem:s1], [sflag:$0x1] =	stream.indirect.gather [spmem:s3], $0x10, s7, s24, $0xb8;
	[tilespmem:$0x11310] =	vst v63  }
0x57: {  	_ =	swait.ge [sflag:s0], $0x800  }
0x58: {  	[sflag:s0] =	ssyncset.done $0x0  }
0x59: {  	s7 =	simm.s32 $0x5000;
	[sflag:s0] =	ssyncadd.s32 $0xFFFFF800  }
0x5a: {  	[spmem:s2] =	stream.indirect.scatter.add.f32 [tilespmem:s26], [sflag:$0x2], $0x10, s7, s24, $0xb8;
	[tilespmem:$0x11310] =	vst v63  }
0x5b: {  	_ =	swait.ge [sflag:s0], $0x800  }
0x5c: {  	[sflag:s0] =	ssyncset.done $0x0  }
0x5d: {  	s7 =	simm.s32 $0x5080;
	[sflag:s0] =	ssyncadd.s32 $0xFFFFF800  }
0x5e: {  	[spmem:s2] =	stream.indirect.scatter.add.f32 [tilespmem:s28], [sflag:$0x2], $0x10, s7, s24, $0xb8;
	[tilespmem:$0x11310] =	vst v63  }
0x5f: {  	_ =	swait.ge [sflag:s0], $0x800  }
0x60: {  	[sflag:s0] =	ssyncset.done $0x0  }
0x61: {  	s7 =	simm.s32 $0x5100;
	[sflag:s0] =	ssyncadd.s32 $0xFFFFF800  }
0x62: {  	[spmem:s2] =	stream.indirect.scatter.add.f32 [tilespmem:s30], [sflag:$0x2], $0x10, s7, s24, $0xb8;
	[tilespmem:$0x11310] =	vst v63  }
0x63: {  	_ =	swait.ge [sflag:s0], $0x800  }
0x64: {  	[sflag:s0] =	ssyncset.done $0x0  }
0x65: {  	s7 =	simm.s32 $0x5180;
	[sflag:s0] =	ssyncadd.s32 $0xFFFFF800  }
0x66: {  	[spmem:s2] =	stream.indirect.scatter.add.f32 [tilespmem:s1], [sflag:$0x2], $0x10, s7, s24, $0xb8;
	[tilespmem:$0x11310] =	vst v63  }
0x67: {  	_ =	swait.ge [sflag:s23], $0x800  }
0x68: {  	[sflag:s23] =	ssyncset.done $0x0  }
0x69: {  	s7 =	simm.s32 $0x200;
	[sflag:s23] =	ssyncadd.s32 $0xFFFFF800  }
0x6a: {  	[tilespmem:s26], [sflag:$0x1] =	stream.indirect.gather [spmem:s3], $0x10, s7, s24, $0xb8;
	[tilespmem:$0x11310] =	vst v63  }
0x6b: {  	_ =	swait.ge [sflag:s23], $0x800  }
0x6c: {  	[sflag:s23] =	ssyncset.done $0x0  }
0x6d: {  	s7 =	simm.s32 $0x280;
	[sflag:s23] =	ssyncadd.s32 $0xFFFFF800  }
0x6e: {  	[tilespmem:s28], [sflag:$0x1] =	stream.indirect.gather [spmem:s3], $0x10, s7, s24, $0xb8;
	[tilespmem:$0x11310] =	vst v63  }
0x6f: {  	_ =	swait.ge [sflag:s23], $0x800  }
0x70: {  	[sflag:s23] =	ssyncset.done $0x0  }
0x71: {  	s7 =	simm.s32 $0x300;
	[sflag:s23] =	ssyncadd.s32 $0xFFFFF800  }
0x72: {  	[tilespmem:s30], [sflag:$0x1] =	stream.indirect.gather [spmem:s3], $0x10, s7, s24, $0xb8;
	[tilespmem:$0x11310] =	vst v63  }
0x73: {  	_ =	swait.ge [sflag:s23], $0x800  }
0x74: {  	[sflag:s23] =	ssyncset.done $0x0  }
0x75: {  	s31 =	simm.s32 $0x800;
	s6 =	simm.s32 $0x380;
	[sflag:s23] =	ssyncadd.s32 $0xFFFFF800  }
.LBB2_4:
0x76: {  	[tilespmem:s1], [sflag:$0x1] =	stream.indirect.gather [spmem:s3], $0x10, s6, s24, $0xb8;
	[tilespmem:$0x11310] =	vst v63  }
0x77: {  	s6 =	smov.u32 s31  }
0x78: {  	p0 =	sne.s32 s31, $0x13000;
	s31 =	sadd.s32 $0x800, s31;
	_ =	swait.ge [sflag:s0], $0x800  }
0x79: {  	s6 =	sshra.s32 s6, $0x2;
	[sflag:s0] =	ssyncset.done $0x0  }
0x7a: {  	s7 =	sadd.s32 $0x5000, s6;
	[sflag:s0] =	ssyncadd.s32 $0xFFFFF800  }
0x7b: {  	[spmem:s2] =	stream.indirect.scatter.add.f32 [tilespmem:s26], [sflag:$0x2], $0x10, s7, s24, $0xb8;
	[tilespmem:$0x11310] =	vst v63  }
0x7c: {  	_ =	swait.ge [sflag:s0], $0x800  }
0x7d: {  	[sflag:s0] =	ssyncset.done $0x0  }
0x7e: {  	s7 =	sadd.s32 $0x5080, s6;
	[sflag:s0] =	ssyncadd.s32 $0xFFFFF800  }
0x7f: {  	[spmem:s2] =	stream.indirect.scatter.add.f32 [tilespmem:s28], [sflag:$0x2], $0x10, s7, s24, $0xb8;
	[tilespmem:$0x11310] =	vst v63  }
0x80: {  	_ =	swait.ge [sflag:s0], $0x800  }
0x81: {  	[sflag:s0] =	ssyncset.done $0x0  }
0x82: {  	s7 =	sadd.s32 $0x5100, s6;
	[sflag:s0] =	ssyncadd.s32 $0xFFFFF800  }
0x83: {  	[spmem:s2] =	stream.indirect.scatter.add.f32 [tilespmem:s30], [sflag:$0x2], $0x10, s7, s24, $0xb8;
	[tilespmem:$0x11310] =	vst v63  }
0x84: {  	_ =	swait.ge [sflag:s0], $0x800  }
0x85: {  	[sflag:s0] =	ssyncset.done $0x0  }
0x86: {  	s7 =	sadd.s32 $0x5180, s6;
	[sflag:s0] =	ssyncadd.s32 $0xFFFFF800  }
0x87: {  	[spmem:s2] =	stream.indirect.scatter.add.f32 [tilespmem:s1], [sflag:$0x2], $0x10, s7, s24, $0xb8;
	[tilespmem:$0x11310] =	vst v63  }
0x88: {  	_ =	swait.ge [sflag:s23], $0x800  }
0x89: {  	[sflag:s23] =	ssyncset.done $0x0  }
0x8a: {  	s7 =	sadd.s32 $0x200, s6;
	[sflag:s23] =	ssyncadd.s32 $0xFFFFF800  }
0x8b: {  	[tilespmem:s26], [sflag:$0x1] =	stream.indirect.gather [spmem:s3], $0x10, s7, s24, $0xb8;
	[tilespmem:$0x11310] =	vst v63  }
0x8c: {  	_ =	swait.ge [sflag:s23], $0x800  }
0x8d: {  	[sflag:s23] =	ssyncset.done $0x0  }
0x8e: {  	s7 =	sadd.s32 $0x280, s6;
	[sflag:s23] =	ssyncadd.s32 $0xFFFFF800  }
0x8f: {  	[tilespmem:s28], [sflag:$0x1] =	stream.indirect.gather [spmem:s3], $0x10, s7, s24, $0xb8;
	[tilespmem:$0x11310] =	vst v63  }
0x90: {  	_ =	swait.ge [sflag:s23], $0x800  }
0x91: {  	[sflag:s23] =	ssyncset.done $0x0  }
.Ltmp1:
0x92: {  	s7 =	sadd.s32 $0x300, s6;
	[sflag:s23] =	ssyncadd.s32 $0xFFFFF800;
	(pc) =	sbr.rel @p0 .LBB2_4-.Ltmp1, $4  }
0x93: {  	[tilespmem:s30], [sflag:$0x1] =	stream.indirect.gather [spmem:s3], $0x10, s7, s24, $0xb8;
	[tilespmem:$0x11310] =	vst v63  }
0x94: {  	_ =	swait.ge [sflag:s23], $0x800  }
0x95: {  	[sflag:s23] =	ssyncset.done $0x0  }
0x96: {  	s6 =	sadd.s32 $0x380, s6;
	[sflag:s23] =	ssyncadd.s32 $0xFFFFF800  }
0x97: {  	[tilespmem:s1], [sflag:$0x1] =	stream.indirect.gather [spmem:s3], $0x10, s6, s24, $0xb8;
	[tilespmem:$0x11310] =	vst v63  }
0x98: {  	_ =	swait.ge [sflag:s0], $0x800  }
0x99: {  	[sflag:s0] =	ssyncset.done $0x0  }
0x9a: {  	s7 =	simm.s32 $0x9E00;
	[sflag:s0] =	ssyncadd.s32 $0xFFFFF800  }
0x9b: {  	[spmem:s2] =	stream.indirect.scatter.add.f32 [tilespmem:s26], [sflag:$0x2], $0x10, s7, s24, $0xb8;
	[tilespmem:$0x11310] =	vst v63  }
0x9c: {  	_ =	swait.ge [sflag:s0], $0x800  }
0x9d: {  	[sflag:s0] =	ssyncset.done $0x0  }
0x9e: {  	s31 =	simm.s32 $0x9E80;
	[sflag:s0] =	ssyncadd.s32 $0xFFFFF800  }
0x9f: {  	[spmem:s2] =	stream.indirect.scatter.add.f32 [tilespmem:s28], [sflag:$0x2], $0x10, s31, s24, $0xb8;
	[tilespmem:$0x11310] =	vst v63  }
0xa0: {  	_ =	swait.ge [sflag:s0], $0x800  }
0xa1: {  	[sflag:s0] =	ssyncset.done $0x0  }
0xa2: {  	s7 =	simm.s32 $0x9F00;
	[sflag:s0] =	ssyncadd.s32 $0xFFFFF800  }
0xa3: {  	[spmem:s2] =	stream.indirect.scatter.add.f32 [tilespmem:s30], [sflag:$0x2], $0x10, s7, s24, $0xb8;
	[tilespmem:$0x11310] =	vst v63  }
0xa4: {  	_ =	swait.ge [sflag:s0], $0x800  }
0xa5: {  	[sflag:s0] =	ssyncset.done $0x0  }
0xa6: {  	s31 =	simm.s32 $0x9F80;
	[sflag:s0] =	ssyncadd.s32 $0xFFFFF800  }
0xa7: {  	[spmem:s2] =	stream.indirect.scatter.add.f32 [tilespmem:s1], [sflag:$0x2], $0x10, s31, s24, $0xb8;
	[tilespmem:$0x11310] =	vst v63  }
0xa8: {  	_ =	swait.ge [sflag:s23], $0x800  }
0xa9: {  	[sflag:s23] =	ssyncset.done $0x0  }
0xaa: {  	[sflag:s23] =	ssyncadd.s32 $0xFFFFF800  }
0xab: {  	_ =	swait.ge [sflag:s23], $0x800  }
0xac: {  	[sflag:s23] =	ssyncset.done $0x0  }
0xad: {  	[sflag:s23] =	ssyncadd.s32 $0xFFFFF800  }
0xae: {  	_ =	swait.ge [sflag:s23], $0x800  }
0xaf: {  	[sflag:s23] =	ssyncset.done $0x0  }
0xb0: {  	[sflag:s23] =	ssyncadd.s32 $0xFFFFF800  }
0xb1: {  	_ =	swait.ge [sflag:s23], $0x800  }
0xb2: {  	s4 =	sadd.s32 $0x1, s4;
	[sflag:s23] =	ssyncset.done $0x0  }
0xb3: {  	p0 =	sne.s32 s4, s10;
	[sflag:s23] =	ssyncadd.s32 $0xFFFFF800  }
.Ltmp2:
0xb4: {  	[bflag:$0x0] =	sbarrier.arrive $0xFFFF;
	(pc) =	sbr.rel @p0 .LBB2_1-.Ltmp2, $4  }
0xb5: {  	[hbm:s9], [sflag:s29] =	dma.local [spmem:s25], $0x500  }
0xb6: {  	_ =	swait.ge [sflag:s21], $0x500  }
0xb7: {  	[sflag:s21] =	ssyncset.done $0x0  }
0xb8: {  	[sflag:s21] =	ssyncadd.s32 $0xFFFFFB00  }
0xb9: {  	_ =	sfence.sel $0x180000  }
0xba: {  	[bflag:$0x0] =	sbarrier.arrive $0xFFFF  }
0xbb: {  	_ =	strace $0x9000004D  }
0xbc: {  	s0 =	stileid.u32;
	[bflag:$0x2] =	sbarrier.arrive $0xFFFF  }
0xbd: {  	p0 =	sne.s32 s0, $0x0;
	s0 =	rddreg [dreg:$0x3]  }
0xbe: {  	s0 =	sadd.s32 @!p0 $0x100000, s0  }
0xbf: {  	[sflag:s0] =	ssyncadd.tile.s32 @!p0 $0x1;
	_ =	shalt  }
.Lfunc_end2:
_tile_overlayer_lowered:
.L_overlay_start_2:
0xc0: {  	(tag) =	ssettag $0x2  }
0xc1: {  	s0 =	rddreg [dreg:$0x0];
	s2 =	stileid.u32  }
0xc2: {  	s1 =	rddreg [dreg:$0x1];
	p0 =	sne.s32 s2, $0x0  }
0xc3: {  	s3 =	rddreg [dreg:$0x2];
	[bflag:$0x3] =	sbarrier.arrive $0xFFFF;
	s2 =	simm.s32 @!p0 $0x1C03  }
0xc4: {  	[timem:s3], [sflag:s2] =	dma.local @!p0 [hbm:s0], s1  }
0xc5: {  	s0 =	simm.s32 @!p0 $0x3  }
0xc6: {  	_ =	swait.ge @!p0 [sflag:s0], s1  }
0xc7: {  	s1 =	ssub.s32 @!p0 $0x0, s1;
	[sflag:s0] =	ssyncset.done @!p0 $0x0  }
0xc8: {  	[sflag:s0] =	ssyncadd.s32 @!p0 s1  }
0xc9: {  	[bflag:$0x3] =	sbarrier.arrive $0xFFFF  }
0xca: {  	_ =	shalt  }

// kernel: kernel.8.cloned.1.call-start
scs
__scs_entry_jumppad:
0x0: {  	(pc) =	sbr.rel $0x88, $3  }
0x1: {  	(tag) =	ssettag $0x0;
	lr =	simm.s32 $0x1  }
0x2: {  	[smem:$0x3F98] =	sst lr;
	_ =	strace $0xD0000000  }
0x3: {  	_ = 	snop  }
0x4: {  	_ = 	snop  }
0x5: {  	_ = 	snop  }
0x6: {  	_ = 	snop  }
0x7: {  	_ = 	snop  }
__scs_overlays_trampoline_lowered:
0x8: {  	[smem:$0x3FA7] =	sst s0  }
0x9: {  	[smem:$0x3FA8] =	sst s1  }
0xa: {  	[smem:$0x3FA9] =	sst s2  }
0xb: {  	[smem:$0x3FAA] =	sst s3  }
0xc: {  	[smem:$0x3FAB] =	sst s4  }
0xd: {  	[smem:$0x3FAC] =	sst s5  }
0xe: {  	[smem:$0x3FAD] =	sst s6  }
0xf: {  	[smem:$0x3FAE] =	sst s7  }
0x10: {  	[smem:$0x3FAF] =	sst s8  }
0x11: {  	[smem:$0x3FB0] =	sst s9;
	s0 =	simm.s32 @!p0 $0x0  }
0x12: {  	s1 =	sld [smem:$0x3F96];
	s0 =	simm.s32 @p0 $0x1  }
0x13: {  	[smem:$0x3FB1] =	sst s0;
	s0 =	simm.s32 @!p1 $0x0  }
0x14: {  	s2 =	sld [smem:$0x3F95];
	s0 =	simm.s32 @p1 $0x1  }
0x15: {  	[smem:$0x3FB2] =	sst s0;
	s0 =	simm.s32 @!p2 $0x0  }
0x16: {  	s3 =	sld [smem:$0x3FDB];
	s0 =	simm.s32 @p2 $0x1  }
0x17: {  	s4 =	simm.s32 $0x1BF5;
	[smem:$0x3FB4] =	sst s0  }
0x18: {  	s0 =	sld [smem:$0x3F97];
	_ =	swait.ge [sflag:s4], $0x0  }
0x19: {  	s7 =	sld [smem:$0x3F98]  }
0x1a: {  	s8 =	sadd.s32 $0xFFFFE003, lr  }
0x1b: {  	s9 =	sadd.s32 $0xFFFFFEF7, lr;
	s5 =	simm.s32 $0xFFFFFFFF;
	p2 =	slt.u32 s8, $0xFFFFF086  }
0x1c: {  	p1 =	slt.u32 s9, $0xF7A;
	s5 =	simm.s32 @!p2 $0x0  }
0x1d: {  	s5 =	simm.s32 @p1 $0x1;
	p0 =	seq.s32 s7, s2  }
0x1e: {  	s7 =	smul.u32 @!p0 $0xF7A, s2;
	p2 =	seq.s32 @!p0 s5, $0x0  }
0x1f: {  	s9 =	smul.u32 $0xF7A, s1;
	s8 =	simm.s32 @!p0 $0x1BF5;
	p2 =	por !p2, p0  }
0x20: {  	[sflag:s8] =	ssyncset.s32 @!p0 $0xFFFFF086;
	s6 =	sadd.s32 @!p0 s3, s7;
	s7 =	simm.s32 @!p0 $0x108  }
0x21: {  	s3 =	sadd.s32 s3, s9;
	s6 =	sadd.s32 @!p0 $0x88, s6;
	s7 =	simm.s32 @p2 $0x1082  }
0x22: {  	[simem:s7], [sflag:s8] =	dma.local @!p0 [hbm:s6], $0xF7A  }
0x23: {  	s9 =	sor.u32 $0xD0000000, s2;
	s6 =	simm.s32 $0x108;
	_ =	swait.ge @!p0 [sflag:s8], $0x0  }
0x24: {  	s3 =	sadd.s32 $0x88, s3;
	s6 =	simm.s32 @!p1 $0x1082;
	[sflag:s4] =	ssyncset.s32 $0xFFFFF086  }
0x25: {  	[simem:s6], [sflag:s4] =	dma.local [hbm:s3], $0xF7A  }
0x26: {  	[smem:$0x3F98] =	sst s1;
	(tag) =	ssettag s2;
	_ =	strace s9  }
0x27: {  	s1 =	sld [smem:$0x3FA8]  }
0x28: {  	s2 =	sld [smem:$0x3FA9]  }
0x29: {  	s4 =	sld [smem:$0x3FAB]  }
0x2a: {  	p0 =	seq.s32 s5, $0x0;
	s5 =	sld [smem:$0x3FAC]  }
0x2b: {  	s6 =	sld [smem:$0x3FAD]  }
0x2c: {  	s7 =	sld [smem:$0x3FAE]  }
0x2d: {  	s3 =	simm.s32 $0x108;
	s8 =	sld [smem:$0x3FAF]  }
0x2e: {  	s3 =	simm.s32 @!p0 $0x1082;
	s9 =	sld [smem:$0x3FB0]  }
0x2f: {  	lr =	sadd.s32 s0, s3;
	s0 =	sld [smem:$0x3FA7]  }
0x30: {  	s3 =	sld [smem:$0x3FAA]  }
0x31: {  	[smem:$0x3FB3] =	sst s10  }
0x32: {  	s10 =	sld [smem:$0x3FB1];
	_ =	sdelay $0x3  }
0x33: {  	p0 =	seq.s32 s10, $0x1;
	s10 =	sld [smem:$0x3FB3];
	_ =	sdelay $0x3  }
0x34: {  	[smem:$0x3FB3] =	sst s10  }
0x35: {  	s10 =	sld [smem:$0x3FB2];
	_ =	sdelay $0x3  }
0x36: {  	p1 =	seq.s32 s10, $0x1;
	s10 =	sld [smem:$0x3FB3];
	_ =	sdelay $0x3  }
0x37: {  	[smem:$0x3FB3] =	sst s10  }
0x38: {  	s10 =	sld [smem:$0x3FB4]  }
0x39: {  	_ = 	snop;
	(pc) =	sbr.ind lr, $3  }
0x3a: {  	_ = 	snop  }
0x3b: {  	_ = 	snop  }
0x3c: {  	p2 =	seq.s32 s10, $0x1;
	s10 =	sld [smem:$0x3FB3]  }
0x3d: {  	_ =	shalt  }
0x3e: {  	_ =	shalt  }
0x3f: {  	_ =	shalt  }
0x40: {  	_ =	shalt  }
0x41: {  	_ =	shalt  }
0x42: {  	_ =	shalt  }
0x43: {  	_ =	shalt  }
0x44: {  	_ =	shalt  }
0x45: {  	_ =	shalt  }
0x46: {  	_ =	shalt  }
0x47: {  	_ =	shalt  }
0x48: {  	_ =	shalt  }
0x49: {  	_ =	shalt  }
0x4a: {  	_ =	shalt  }
0x4b: {  	_ =	shalt  }
0x4c: {  	_ =	shalt  }
0x4d: {  	_ =	shalt  }
0x4e: {  	_ =	shalt  }
0x4f: {  	_ =	shalt  }
0x50: {  	_ =	shalt  }
0x51: {  	_ =	shalt  }
0x52: {  	_ =	shalt  }
0x53: {  	_ =	shalt  }
0x54: {  	_ =	shalt  }
0x55: {  	_ =	shalt  }
0x56: {  	_ =	shalt  }
0x57: {  	_ =	shalt  }
0x58: {  	_ =	shalt  }
0x59: {  	_ =	shalt  }
0x5a: {  	_ =	shalt  }
0x5b: {  	_ =	shalt  }
0x5c: {  	_ =	shalt  }
0x5d: {  	_ =	shalt  }
0x5e: {  	_ =	shalt  }
0x5f: {  	_ =	shalt  }
0x60: {  	_ =	shalt  }
0x61: {  	_ =	shalt  }
0x62: {  	_ =	shalt  }
0x63: {  	_ =	shalt  }
0x64: {  	_ =	shalt  }
0x65: {  	_ =	shalt  }
0x66: {  	_ =	shalt  }
0x67: {  	_ =	shalt  }
0x68: {  	_ =	shalt  }
0x69: {  	_ =	shalt  }
0x6a: {  	_ =	shalt  }
0x6b: {  	_ =	shalt  }
0x6c: {  	_ =	shalt  }
0x6d: {  	_ =	shalt  }
0x6e: {  	_ =	shalt  }
0x6f: {  	_ =	shalt  }
0x70: {  	_ =	shalt  }
0x71: {  	_ =	shalt  }
0x72: {  	_ =	shalt  }
0x73: {  	_ =	shalt  }
0x74: {  	_ =	shalt  }
0x75: {  	_ =	shalt  }
0x76: {  	_ =	shalt  }
0x77: {  	_ =	shalt  }
0x78: {  	_ =	shalt  }
0x79: {  	_ =	shalt  }
0x7a: {  	_ =	shalt  }
0x7b: {  	_ =	shalt  }
0x7c: {  	_ =	shalt  }
0x7d: {  	_ =	shalt  }
0x7e: {  	_ =	shalt  }
0x7f: {  	_ =	shalt  }
0x80: {  	_ =	shalt  }
0x81: {  	_ =	shalt  }
0x82: {  	_ =	shalt  }
0x83: {  	_ =	shalt  }
0x84: {  	_ =	shalt  }
0x85: {  	_ =	shalt  }
0x86: {  	_ =	shalt  }
0x87: {  	_ =	shalt  }
.Lfunc_end0:
.L_simem_size_0:
called_computation_lowered:
.L_overlay_start_0:
0x88: {  	s2 =	sld [smem:$0x3FD9]  }
0x89: {  	s3 =	sld [smem:$0x3FFE];
	_ =	sdelay $0x1  }
0x8a: {  	s1 =	srdreg.scid  }
0x8b: {  	s0 =	sand.u32 $0x1, s1  }
0x8c: {  	s17 =	sshll.u32 s0, $0xA;
	s2 =	sadd.s32 s3, s2  }
0x8d: {  	s2 =	sadd.s32 s2, s17  }
0x8e: {  	[smem:$0x3FBF] =	sst s2  }
0x8f: {  	_ = 	snop  }
0x90: {  	s2 =	sld [smem:$0x3FD0];
	(tm) =	ssettm $0x1  }
0x91: {  	s18 =	sld [smem:$0x3FFB];
	_ =	sdelay $0x3  }
0x92: {  	_ =	strace s18  }
0x93: {  	s3 =	sld [smem:$0x3FFC];
	_ =	sdelay $0x3  }
0x94: {  	_ =	strace s3  }
0x95: {  	s3 =	sld [smem:$0x3FFD];
	_ =	sdelay $0x3  }
0x96: {  	_ =	strace s3  }
0x97: {  	_ =	strace $0x8FFFFFFF  }
0x98: {  	s19 =	sld [smem:$0x3FDB];
	_ =	sdelay $0x1  }
0x99: {  	s4 =	simm.s32 $_scs_section_size  }
0x9a: {  	s5 =	simm.s32 $_size__tile_overlayer_lowered;
	s6 =	simm.s32 $_tile_overlayer_lowered  }
0x9b: {  	s22 =	simm.s32 $0x1BFF;
	s21 =	sshll.u32 s6, $0x1;
	s3 =	sadd.s32 s4, s19  }
0x9c: {  	s7 =	simm.s32 $0x0;
	s20 =	sshll.u32 s5, $0x1;
	s5 =	sadd.s32 s21, s3  }
0x9d: {  	[timem:s7], [sflag:s22] =	dma.local [hbm:s5], s20  }
0x9e: {  	_ =	swait.ge [sflag:s22], s20  }
0x9f: {  	s4 =	ssub.s32 $0x0, s20;
	[sflag:s22] =	ssyncset.done $0x0  }
0xa0: {  	[sflag:s22] =	ssyncadd.s32 s4;
	_ =	sdelay $0x1  }
0xa1: {  	s23 =	simm.s32 $0x1B8B  }
0xa2: {  	_ =	swait.ge [sflag:s23], $0x1  }
0xa3: {  	[sflag:s23] =	ssyncset.done $0x0  }
0xa4: {  	s25 =	simm.s32 $0x1B8E;
	s24 =	sld [smem:$0x3FFE];
	[sflag:s23] =	ssyncadd.s32 $0xFFFFFFFF  }
0xa5: {  	s26 =	simm.s32 $execute0_lowered;
	[smem:$0x3FD2] =	sst s25  }
0xa6: {  	s5 =	sshll.u32 s26, $0x1;
	_ =	strace $0x80000046;
	[dreg:$0x1] =	wrdreg $0xFFFFFFFF  }
0xa7: {  	s28 =	simm.s32 $_size_execute0_lowered;
	s3 =	sadd.s32 s3, s5;
	[dreg:$0x0] =	wrdreg $0x0  }
0xa8: {  	s5 =	sshll.u32 s28, $0x1;
	[dreg:$0x2] =	wrdreg s3  }
0xa9: {  	[dreg:$0x3] =	wrdreg s5  }
0xaa: {  	[dreg:$0x4] =	wrdreg $0xC0  }
0xab: {  	_ =	task [dreg:s7], $0x5FFFF  }
0xac: {  	[dreg:$0x1] =	wrdreg $0xFFFFFFFF  }
0xad: {  	[dreg:$0x0] =	wrdreg $0x60  }
0xae: {  	[dreg:$0x2] =	wrdreg s24  }
0xaf: {  	[dreg:$0x3] =	wrdreg s2  }
0xb0: {  	[dreg:$0x4] =	wrdreg $0x2C000  }
0xb1: {  	[dreg:$0x5] =	wrdreg $0x9  }
0xb2: {  	_ =	task.clear_ibuf [dreg:s7], $0x6FFFF;
	_ =	strace $0x90000046  }
0xb3: {  	s29 =	simm.s32 $0x9;
	_ =	strace $0x80000048  }
0xb4: {  	_ =	swait.ge [sflag:s29], $0x1  }
0xb5: {  	[sflag:s29] =	ssyncadd.s32 $0xFFFFFFFF  }
0xb6: {  	_ =	strace $0x90000048  }
0xb7: {  	_ =	sfence  }
0xb8: {  	s30 =	sld [smem:$0x0];
	_ =	sdelay $0x2  }
0xb9: {  	s31 =	sshll.u32 s1, $0xD;
	s1 =	sshrl.u32 s1, $0x2  }
0xba: {  	s3 =	sand.u32 $0x4000, s31;
	s1 =	sadd.s32 s1, s30  }
0xbb: {  	s0 =	sor.u32 s3, s0;
	s1 =	sshll.u32 s1, $0x11  }
0xbc: {  	s0 =	sor.u32 s1, s0  }
0xbd: {  	s0 =	sadd.s32 $0x8F2B, s0  }
0xbe: {  	[sflag:s0] =	ssyncadd.remote.s32 $0x1  }
0xbf: {  	_ =	sfence.sel $0xFFFF  }
0xc0: {  	[dreg:$0x0] =	wrdreg $0xFFFFFFFF;
	(pc) =	sbr.abs _section_cstart, $3  }
0xc1: {  	[dreg:$0x1] =	wrdreg $0xFFFFFFFF  }
0xc2: {  	_ =	task.clear_ibuf [dreg:s7], $0x2FFFF;
	_ =	strace $0x9FFFFFFF  }
0xc3: {  	(tm) =	ssettm $0x7FFFFFFF  }
tec
execute0_lowered:
.L_overlay_start_1:
0x0: {  	(tag) =	ssettag $0x1  }
0x1: {  	s6 =	rddreg [dreg:$0x0]  }
0x2: {  	s0 =	srdreg.scid;
	s2 =	rddreg [dreg:$0x1]  }
0x3: {  	s3 =	rddreg [dreg:$0x2];
	s4 =	simm.s32 $0x0;
	s13 =	simm.s32 $0x80  }
0x4: {  	s14 =	simm.s32 $0x0;
	s5 =	sand.u32 $0x1, s0;
	s0 =	stileid.u32  }
0x5: {  	[smem:$0x7FF] =	sst s4;
	s1 =	sshll.u32 s5, $0x4;
	s8 =	smul.u32 $0x1400, s0  }
0x6: {  	s9 =	smul.u32 $0x14000, s5;
	s5 =	ssub.s32 $0x2, s5;
	s1 =	sor.u32 s0, s1  }
0x7: {  	s31 =	sshll.u32 s0, $0x6;
	s11 =	sshrl.u32 s5, $0x1;
	s7 =	smul.u32 $0x500, s1  }
0x8: {  	s1 =	rddreg [dreg:$0x3];
	_ =	strace $0x80000047;
	s9 =	sadd.s32 s8, s9  }
0x9: {  	s10 =	sshrl.u32 s8, $0x3;
	s11 =	ssub.s32 s5, s11;
	s12 =	sadd.s32 s8, s3  }
0xa: {  	s9 =	sshrl.u32 s9, $0x3;
	s10 =	sadd.s32 s10, s6;
	s7 =	sadd.s32 s7, s6  }
0xb: {  	s9 =	sadd.s32 s9, s6;
	s5 =	sadd.s32 $0x2800, s10;
	s6 =	sor.u32 $0x1C01, s31  }
0xc: {  	s10 =	sshrl.u32 s12, $0x3;
	s12 =	simm.s32 $0x2800;
	s7 =	sadd.s32 $0x5000, s7  }
0xd: {  	s8 =	sadd.s32 $0xF000, s9;
	s9 =	smax.u32 s11, $0x1;
	s11 =	simm.s32 $0x1  }
.LBB2_1:
0xe: {  	[spmem:s10], [sflag:s6] =	dma.local [hbm:s5], $0x280  }
0xf: {  	_ =	swait.ge [sflag:s11], $0x280  }
0x10: {  	[sflag:s11] =	ssyncset.done $0x0  }
0x11: {  	[sflag:s11] =	ssyncadd.s32 $0xFFFFFD80  }
0x12: {  	[tilespmem:s12], [sflag:$0x1] =	stream.linear.gather [hbm4b:s2+s4], $0x400, $0x38;
	[tilespmem:$0x2E80] =	vst v63  }
0x13: {  	_ =	swait.ge [sflag:s11], $0x400  }
0x14: {  	[sflag:s11] =	ssyncset.done $0x0  }
0x15: {  	[sflag:s11] =	ssyncadd.s32 $0xFFFFFC00  }
0x16: {  	[tilespmem:s4], [sflag:$0x1] =	stream.linear.gather [hbm4b:s7+s4], $0x2800, $0x38;
	[tilespmem:$0x2E80] =	vst v63  }
0x17: {  	_ =	swait.ge [sflag:s11], $0x2800  }
0x18: {  	[sflag:s11] =	ssyncset.done $0x0  }
0x19: {  	[sflag:s11] =	ssyncadd.s32 $0xFFFFD800  }
0x1a: {  	s15 =	simm.s32 $0x0;
	[bflag:$0x0] =	sbarrier.arrive $0xFFFF  }
0x1b: {  	[spmem:s3] =	stream.indirect.scatter.add.f32 [tilespmem:s12], [sflag:$0x1], $0x1, s15, s13, $0xb8;
	[tilespmem:$0x2E80] =	vst v63  }
0x1c: {  	_ =	swait.ge [sflag:s11], $0x80  }
0x1d: {  	s15 =	simm.s32 $0x200;
	[sflag:s11] =	ssyncset.done $0x0  }
.LBB2_2:
0x1e: {  	s16 =	sshra.s32 s15, $0x2;
	[sflag:s11] =	ssyncadd.s32 $0xFFFFFF80;
	p0 =	sne.s32 s15, $0x9E00  }
0x1f: {  	[spmem:s3] =	stream.indirect.scatter.add.f32 [tilespmem:s12], [sflag:$0x1], $0x1, s16, s13, $0xb8;
	[tilespmem:$0x2E80] =	vst v63  }
.Ltmp0:
0x20: {  	_ = 	snop;
	(pc) =	sbr.rel @p0 .LBB2_2-.Ltmp0, $4  }
0x21: {  	_ = 	snop  }
0x22: {  	s15 =	sadd.s32 $0x200, s15  }
0x23: {  	_ =	swait.ge [sflag:s11], $0x80  }
0x24: {  	[sflag:s11] =	ssyncset.done $0x0  }
0x25: {  	s14 =	sadd.s32 $0x1, s14  }
0x26: {  	[sflag:s11] =	ssyncadd.s32 $0xFFFFFF80;
	p0 =	sne.s32 s14, s9  }
.Ltmp1:
0x27: {  	[bflag:$0x0] =	sbarrier.arrive $0xFFFF;
	(pc) =	sbr.rel @p0 .LBB2_1-.Ltmp1, $4  }
0x28: {  	[hbm:s8], [sflag:s6] =	dma.local [spmem:s10], $0x280  }
0x29: {  	_ =	swait.ge [sflag:s11], $0x280  }
0x2a: {  	[sflag:s11] =	ssyncset.done $0x0  }
0x2b: {  	[sflag:s11] =	ssyncadd.s32 $0xFFFFFD80  }
0x2c: {  	_ =	sfence.sel $0x180000  }
0x2d: {  	[bflag:$0x0] =	sbarrier.arrive $0xFFFF  }
0x2e: {  	p0 =	sne.s32 s0, $0x0;
	_ =	strace $0x90000047  }
0x2f: {  	s0 =	sadd.s32 @!p0 $0x100000, s1;
	[bflag:$0x2] =	sbarrier.arrive $0xFFFF  }
0x30: {  	[sflag:s0] =	ssyncadd.tile.s32 @!p0 $0x1;
	_ =	shalt  }
.Lfunc_end2:
_tile_overlayer_lowered:
.L_overlay_start_2:
0x31: {  	(tag) =	ssettag $0x2  }
0x32: {  	s0 =	rddreg [dreg:$0x0];
	s2 =	stileid.u32  }
0x33: {  	s1 =	rddreg [dreg:$0x1];
	p0 =	sne.s32 s2, $0x0  }
0x34: {  	s3 =	rddreg [dreg:$0x2];
	[bflag:$0x3] =	sbarrier.arrive $0xFFFF;
	s2 =	simm.s32 @!p0 $0x1C01  }
0x35: {  	[timem:s3], [sflag:s2] =	dma.local @!p0 [hbm:s0], s1  }
0x36: {  	s0 =	simm.s32 @!p0 $0x1  }
0x37: {  	_ =	swait.ge @!p0 [sflag:s0], s1  }
0x38: {  	s1 =	ssub.s32 @!p0 $0x0, s1;
	[sflag:s0] =	ssyncset.done @!p0 $0x0  }
0x39: {  	[sflag:s0] =	ssyncadd.s32 @!p0 s1  }
0x3a: {  	[bflag:$0x3] =	sbarrier.arrive $0xFFFF  }
0x3b: {  	_ =	shalt  }

</sc_bundles>
